<compile_context>
chip_gen: v7x
topology: tpu7x:2x2x1
jax: 0.10.2.dev20260603
libtpu: 0.0.44.dev20260713+nightly
codegen_flags: <defaults>
</compile_context>

<pallas_src>
import functools

import jax
import jax.numpy as jnp
from jax import lax
from jax.experimental import pallas as pl
from jax.experimental.pallas import tpu as pltpu
from jax.experimental.pallas import tpu_sc as plsc

B = 100
N_VAR = 10000
N_CLAUSE = 42500
NCHUNK = 10
C = N_CLAUSE // NCHUNK
C3 = C * 3
GF = C // 16
REM = C - GF * 16
ZETA = 0.001


def _sc_call(v, wgr, pk):
    info = plsc.get_sparse_core_info()
    nc, ns = info.num_cores, info.num_subcores
    nw = nc * ns

    full_rounds = B // nw
    full = full_rounds * nw
    tail = B - full
    use_split = tail > 0 and (tail & (tail - 1)) == 0
    ptail = tail if use_split else 1

    mesh = plsc.VectorSubcoreMesh(core_axis_name="c", subcore_axis_name="s")

    @functools.partial(
        pl.kernel,
        mesh=mesh,
        compiler_params=pltpu.CompilerParams(needs_layout_passes=False),
        out_type=(
            jax.ShapeDtypeStruct((B, N_VAR), jnp.float32),
            jax.ShapeDtypeStruct((ptail, NCHUNK, N_VAR), jnp.float32),
        ),
        scratch_types=[
            pltpu.VMEM((N_VAR,), jnp.float32),
            pltpu.VMEM((N_VAR,), jnp.float32),
            pltpu.VMEM((C3,), jnp.int32),
            pltpu.VMEM((C3,), jnp.int32),
            pltpu.VMEM((C,), jnp.int32),
            pltpu.VMEM((C,), jnp.int32),
            pltpu.SemaphoreType.DMA,
            pltpu.SemaphoreType.DMA,
            pltpu.SemaphoreType.DMA,
        ],
    )
    def k(v_hbm, w_hbm, pk_hbm, out_hbm, part_hbm,
          vrow, acc, pk0, pk1, w0, w1,
          sem0, sem1, semv):
        wid = lax.axis_index("s") * nc + lax.axis_index("c")
        iota = lax.iota(jnp.int32, 16)
        tail_mask = iota < REM
        himask = jnp.full((16,), -65536, jnp.int32)
        idxmask = jnp.full((16,), 0x7FFFFFFF, jnp.int32)
        sgnmask = jnp.full((16,), -2147483648, jnp.int32)

        bufs = ((pk0, w0), (pk1, w1))
        sems = (sem0, sem1)

        def issue(b, c, s):
            p_r, w_r = bufs[s]
            pltpu.async_copy(pk_hbm.at[b, c], p_r, sems[s])
            pltpu.async_copy(w_hbm.at[b, c], w_r, sems[s])

        def wait_chunk(b, s):
            p_r, w_r = bufs[s]
            pltpu.make_async_copy(pk_hbm.at[b, 0], p_r, sems[s]).wait()
            pltpu.make_async_copy(w_hbm.at[b, 0], w_r, sems[s]).wait()

        def flipsign(x, s):
            return plsc.bitcast(plsc.bitcast(x, jnp.int32) ^ s, jnp.float32)

        def process_group(s, rows, mask):
            p_r, w_r = bufs[s]
            r3 = rows * 3
            p0 = plsc.load_gather(p_r, [r3])
            p1 = plsc.load_gather(p_r, [r3 + 1])
            p2 = plsc.load_gather(p_r, [r3 + 2])
            i0 = p0 & idxmask
            i1 = p1 & idxmask
            i2 = p2 & idxmask
            s0 = p0 & sgnmask
            s1 = p1 & sgnmask
            s2 = p2 & sgnmask
            vg0 = plsc.load_gather(vrow, [i0])
            vg1 = plsc.load_gather(vrow, [i1])
            vg2 = plsc.load_gather(vrow, [i2])
            l0 = 1.0 - flipsign(vg0, s0)
            l1 = 1.0 - flipsign(vg1, s1)
            l2 = 1.0 - flipsign(vg2, s2)
            a01 = jnp.minimum(l0, l1)
            a02 = jnp.minimum(l0, l2)
            a12 = jnp.minimum(l1, l2)
            thr = jnp.minimum(a01, l2) + 1e-12
            w = plsc.load_gather(w_r, [rows])
            wg2 = plsc.bitcast(w & himask, jnp.float32)
            wr2 = plsc.bitcast(lax.shift_left(w, 16), jnp.float32)
            z = jnp.zeros((16,), jnp.float32)
            c0 = flipsign(wg2 * a12 + jnp.where(l0 <= thr, wr2 * l0, z), s0)
            c1 = flipsign(wg2 * a02 + jnp.where(l1 <= thr, wr2 * l1, z), s1)
            c2 = flipsign(wg2 * a01 + jnp.where(l2 <= thr, wr2 * l2, z), s2)
            plsc.addupdate_scatter(acc, [i0], c0, mask=mask)
            plsc.addupdate_scatter(acc, [i1], c1, mask=mask)
            plsc.addupdate_scatter(acc, [i2], c2, mask=mask)

        def process_chunk(s):
            @plsc.parallel_loop(0, GF, unroll=1)
            def grp(g):
                process_group(s, g * 16 + iota, None)
            rows = jnp.minimum(GF * 16 + iota, C - 1)
            process_group(s, rows, tail_mask)

        def zero_acc():
            @plsc.parallel_loop(0, N_VAR // 16, unroll=8)
            def zero_body(i):
                acc[pl.ds(i * 16, 16)] = jnp.zeros((16,), jnp.float32)

        def process_batch(b):
            pltpu.async_copy(v_hbm.at[b], vrow, semv)
            issue(b, 0, 0)
            zero_acc()
            pltpu.make_async_copy(v_hbm.at[b], vrow, semv).wait()

            def chunk_pair(j, carry):
                for s in (0, 1):
                    c = 2 * j + s

                    @pl.when(c + 1 < NCHUNK)
                    def _():
                        issue(b, c + 1, 1 - s)
                    wait_chunk(b, s)
                    process_chunk(s)
                return carry
            lax.fori_loop(0, NCHUNK // 2, chunk_pair, 0)

            @plsc.parallel_loop(0, N_VAR // 16, unroll=8,
                                carry=jnp.zeros((16,), jnp.float32))
            def max_body(i, mx):
                return jnp.maximum(mx, jnp.abs(acc[pl.ds(i * 16, 16)]))
            mx = max_body
            m = jnp.zeros((16,), jnp.float32) + (jnp.max(mx) + 1e-06)
            mi = plsc.bitcast(m, jnp.int32)
            seed = jnp.full((16,), 0x7EF311C3, jnp.int32)
            r = plsc.bitcast(seed - mi, jnp.float32)
            r = r * (2.0 - m * r)
            r = r * (2.0 - m * r)
            r = r * (2.0 - m * r)
            dt = jnp.clip(r, 1e-05, 0.1)

            @plsc.parallel_loop(0, N_VAR // 16, unroll=8)
            def scale_body(i):
                sl = pl.ds(i * 16, 16)
                acc[sl] = acc[sl] * dt
            pltpu.sync_copy(acc, out_hbm.at[b])

        if use_split:
            sh = tail.bit_length() - 1
            tailu = tail * NCHUNK
            for r in range(-(-tailu // nw)):
                u = wid + nw * r
                slot = r % 2

                @pl.when(u < tailu)
                def _():
                    tb = u & (tail - 1)
                    c = lax.shift_right_logical(u, sh)
                    b = full + tb
                    pltpu.async_copy(v_hbm.at[b], vrow, semv)
                    issue(b, c, slot)
                    zero_acc()
                    pltpu.make_async_copy(v_hbm.at[b], vrow, semv).wait()
                    wait_chunk(b, slot)
                    process_chunk(slot)
                    pltpu.sync_copy(acc, part_hbm.at[tb, c])

        def batch_loop(t, carry):
            b = wid + nw * t
            if use_split:
                process_batch(b)
            else:
                @pl.when(b < B)
                def _():
                    process_batch(b)
            return carry
        rounds = full_rounds if use_split else (B + nw - 1) // nw
        lax.fori_loop(0, rounds, batch_loop, 0)

    out, part = k(v, wgr, pk)
    if not use_split:
        return out

    def combine_body(p_ref, o_ref):
        g = jnp.sum(p_ref[0], axis=0, keepdims=True)
        m = jnp.max(jnp.abs(g)) + 1e-06
        dt = jnp.clip(1.0 / m, 1e-05, 0.1)
        o_ref[0] = g * dt

    tail_out = pl.pallas_call(
        combine_body,
        grid=(tail,),
        in_specs=[pl.BlockSpec((1, NCHUNK, N_VAR), lambda t: (t, 0, 0))],
        out_specs=pl.BlockSpec((1, 1, N_VAR), lambda t: (t, 0, 0)),
        out_shape=jax.ShapeDtypeStruct((tail, 1, N_VAR), jnp.float32),
    )(part)
    return jnp.concatenate([out[:full], tail_out.reshape(tail, N_VAR)], axis=0)


def kernel(v, xl, xs, clause_idx, clause_sign):
    neg = ((1 - clause_sign) // 2).astype(jnp.int32)
    pk = (clause_idx | (neg << 31)).reshape(B, NCHUNK, C3)
    wg = (0.5 * (xl * xs)).astype(jnp.bfloat16)
    wr = (0.5 * ((1.0 + ZETA * xl) * (1.0 - xs))).astype(jnp.bfloat16)
    wgu = lax.bitcast_convert_type(wg, jnp.uint16).astype(jnp.uint32)
    wru = lax.bitcast_convert_type(wr, jnp.uint16).astype(jnp.uint32)
    wgr = lax.bitcast_convert_type((wgu << 16) | wru, jnp.int32)
    return _sc_call(v, wgr.reshape(B, NCHUNK, C), pk)

# --- scband reference (transcript-rebuilt; emitter-appended) ---
"""Pipeline reference for scband-dmm-88579405512850 (READ-ONLY COPY).

The authoritative reference and input builder live on the scoring server;
editing this copy changes nothing except your own understanding.
"""

import jax, jax.numpy as jnp
import numpy as np

B, N_VAR, N_CLAUSE = 100, 10000, 42500

def setup_inputs(seed: int = 0):
    key = jax.random.key(seed)
    k1, k2, k3, k4, k5 = jax.random.split(key, 5)
    v = 2.0 * jax.random.uniform(k1, (B, N_VAR), dtype=jnp.float32) - 1.0
    xl = 1.0 + 9.0 * jax.random.uniform(k2, (B, N_CLAUSE), dtype=jnp.float32)
    xs = jax.random.uniform(k3, (B, N_CLAUSE), dtype=jnp.float32)
    clause_idx = jax.random.randint(k4, (B, N_CLAUSE, 3), 0, N_VAR)
    clause_sign = 2 * jax.random.randint(k5, (B, N_CLAUSE, 3), 0, 2) - 1
    return {"v": v, "xl": xl, "xs": xs, "clause_idx": clause_idx, "clause_sign": clause_sign}

def reference(v, xl, xs, clause_idx, clause_sign):
    # One DMM integration step (eqn_choice='sean_choice', simple=True):
    # gather v at clause literals, compute clause function C, gradient-like
    # term G, rigidity term R, weight by long/short memories (xl, xs),
    # scatter-add to per-variable dv, then per-batch adaptive dt scaling.
    zeta = 0.001
    dt_0 = 1.0
    q = clause_sign.astype(v.dtype)
    bsz = v.shape[0]
    bidx = jnp.arange(bsz)[:, None, None]
    vg = v[bidx, clause_idx]                      # gather: [B, M, 3]
    lit = 1.0 - q * vg
    lit_min = jnp.min(lit, axis=-1, keepdims=True)
    C = 0.5 * lit_min[..., 0]                     # clause function [B, M]
    l0, l1, l2 = lit[..., 0], lit[..., 1], lit[..., 2]
    min_others = jnp.stack([jnp.minimum(l1, l2), jnp.minimum(l0, l2), jnp.minimum(l0, l1)], axis=-1)
    G = 0.5 * q * min_others                      # gradient term
    is_min = lit <= lit_min + 1e-12
    R = jnp.where(is_min, 0.5 * (q - vg), 0.0)    # rigidity term
    w_g = (xl * xs)[..., None]
    w_r = ((1.0 + zeta * xl) * (1.0 - xs))[..., None]
    contrib = w_g * G + w_r * R                   # [B, M, 3]
    grad_v = jnp.zeros_like(v).at[bidx, clause_idx].add(contrib)  # scatter-add
    max_dv = jnp.max(jnp.abs(grad_v), axis=1) + 1e-06
    dt = jnp.clip(dt_0 / max_dv, 1e-05, 0.1)
    return grad_v * dt[:, None]

if __name__ == "__main__":
    import jax
    _d = setup_inputs()
    print(jax.jit(kernel)(*tuple(_d.values())))

</pallas_src>

<mosaic_0001>
#map = affine_map<(d0, d1) -> (0, 0)>
#map1 = affine_map<(d0, d1) -> (0, 0, 0)>
module attributes {stable_mosaic.version = 14 : i64} {
  func.func @k(%arg0: i32, %arg1: i32, %arg2: memref<100x10000xf32, #tpu.memory_space<hbm>>, %arg3: memref<100x10x4250xi32, #tpu.memory_space<hbm>>, %arg4: memref<100x10x12750xi32, #tpu.memory_space<hbm>>, %arg5: memref<100x10000xf32, #tpu.memory_space<hbm>>, %arg6: memref<4x10x10000xf32, #tpu.memory_space<hbm>>, %arg7: memref<10000xf32, #tpu.memory_space<vmem>>, %arg8: memref<10000xf32, #tpu.memory_space<vmem>>, %arg9: memref<12750xi32, #tpu.memory_space<vmem>>, %arg10: memref<12750xi32, #tpu.memory_space<vmem>>, %arg11: memref<4250xi32, #tpu.memory_space<vmem>>, %arg12: memref<4250xi32, #tpu.memory_space<vmem>>, %arg13: memref<!tpu.dma_semaphore, #tpu.memory_space<semaphore_mem>>, %arg14: memref<!tpu.dma_semaphore, #tpu.memory_space<semaphore_mem>>, %arg15: memref<!tpu.dma_semaphore, #tpu.memory_space<semaphore_mem>>) attributes {dimension_semantics = [#tpu.dimension_semantics<core_parallel>, #tpu.dimension_semantics<subcore_parallel>], iteration_bounds = array<i64: 2, 16>, scalar_prefetch = 0 : i64, scratch_operands = 9 : i64, tpu.core_type = #tpu.core_type<sc_vector_subcore>, window_params = [{transform_indices = #map}, {transform_indices = #map1}, {transform_indices = #map1}, {transform_indices = #map}, {transform_indices = #map1}]} {
    %mul3A = arith.constant 2 : i32
    %mul3A_0 = arith.muli %arg1, %mul3A : i32
    %add3A = arith.addi %mul3A_0, %arg0 : i32
    %iota3A = tpu.iota {dimensions = array<i32: 0>} : vector<16xi32>
    %lt3A = arith.constant 10 : i32
    %lt3A_1 = vector.broadcast %lt3A : i32 to vector<16xi32>
    %lt3A_2 = arith.cmpi slt, %iota3A, %lt3A_1 : vector<16xi32>
    %broadcast_in_dim3A = arith.constant -65536 : i32
    %broadcast_in_dim3A_3 = vector.broadcast %broadcast_in_dim3A : i32 to vector<16xi32>
    %broadcast_in_dim3A_4 = arith.constant 2147483647 : i32
    %broadcast_in_dim3A_5 = vector.broadcast %broadcast_in_dim3A_4 : i32 to vector<16xi32>
    %broadcast_in_dim3A_6 = arith.constant -2147483648 : i32
    %broadcast_in_dim3A_7 = vector.broadcast %broadcast_in_dim3A_6 : i32 to vector<16xi32>
    %add3A_8 = arith.constant 0 : i32
    %add3A_9 = arith.addi %add3A, %add3A_8 : i32
    %lt3A_10 = arith.constant 40 : i32
    %lt3A_11 = arith.cmpi slt, %add3A_9, %lt3A_10 : i32
    %convert_element_type3A = arith.extui %lt3A_11 : i1 to i32
    %cond3A = arith.constant 0 : i32
    %cond3A_12 = arith.cmpi ne, %convert_element_type3A, %cond3A : i32
    scf.if %cond3A_12 {
      %and3A = arith.constant 3 : i32
      %and3A_25 = arith.andi %add3A_9, %and3A : i32
      %shift_right_logical3A = arith.constant 2 : i32
      %shift_right_logical3A_26 = arith.shrui %add3A_9, %shift_right_logical3A : i32
      %add3A_27 = arith.constant 96 : i32
      %add3A_28 = arith.addi %add3A_27, %and3A_25 : i32
      %dma_start3A = arith.constant 0 : i32
      %dma_start3A_29 = tpu.memref_slice %arg2[%add3A_28, %dma_start3A] : memref<100x10000xf32, #tpu.memory_space<hbm>> -> memref<1x10000xf32, #tpu.memory_space<hbm>>
      %dma_start3A_30 = tpu.memref_squeeze %dma_start3A_29 : memref<1x10000xf32, #tpu.memory_space<hbm>> -> memref<10000xf32, #tpu.memory_space<hbm>>
      %dma_start3A_31 = arith.constant 0 : i32
      %dma_start3A_32 = tpu.memref_slice %arg2[%add3A_28, %dma_start3A_31] : memref<100x10000xf32, #tpu.memory_space<hbm>> -> memref<1x10000xf32, #tpu.memory_space<hbm>>
      %dma_start3A_33 = tpu.memref_squeeze %dma_start3A_32 : memref<1x10000xf32, #tpu.memory_space<hbm>> -> memref<10000xf32, #tpu.memory_space<hbm>>
      tpu.enqueue_dma source(%dma_start3A_33 : memref<10000xf32, #tpu.memory_space<hbm>>) target(%arg7 : memref<10000xf32, #tpu.memory_space<vmem>>) target_semaphore(%arg15 : memref<!tpu.dma_semaphore, #tpu.memory_space<semaphore_mem>>)
      %dma_start3A_34 = arith.constant 0 : i32
      %dma_start3A_35 = tpu.memref_slice %arg4[%add3A_28, %shift_right_logical3A_26, %dma_start3A_34] : memref<100x10x12750xi32, #tpu.memory_space<hbm>> -> memref<1x1x12750xi32, #tpu.memory_space<hbm>>
      %dma_start3A_36 = tpu.memref_squeeze %dma_start3A_35 : memref<1x1x12750xi32, #tpu.memory_space<hbm>> -> memref<12750xi32, #tpu.memory_space<hbm>>
      %dma_start3A_37 = arith.constant 0 : i32
      %dma_start3A_38 = tpu.memref_slice %arg4[%add3A_28, %shift_right_logical3A_26, %dma_start3A_37] : memref<100x10x12750xi32, #tpu.memory_space<hbm>> -> memref<1x1x12750xi32, #tpu.memory_space<hbm>>
      %dma_start3A_39 = tpu.memref_squeeze %dma_start3A_38 : memref<1x1x12750xi32, #tpu.memory_space<hbm>> -> memref<12750xi32, #tpu.memory_space<hbm>>
      tpu.enqueue_dma source(%dma_start3A_39 : memref<12750xi32, #tpu.memory_space<hbm>>) target(%arg9 : memref<12750xi32, #tpu.memory_space<vmem>>) target_semaphore(%arg13 : memref<!tpu.dma_semaphore, #tpu.memory_space<semaphore_mem>>)
      %dma_start3A_40 = arith.constant 0 : i32
      %dma_start3A_41 = tpu.memref_slice %arg3[%add3A_28, %shift_right_logical3A_26, %dma_start3A_40] : memref<100x10x4250xi32, #tpu.memory_space<hbm>> -> memref<1x1x4250xi32, #tpu.memory_space<hbm>>
      %dma_start3A_42 = tpu.memref_squeeze %dma_start3A_41 : memref<1x1x4250xi32, #tpu.memory_space<hbm>> -> memref<4250xi32, #tpu.memory_space<hbm>>
      %dma_start3A_43 = arith.constant 0 : i32
      %dma_start3A_44 = tpu.memref_slice %arg3[%add3A_28, %shift_right_logical3A_26, %dma_start3A_43] : memref<100x10x4250xi32, #tpu.memory_space<hbm>> -> memref<1x1x4250xi32, #tpu.memory_space<hbm>>
      %dma_start3A_45 = tpu.memref_squeeze %dma_start3A_44 : memref<1x1x4250xi32, #tpu.memory_space<hbm>> -> memref<4250xi32, #tpu.memory_space<hbm>>
      tpu.enqueue_dma source(%dma_start3A_45 : memref<4250xi32, #tpu.memory_space<hbm>>) target(%arg11 : memref<4250xi32, #tpu.memory_space<vmem>>) target_semaphore(%arg13 : memref<!tpu.dma_semaphore, #tpu.memory_space<semaphore_mem>>)
      %parallel_loop3A = arith.constant 0 : i32
      %parallel_loop3A_46 = arith.constant 625 : i32
      %parallel_loop3A_47 = arith.constant 1 : i32
      scf.for %parallel_loop3A_147 = %parallel_loop3A to %parallel_loop3A_46 step %parallel_loop3A_47  : i32 {
        %parallel_loop3A_148 = arith.constant 0.000000e+00 : f32
        %parallel_loop3A_149 = vector.broadcast %parallel_loop3A_148 : f32 to vector<16xf32>
        %parallel_loop3A_150 = arith.constant 16 : i32
        %parallel_loop3A_151 = arith.muli %parallel_loop3A_147, %parallel_loop3A_150 : i32
        %parallel_loop3A_152 = arith.index_cast %parallel_loop3A_151 : i32 to index
        %parallel_loop3A_153 = tpu.vector_load %arg8[%parallel_loop3A_152] {strides = array<i32>} : memref<10000xf32, #tpu.memory_space<vmem>>, vector<16xf32>,
        tpu.vector_store %arg8[%parallel_loop3A_152], %parallel_loop3A_149 {strides = array<i32>} : memref<10000xf32, #tpu.memory_space<vmem>>, vector<16xf32>,
      } {sc.loop_unroll_factor = 8 : i64, sc.parallel_access}
      %dma_wait3A = arith.constant 0 : i32
      %dma_wait3A_48 = tpu.memref_slice %arg2[%add3A_28, %dma_wait3A] : memref<100x10000xf32, #tpu.memory_space<hbm>> -> memref<1x10000xf32, #tpu.memory_space<hbm>>
      %dma_wait3A_49 = tpu.memref_squeeze %dma_wait3A_48 : memref<1x10000xf32, #tpu.memory_space<hbm>> -> memref<10000xf32, #tpu.memory_space<hbm>>
      %dma_wait3A_50 = arith.constant 0 : i32
      %dma_wait3A_51 = tpu.memref_slice %arg2[%add3A_28, %dma_wait3A_50] : memref<100x10000xf32, #tpu.memory_space<hbm>> -> memref<1x10000xf32, #tpu.memory_space<hbm>>
      %dma_wait3A_52 = tpu.memref_squeeze %dma_wait3A_51 : memref<1x10000xf32, #tpu.memory_space<hbm>> -> memref<10000xf32, #tpu.memory_space<hbm>>
      tpu.wait_dma2 semaphore(%arg15 : memref<!tpu.dma_semaphore, #tpu.memory_space<semaphore_mem>>) src(%dma_wait3A_52 : memref<10000xf32, #tpu.memory_space<hbm>>) dst(%arg7 : memref<10000xf32, #tpu.memory_space<vmem>>)
      %dma_wait3A_53 = arith.constant 0 : i32
      %dma_wait3A_54 = arith.constant 0 : i32
      %dma_wait3A_55 = tpu.memref_slice %arg4[%add3A_28, %dma_wait3A_53, %dma_wait3A_54] : memref<100x10x12750xi32, #tpu.memory_space<hbm>> -> memref<1x1x12750xi32, #tpu.memory_space<hbm>>
      %dma_wait3A_56 = tpu.memref_squeeze %dma_wait3A_55 : memref<1x1x12750xi32, #tpu.memory_space<hbm>> -> memref<12750xi32, #tpu.memory_space<hbm>>
      %dma_wait3A_57 = arith.constant 0 : i32
      %dma_wait3A_58 = tpu.memref_slice %arg4[%add3A_28, %dma_wait3A_53, %dma_wait3A_57] : memref<100x10x12750xi32, #tpu.memory_space<hbm>> -> memref<1x1x12750xi32, #tpu.memory_space<hbm>>
      %dma_wait3A_59 = tpu.memref_squeeze %dma_wait3A_58 : memref<1x1x12750xi32, #tpu.memory_space<hbm>> -> memref<12750xi32, #tpu.memory_space<hbm>>
      tpu.wait_dma2 semaphore(%arg13 : memref<!tpu.dma_semaphore, #tpu.memory_space<semaphore_mem>>) src(%dma_wait3A_59 : memref<12750xi32, #tpu.memory_space<hbm>>) dst(%arg9 : memref<12750xi32, #tpu.memory_space<vmem>>)
      %dma_wait3A_60 = arith.constant 0 : i32
      %dma_wait3A_61 = arith.constant 0 : i32
      %dma_wait3A_62 = tpu.memref_slice %arg3[%add3A_28, %dma_wait3A_60, %dma_wait3A_61] : memref<100x10x4250xi32, #tpu.memory_space<hbm>> -> memref<1x1x4250xi32, #tpu.memory_space<hbm>>
      %dma_wait3A_63 = tpu.memref_squeeze %dma_wait3A_62 : memref<1x1x4250xi32, #tpu.memory_space<hbm>> -> memref<4250xi32, #tpu.memory_space<hbm>>
      %dma_wait3A_64 = arith.constant 0 : i32
      %dma_wait3A_65 = tpu.memref_slice %arg3[%add3A_28, %dma_wait3A_60, %dma_wait3A_64] : memref<100x10x4250xi32, #tpu.memory_space<hbm>> -> memref<1x1x4250xi32, #tpu.memory_space<hbm>>
      %dma_wait3A_66 = tpu.memref_squeeze %dma_wait3A_65 : memref<1x1x4250xi32, #tpu.memory_space<hbm>> -> memref<4250xi32, #tpu.memory_space<hbm>>
      tpu.wait_dma2 semaphore(%arg13 : memref<!tpu.dma_semaphore, #tpu.memory_space<semaphore_mem>>) src(%dma_wait3A_66 : memref<4250xi32, #tpu.memory_space<hbm>>) dst(%arg11 : memref<4250xi32, #tpu.memory_space<vmem>>)
      %parallel_loop3A_67 = arith.constant 0 : i32
      %parallel_loop3A_68 = arith.constant 265 : i32
      %parallel_loop3A_69 = arith.constant 1 : i32
      scf.for %parallel_loop3A_147 = %parallel_loop3A_67 to %parallel_loop3A_68 step %parallel_loop3A_69  : i32 {
        %parallel_loop3A_148 = arith.constant 16 : i32
        %parallel_loop3A_149 = arith.muli %parallel_loop3A_147, %parallel_loop3A_148 : i32
        %parallel_loop3A_150 = vector.broadcast %parallel_loop3A_149 : i32 to vector<16xi32>
        %parallel_loop3A_151 = arith.addi %parallel_loop3A_150, %iota3A : vector<16xi32>
        %parallel_loop3A_152 = arith.constant 3 : i32
        %parallel_loop3A_153 = vector.broadcast %parallel_loop3A_152 : i32 to vector<16xi32>
        %parallel_loop3A_154 = arith.muli %parallel_loop3A_151, %parallel_loop3A_153 : vector<16xi32>
        %parallel_loop3A_155 = tpu.vector_load_idx %arg9[%parallel_loop3A_154] : memref<12750xi32, #tpu.memory_space<vmem>>[vector<16xi32>], vector<16xi32>,
        %parallel_loop3A_156 = arith.constant 1 : i32
        %parallel_loop3A_157 = vector.broadcast %parallel_loop3A_156 : i32 to vector<16xi32>
        %parallel_loop3A_158 = arith.addi %parallel_loop3A_154, %parallel_loop3A_157 : vector<16xi32>
        %parallel_loop3A_159 = tpu.vector_load_idx %arg9[%parallel_loop3A_158] : memref<12750xi32, #tpu.memory_space<vmem>>[vector<16xi32>], vector<16xi32>,
        %parallel_loop3A_160 = arith.constant 2 : i32
        %parallel_loop3A_161 = vector.broadcast %parallel_loop3A_160 : i32 to vector<16xi32>
        %parallel_loop3A_162 = arith.addi %parallel_loop3A_154, %parallel_loop3A_161 : vector<16xi32>
        %parallel_loop3A_163 = tpu.vector_load_idx %arg9[%parallel_loop3A_162] : memref<12750xi32, #tpu.memory_space<vmem>>[vector<16xi32>], vector<16xi32>,
        %parallel_loop3A_164 = arith.andi %parallel_loop3A_155, %broadcast_in_dim3A_5 : vector<16xi32>
        %parallel_loop3A_165 = arith.andi %parallel_loop3A_159, %broadcast_in_dim3A_5 : vector<16xi32>
        %parallel_loop3A_166 = arith.andi %parallel_loop3A_163, %broadcast_in_dim3A_5 : vector<16xi32>
        %parallel_loop3A_167 = arith.andi %parallel_loop3A_155, %broadcast_in_dim3A_7 : vector<16xi32>
        %parallel_loop3A_168 = arith.andi %parallel_loop3A_159, %broadcast_in_dim3A_7 : vector<16xi32>
        %parallel_loop3A_169 = arith.andi %parallel_loop3A_163, %broadcast_in_dim3A_7 : vector<16xi32>
        %parallel_loop3A_170 = tpu.vector_load_idx %arg7[%parallel_loop3A_164] : memref<10000xf32, #tpu.memory_space<vmem>>[vector<16xi32>], vector<16xf32>,
        %parallel_loop3A_171 = tpu.vector_load_idx %arg7[%parallel_loop3A_165] : memref<10000xf32, #tpu.memory_space<vmem>>[vector<16xi32>], vector<16xf32>,
        %parallel_loop3A_172 = tpu.vector_load_idx %arg7[%parallel_loop3A_166] : memref<10000xf32, #tpu.memory_space<vmem>>[vector<16xi32>], vector<16xf32>,
        %parallel_loop3A_173 = vector.bitcast %parallel_loop3A_170 : vector<16xf32> to vector<16xi32>
        %parallel_loop3A_174 = arith.xori %parallel_loop3A_173, %parallel_loop3A_167 : vector<16xi32>
        %parallel_loop3A_175 = vector.bitcast %parallel_loop3A_174 : vector<16xi32> to vector<16xf32>
        %parallel_loop3A_176 = arith.constant 1.000000e+00 : f32
        %parallel_loop3A_177 = vector.broadcast %parallel_loop3A_176 : f32 to vector<16xf32>
        %parallel_loop3A_178 = arith.subf %parallel_loop3A_177, %parallel_loop3A_175 : vector<16xf32>
        %parallel_loop3A_179 = vector.bitcast %parallel_loop3A_171 : vector<16xf32> to vector<16xi32>
        %parallel_loop3A_180 = arith.xori %parallel_loop3A_179, %parallel_loop3A_168 : vector<16xi32>
        %parallel_loop3A_181 = vector.bitcast %parallel_loop3A_180 : vector<16xi32> to vector<16xf32>
        %parallel_loop3A_182 = arith.constant 1.000000e+00 : f32
        %parallel_loop3A_183 = vector.broadcast %parallel_loop3A_182 : f32 to vector<16xf32>
        %parallel_loop3A_184 = arith.subf %parallel_loop3A_183, %parallel_loop3A_181 : vector<16xf32>
        %parallel_loop3A_185 = vector.bitcast %parallel_loop3A_172 : vector<16xf32> to vector<16xi32>
        %parallel_loop3A_186 = arith.xori %parallel_loop3A_185, %parallel_loop3A_169 : vector<16xi32>
        %parallel_loop3A_187 = vector.bitcast %parallel_loop3A_186 : vector<16xi32> to vector<16xf32>
        %parallel_loop3A_188 = arith.constant 1.000000e+00 : f32
        %parallel_loop3A_189 = vector.broadcast %parallel_loop3A_188 : f32 to vector<16xf32>
        %parallel_loop3A_190 = arith.subf %parallel_loop3A_189, %parallel_loop3A_187 : vector<16xf32>
        %parallel_loop3A_191 = arith.minimumf %parallel_loop3A_178, %parallel_loop3A_184 : vector<16xf32>
        %parallel_loop3A_192 = arith.minimumf %parallel_loop3A_178, %parallel_loop3A_190 : vector<16xf32>
        %parallel_loop3A_193 = arith.minimumf %parallel_loop3A_184, %parallel_loop3A_190 : vector<16xf32>
        %parallel_loop3A_194 = arith.minimumf %parallel_loop3A_191, %parallel_loop3A_190 : vector<16xf32>
        %parallel_loop3A_195 = arith.constant 9.99999996E-13 : f32
        %parallel_loop3A_196 = vector.broadcast %parallel_loop3A_195 : f32 to vector<16xf32>
        %parallel_loop3A_197 = arith.addf %parallel_loop3A_194, %parallel_loop3A_196 : vector<16xf32>
        %parallel_loop3A_198 = tpu.vector_load_idx %arg11[%parallel_loop3A_151] : memref<4250xi32, #tpu.memory_space<vmem>>[vector<16xi32>], vector<16xi32>,
        %parallel_loop3A_199 = arith.andi %parallel_loop3A_198, %broadcast_in_dim3A_3 : vector<16xi32>
        %parallel_loop3A_200 = vector.bitcast %parallel_loop3A_199 : vector<16xi32> to vector<16xf32>
        %parallel_loop3A_201 = arith.constant 16 : i32
        %parallel_loop3A_202 = vector.broadcast %parallel_loop3A_201 : i32 to vector<16xi32>
        %parallel_loop3A_203 = arith.shli %parallel_loop3A_198, %parallel_loop3A_202 : vector<16xi32>
        %parallel_loop3A_204 = vector.bitcast %parallel_loop3A_203 : vector<16xi32> to vector<16xf32>
        %parallel_loop3A_205 = arith.constant 0.000000e+00 : f32
        %parallel_loop3A_206 = vector.broadcast %parallel_loop3A_205 : f32 to vector<16xf32>
        %parallel_loop3A_207 = arith.mulf %parallel_loop3A_200, %parallel_loop3A_193 : vector<16xf32>
        %parallel_loop3A_208 = arith.cmpf ole, %parallel_loop3A_178, %parallel_loop3A_197 : vector<16xf32>
        %parallel_loop3A_209 = arith.mulf %parallel_loop3A_204, %parallel_loop3A_178 : vector<16xf32>
        %parallel_loop3A_210 = arith.select %parallel_loop3A_208, %parallel_loop3A_209, %parallel_loop3A_206 : vector<16xi1>, vector<16xf32>
        %parallel_loop3A_211 = arith.addf %parallel_loop3A_207, %parallel_loop3A_210 : vector<16xf32>
        %parallel_loop3A_212 = vector.bitcast %parallel_loop3A_211 : vector<16xf32> to vector<16xi32>
        %parallel_loop3A_213 = arith.xori %parallel_loop3A_212, %parallel_loop3A_167 : vector<16xi32>
        %parallel_loop3A_214 = vector.bitcast %parallel_loop3A_213 : vector<16xi32> to vector<16xf32>
        %parallel_loop3A_215 = arith.mulf %parallel_loop3A_200, %parallel_loop3A_192 : vector<16xf32>
        %parallel_loop3A_216 = arith.cmpf ole, %parallel_loop3A_184, %parallel_loop3A_197 : vector<16xf32>
        %parallel_loop3A_217 = arith.mulf %parallel_loop3A_204, %parallel_loop3A_184 : vector<16xf32>
        %parallel_loop3A_218 = arith.select %parallel_loop3A_216, %parallel_loop3A_217, %parallel_loop3A_206 : vector<16xi1>, vector<16xf32>
        %parallel_loop3A_219 = arith.addf %parallel_loop3A_215, %parallel_loop3A_218 : vector<16xf32>
        %parallel_loop3A_220 = vector.bitcast %parallel_loop3A_219 : vector<16xf32> to vector<16xi32>
        %parallel_loop3A_221 = arith.xori %parallel_loop3A_220, %parallel_loop3A_168 : vector<16xi32>
        %parallel_loop3A_222 = vector.bitcast %parallel_loop3A_221 : vector<16xi32> to vector<16xf32>
        %parallel_loop3A_223 = arith.mulf %parallel_loop3A_200, %parallel_loop3A_191 : vector<16xf32>
        %parallel_loop3A_224 = arith.cmpf ole, %parallel_loop3A_190, %parallel_loop3A_197 : vector<16xf32>
        %parallel_loop3A_225 = arith.mulf %parallel_loop3A_204, %parallel_loop3A_190 : vector<16xf32>
        %parallel_loop3A_226 = arith.select %parallel_loop3A_224, %parallel_loop3A_225, %parallel_loop3A_206 : vector<16xi1>, vector<16xf32>
        %parallel_loop3A_227 = arith.addf %parallel_loop3A_223, %parallel_loop3A_226 : vector<16xf32>
        %parallel_loop3A_228 = vector.bitcast %parallel_loop3A_227 : vector<16xf32> to vector<16xi32>
        %parallel_loop3A_229 = arith.xori %parallel_loop3A_228, %parallel_loop3A_169 : vector<16xi32>
        %parallel_loop3A_230 = vector.bitcast %parallel_loop3A_229 : vector<16xi32> to vector<16xf32>
        tpu.vector_store_idx %arg8[%parallel_loop3A_164], %parallel_loop3A_214 {add = true} : memref<10000xf32, #tpu.memory_space<vmem>>[vector<16xi32>], vector<16xf32>,
        tpu.vector_store_idx %arg8[%parallel_loop3A_165], %parallel_loop3A_222 {add = true} : memref<10000xf32, #tpu.memory_space<vmem>>[vector<16xi32>], vector<16xf32>,
        tpu.vector_store_idx %arg8[%parallel_loop3A_166], %parallel_loop3A_230 {add = true} : memref<10000xf32, #tpu.memory_space<vmem>>[vector<16xi32>], vector<16xf32>,
      } {sc.loop_unroll_factor = 1 : i64, sc.parallel_access}
      %add3A_70 = arith.constant 4240 : i32
      %add3A_71 = vector.broadcast %add3A_70 : i32 to vector<16xi32>
      %add3A_72 = arith.addi %add3A_71, %iota3A : vector<16xi32>
      %min3A = arith.constant 4249 : i32
      %min3A_73 = vector.broadcast %min3A : i32 to vector<16xi32>
      %min3A_74 = arith.minsi %add3A_72, %min3A_73 : vector<16xi32>
      %mul3A_75 = arith.constant 3 : i32
      %mul3A_76 = vector.broadcast %mul3A_75 : i32 to vector<16xi32>
      %mul3A_77 = arith.muli %min3A_74, %mul3A_76 : vector<16xi32>
      %gather3A = tpu.vector_load_idx %arg9[%mul3A_77] : memref<12750xi32, #tpu.memory_space<vmem>>[vector<16xi32>], vector<16xi32>,
      %add3A_78 = arith.constant 1 : i32
      %add3A_79 = vector.broadcast %add3A_78 : i32 to vector<16xi32>
      %add3A_80 = arith.addi %mul3A_77, %add3A_79 : vector<16xi32>
      %gather3A_81 = tpu.vector_load_idx %arg9[%add3A_80] : memref<12750xi32, #tpu.memory_space<vmem>>[vector<16xi32>], vector<16xi32>,
      %add3A_82 = arith.constant 2 : i32
      %add3A_83 = vector.broadcast %add3A_82 : i32 to vector<16xi32>
      %add3A_84 = arith.addi %mul3A_77, %add3A_83 : vector<16xi32>
      %gather3A_85 = tpu.vector_load_idx %arg9[%add3A_84] : memref<12750xi32, #tpu.memory_space<vmem>>[vector<16xi32>], vector<16xi32>,
      %and3A_86 = arith.andi %gather3A, %broadcast_in_dim3A_5 : vector<16xi32>
      %and3A_87 = arith.andi %gather3A_81, %broadcast_in_dim3A_5 : vector<16xi32>
      %and3A_88 = arith.andi %gather3A_85, %broadcast_in_dim3A_5 : vector<16xi32>
      %and3A_89 = arith.andi %gather3A, %broadcast_in_dim3A_7 : vector<16xi32>
      %and3A_90 = arith.andi %gather3A_81, %broadcast_in_dim3A_7 : vector<16xi32>
      %and3A_91 = arith.andi %gather3A_85, %broadcast_in_dim3A_7 : vector<16xi32>
      %gather3A_92 = tpu.vector_load_idx %arg7[%and3A_86] : memref<10000xf32, #tpu.memory_space<vmem>>[vector<16xi32>], vector<16xf32>,
      %gather3A_93 = tpu.vector_load_idx %arg7[%and3A_87] : memref<10000xf32, #tpu.memory_space<vmem>>[vector<16xi32>], vector<16xf32>,
      %gather3A_94 = tpu.vector_load_idx %arg7[%and3A_88] : memref<10000xf32, #tpu.memory_space<vmem>>[vector<16xi32>], vector<16xf32>,
      %bitcast3A = vector.bitcast %gather3A_92 : vector<16xf32> to vector<16xi32>
      %xor3A = arith.xori %bitcast3A, %and3A_89 : vector<16xi32>
      %bitcast3A_95 = vector.bitcast %xor3A : vector<16xi32> to vector<16xf32>
      %sub3A = arith.constant 1.000000e+00 : f32
      %sub3A_96 = vector.broadcast %sub3A : f32 to vector<16xf32>
      %sub3A_97 = arith.subf %sub3A_96, %bitcast3A_95 : vector<16xf32>
      %bitcast3A_98 = vector.bitcast %gather3A_93 : vector<16xf32> to vector<16xi32>
      %xor3A_99 = arith.xori %bitcast3A_98, %and3A_90 : vector<16xi32>
      %bitcast3A_100 = vector.bitcast %xor3A_99 : vector<16xi32> to vector<16xf32>
      %sub3A_101 = arith.constant 1.000000e+00 : f32
      %sub3A_102 = vector.broadcast %sub3A_101 : f32 to vector<16xf32>
      %sub3A_103 = arith.subf %sub3A_102, %bitcast3A_100 : vector<16xf32>
      %bitcast3A_104 = vector.bitcast %gather3A_94 : vector<16xf32> to vector<16xi32>
      %xor3A_105 = arith.xori %bitcast3A_104, %and3A_91 : vector<16xi32>
      %bitcast3A_106 = vector.bitcast %xor3A_105 : vector<16xi32> to vector<16xf32>
      %sub3A_107 = arith.constant 1.000000e+00 : f32
      %sub3A_108 = vector.broadcast %sub3A_107 : f32 to vector<16xf32>
      %sub3A_109 = arith.subf %sub3A_108, %bitcast3A_106 : vector<16xf32>
      %min3A_110 = arith.minimumf %sub3A_97, %sub3A_103 : vector<16xf32>
      %min3A_111 = arith.minimumf %sub3A_97, %sub3A_109 : vector<16xf32>
      %min3A_112 = arith.minimumf %sub3A_103, %sub3A_109 : vector<16xf32>
      %min3A_113 = arith.minimumf %min3A_110, %sub3A_109 : vector<16xf32>
      %add3A_114 = arith.constant 9.99999996E-13 : f32
      %add3A_115 = vector.broadcast %add3A_114 : f32 to vector<16xf32>
      %add3A_116 = arith.addf %min3A_113, %add3A_115 : vector<16xf32>
      %gather3A_117 = tpu.vector_load_idx %arg11[%min3A_74] : memref<4250xi32, #tpu.memory_space<vmem>>[vector<16xi32>], vector<16xi32>,
      %and3A_118 = arith.andi %gather3A_117, %broadcast_in_dim3A_3 : vector<16xi32>
      %bitcast3A_119 = vector.bitcast %and3A_118 : vector<16xi32> to vector<16xf32>
      %shift_left3A = arith.constant 16 : i32
      %shift_left3A_120 = vector.broadcast %shift_left3A : i32 to vector<16xi32>
      %shift_left3A_121 = arith.shli %gather3A_117, %shift_left3A_120 : vector<16xi32>
      %bitcast3A_122 = vector.bitcast %shift_left3A_121 : vector<16xi32> to vector<16xf32>
      %broadcast_in_dim3A_123 = arith.constant 0.000000e+00 : f32
      %broadcast_in_dim3A_124 = vector.broadcast %broadcast_in_dim3A_123 : f32 to vector<16xf32>
      %mul3A_125 = arith.mulf %bitcast3A_119, %min3A_112 : vector<16xf32>
      %le3A = arith.cmpf ole, %sub3A_97, %add3A_116 : vector<16xf32>
      %mul3A_126 = arith.mulf %bitcast3A_122, %sub3A_97 : vector<16xf32>
      %select_n3A = arith.select %le3A, %mul3A_126, %broadcast_in_dim3A_124 : vector<16xi1>, vector<16xf32>
      %add3A_127 = arith.addf %mul3A_125, %select_n3A : vector<16xf32>
      %bitcast3A_128 = vector.bitcast %add3A_127 : vector<16xf32> to vector<16xi32>
      %xor3A_129 = arith.xori %bitcast3A_128, %and3A_89 : vector<16xi32>
      %bitcast3A_130 = vector.bitcast %xor3A_129 : vector<16xi32> to vector<16xf32>
      %mul3A_131 = arith.mulf %bitcast3A_119, %min3A_111 : vector<16xf32>
      %le3A_132 = arith.cmpf ole, %sub3A_103, %add3A_116 : vector<16xf32>
      %mul3A_133 = arith.mulf %bitcast3A_122, %sub3A_103 : vector<16xf32>
      %select_n3A_134 = arith.select %le3A_132, %mul3A_133, %broadcast_in_dim3A_124 : vector<16xi1>, vector<16xf32>
      %add3A_135 = arith.addf %mul3A_131, %select_n3A_134 : vector<16xf32>
      %bitcast3A_136 = vector.bitcast %add3A_135 : vector<16xf32> to vector<16xi32>
      %xor3A_137 = arith.xori %bitcast3A_136, %and3A_90 : vector<16xi32>
      %bitcast3A_138 = vector.bitcast %xor3A_137 : vector<16xi32> to vector<16xf32>
      %mul3A_139 = arith.mulf %bitcast3A_119, %min3A_110 : vector<16xf32>
      %le3A_140 = arith.cmpf ole, %sub3A_109, %add3A_116 : vector<16xf32>
      %mul3A_141 = arith.mulf %bitcast3A_122, %sub3A_109 : vector<16xf32>
      %select_n3A_142 = arith.select %le3A_140, %mul3A_141, %broadcast_in_dim3A_124 : vector<16xi1>, vector<16xf32>
      %add3A_143 = arith.addf %mul3A_139, %select_n3A_142 : vector<16xf32>
      %bitcast3A_144 = vector.bitcast %add3A_143 : vector<16xf32> to vector<16xi32>
      %xor3A_145 = arith.xori %bitcast3A_144, %and3A_91 : vector<16xi32>
      %bitcast3A_146 = vector.bitcast %xor3A_145 : vector<16xi32> to vector<16xf32>
      tpu.vector_store_idx %arg8[%and3A_86], %bitcast3A_130 masked %lt3A_2 {add = true} : memref<10000xf32, #tpu.memory_space<vmem>>[vector<16xi32>], vector<16xf32>, vector<16xi1>
      tpu.vector_store_idx %arg8[%and3A_87], %bitcast3A_138 masked %lt3A_2 {add = true} : memref<10000xf32, #tpu.memory_space<vmem>>[vector<16xi32>], vector<16xf32>, vector<16xi1>
      tpu.vector_store_idx %arg8[%and3A_88], %bitcast3A_146 masked %lt3A_2 {add = true} : memref<10000xf32, #tpu.memory_space<vmem>>[vector<16xi32>], vector<16xf32>, vector<16xi1>
      "tpu.region"() ({
        %run_scoped3A = tpu.sem_alloc : memref<!tpu.dma_semaphore, #tpu.memory_space<semaphore_mem>>
        %dma_start3A_147 = arith.constant 0 : i32
        %dma_start3A_148 = tpu.memref_slice %arg6[%and3A_25, %shift_right_logical3A_26, %dma_start3A_147] : memref<4x10x10000xf32, #tpu.memory_space<hbm>> -> memref<1x1x10000xf32, #tpu.memory_space<hbm>>
        %dma_start3A_149 = tpu.memref_squeeze %dma_start3A_148 : memref<1x1x10000xf32, #tpu.memory_space<hbm>> -> memref<10000xf32, #tpu.memory_space<hbm>>
        %dma_start3A_150 = arith.constant 0 : i32
        %dma_start3A_151 = tpu.memref_slice %arg6[%and3A_25, %shift_right_logical3A_26, %dma_start3A_150] : memref<4x10x10000xf32, #tpu.memory_space<hbm>> -> memref<1x1x10000xf32, #tpu.memory_space<hbm>>
        %dma_start3A_152 = tpu.memref_squeeze %dma_start3A_151 : memref<1x1x10000xf32, #tpu.memory_space<hbm>> -> memref<10000xf32, #tpu.memory_space<hbm>>
        tpu.enqueue_dma source(%arg8 : memref<10000xf32, #tpu.memory_space<vmem>>) target(%dma_start3A_152 : memref<10000xf32, #tpu.memory_space<hbm>>) target_semaphore(%run_scoped3A : memref<!tpu.dma_semaphore, #tpu.memory_space<semaphore_mem>>)
        %dma_wait3A_153 = arith.constant 0 : i32
        %dma_wait3A_154 = tpu.memref_slice %arg6[%and3A_25, %shift_right_logical3A_26, %dma_wait3A_153] : memref<4x10x10000xf32, #tpu.memory_space<hbm>> -> memref<1x1x10000xf32, #tpu.memory_space<hbm>>
        %dma_wait3A_155 = tpu.memref_squeeze %dma_wait3A_154 : memref<1x1x10000xf32, #tpu.memory_space<hbm>> -> memref<10000xf32, #tpu.memory_space<hbm>>
        %dma_wait3A_156 = arith.constant 0 : i32
        %dma_wait3A_157 = tpu.memref_slice %arg6[%and3A_25, %shift_right_logical3A_26, %dma_wait3A_156] : memref<4x10x10000xf32, #tpu.memory_space<hbm>> -> memref<1x1x10000xf32, #tpu.memory_space<hbm>>
        %dma_wait3A_158 = tpu.memref_squeeze %dma_wait3A_157 : memref<1x1x10000xf32, #tpu.memory_space<hbm>> -> memref<10000xf32, #tpu.memory_space<hbm>>
        tpu.wait_dma2 semaphore(%run_scoped3A : memref<!tpu.dma_semaphore, #tpu.memory_space<semaphore_mem>>) src(%arg8 : memref<10000xf32, #tpu.memory_space<vmem>>) dst(%dma_wait3A_158 : memref<10000xf32, #tpu.memory_space<hbm>>)
        tpu.yield
      }) : () -> ()
    } else {
    }
    %add3A_13 = arith.constant 32 : i32
    %add3A_14 = arith.addi %add3A, %add3A_13 : i32
    %lt3A_15 = arith.constant 40 : i32
    %lt3A_16 = arith.cmpi slt, %add3A_14, %lt3A_15 : i32
    %convert_element_type3A_17 = arith.extui %lt3A_16 : i1 to i32
    %cond3A_18 = arith.constant 0 : i32
    %cond3A_19 = arith.cmpi ne, %convert_element_type3A_17, %cond3A_18 : i32
    scf.if %cond3A_19 {
      %and3A = arith.constant 3 : i32
      %and3A_25 = arith.andi %add3A_14, %and3A : i32
      %shift_right_logical3A = arith.constant 2 : i32
      %shift_right_logical3A_26 = arith.shrui %add3A_14, %shift_right_logical3A : i32
      %add3A_27 = arith.constant 96 : i32
      %add3A_28 = arith.addi %add3A_27, %and3A_25 : i32
      %dma_start3A = arith.constant 0 : i32
      %dma_start3A_29 = tpu.memref_slice %arg2[%add3A_28, %dma_start3A] : memref<100x10000xf32, #tpu.memory_space<hbm>> -> memref<1x10000xf32, #tpu.memory_space<hbm>>
      %dma_start3A_30 = tpu.memref_squeeze %dma_start3A_29 : memref<1x10000xf32, #tpu.memory_space<hbm>> -> memref<10000xf32, #tpu.memory_space<hbm>>
      %dma_start3A_31 = arith.constant 0 : i32
      %dma_start3A_32 = tpu.memref_slice %arg2[%add3A_28, %dma_start3A_31] : memref<100x10000xf32, #tpu.memory_space<hbm>> -> memref<1x10000xf32, #tpu.memory_space<hbm>>
      %dma_start3A_33 = tpu.memref_squeeze %dma_start3A_32 : memref<1x10000xf32, #tpu.memory_space<hbm>> -> memref<10000xf32, #tpu.memory_space<hbm>>
      tpu.enqueue_dma source(%dma_start3A_33 : memref<10000xf32, #tpu.memory_space<hbm>>) target(%arg7 : memref<10000xf32, #tpu.memory_space<vmem>>) target_semaphore(%arg15 : memref<!tpu.dma_semaphore, #tpu.memory_space<semaphore_mem>>)
      %dma_start3A_34 = arith.constant 0 : i32
      %dma_start3A_35 = tpu.memref_slice %arg4[%add3A_28, %shift_right_logical3A_26, %dma_start3A_34] : memref<100x10x12750xi32, #tpu.memory_space<hbm>> -> memref<1x1x12750xi32, #tpu.memory_space<hbm>>
      %dma_start3A_36 = tpu.memref_squeeze %dma_start3A_35 : memref<1x1x12750xi32, #tpu.memory_space<hbm>> -> memref<12750xi32, #tpu.memory_space<hbm>>
      %dma_start3A_37 = arith.constant 0 : i32
      %dma_start3A_38 = tpu.memref_slice %arg4[%add3A_28, %shift_right_logical3A_26, %dma_start3A_37] : memref<100x10x12750xi32, #tpu.memory_space<hbm>> -> memref<1x1x12750xi32, #tpu.memory_space<hbm>>
      %dma_start3A_39 = tpu.memref_squeeze %dma_start3A_38 : memref<1x1x12750xi32, #tpu.memory_space<hbm>> -> memref<12750xi32, #tpu.memory_space<hbm>>
      tpu.enqueue_dma source(%dma_start3A_39 : memref<12750xi32, #tpu.memory_space<hbm>>) target(%arg10 : memref<12750xi32, #tpu.memory_space<vmem>>) target_semaphore(%arg14 : memref<!tpu.dma_semaphore, #tpu.memory_space<semaphore_mem>>)
      %dma_start3A_40 = arith.constant 0 : i32
      %dma_start3A_41 = tpu.memref_slice %arg3[%add3A_28, %shift_right_logical3A_26, %dma_start3A_40] : memref<100x10x4250xi32, #tpu.memory_space<hbm>> -> memref<1x1x4250xi32, #tpu.memory_space<hbm>>
      %dma_start3A_42 = tpu.memref_squeeze %dma_start3A_41 : memref<1x1x4250xi32, #tpu.memory_space<hbm>> -> memref<4250xi32, #tpu.memory_space<hbm>>
      %dma_start3A_43 = arith.constant 0 : i32
      %dma_start3A_44 = tpu.memref_slice %arg3[%add3A_28, %shift_right_logical3A_26, %dma_start3A_43] : memref<100x10x4250xi32, #tpu.memory_space<hbm>> -> memref<1x1x4250xi32, #tpu.memory_space<hbm>>
      %dma_start3A_45 = tpu.memref_squeeze %dma_start3A_44 : memref<1x1x4250xi32, #tpu.memory_space<hbm>> -> memref<4250xi32, #tpu.memory_space<hbm>>
      tpu.enqueue_dma source(%dma_start3A_45 : memref<4250xi32, #tpu.memory_space<hbm>>) target(%arg12 : memref<4250xi32, #tpu.memory_space<vmem>>) target_semaphore(%arg14 : memref<!tpu.dma_semaphore, #tpu.memory_space<semaphore_mem>>)
      %parallel_loop3A = arith.constant 0 : i32
      %parallel_loop3A_46 = arith.constant 625 : i32
      %parallel_loop3A_47 = arith.constant 1 : i32
      scf.for %parallel_loop3A_147 = %parallel_loop3A to %parallel_loop3A_46 step %parallel_loop3A_47  : i32 {
        %parallel_loop3A_148 = arith.constant 0.000000e+00 : f32
        %parallel_loop3A_149 = vector.broadcast %parallel_loop3A_148 : f32 to vector<16xf32>
        %parallel_loop3A_150 = arith.constant 16 : i32
        %parallel_loop3A_151 = arith.muli %parallel_loop3A_147, %parallel_loop3A_150 : i32
        %parallel_loop3A_152 = arith.index_cast %parallel_loop3A_151 : i32 to index
        %parallel_loop3A_153 = tpu.vector_load %arg8[%parallel_loop3A_152] {strides = array<i32>} : memref<10000xf32, #tpu.memory_space<vmem>>, vector<16xf32>,
        tpu.vector_store %arg8[%parallel_loop3A_152], %parallel_loop3A_149 {strides = array<i32>} : memref<10000xf32, #tpu.memory_space<vmem>>, vector<16xf32>,
      } {sc.loop_unroll_factor = 8 : i64, sc.parallel_access}
      %dma_wait3A = arith.constant 0 : i32
      %dma_wait3A_48 = tpu.memref_slice %arg2[%add3A_28, %dma_wait3A] : memref<100x10000xf32, #tpu.memory_space<hbm>> -> memref<1x10000xf32, #tpu.memory_space<hbm>>
      %dma_wait3A_49 = tpu.memref_squeeze %dma_wait3A_48 : memref<1x10000xf32, #tpu.memory_space<hbm>> -> memref<10000xf32, #tpu.memory_space<hbm>>
      %dma_wait3A_50 = arith.constant 0 : i32
      %dma_wait3A_51 = tpu.memref_slice %arg2[%add3A_28, %dma_wait3A_50] : memref<100x10000xf32, #tpu.memory_space<hbm>> -> memref<1x10000xf32, #tpu.memory_space<hbm>>
      %dma_wait3A_52 = tpu.memref_squeeze %dma_wait3A_51 : memref<1x10000xf32, #tpu.memory_space<hbm>> -> memref<10000xf32, #tpu.memory_space<hbm>>
      tpu.wait_dma2 semaphore(%arg15 : memref<!tpu.dma_semaphore, #tpu.memory_space<semaphore_mem>>) src(%dma_wait3A_52 : memref<10000xf32, #tpu.memory_space<hbm>>) dst(%arg7 : memref<10000xf32, #tpu.memory_space<vmem>>)
      %dma_wait3A_53 = arith.constant 0 : i32
      %dma_wait3A_54 = arith.constant 0 : i32
      %dma_wait3A_55 = tpu.memref_slice %arg4[%add3A_28, %dma_wait3A_53, %dma_wait3A_54] : memref<100x10x12750xi32, #tpu.memory_space<hbm>> -> memref<1x1x12750xi32, #tpu.memory_space<hbm>>
      %dma_wait3A_56 = tpu.memref_squeeze %dma_wait3A_55 : memref<1x1x12750xi32, #tpu.memory_space<hbm>> -> memref<12750xi32, #tpu.memory_space<hbm>>
      %dma_wait3A_57 = arith.constant 0 : i32
      %dma_wait3A_58 = tpu.memref_slice %arg4[%add3A_28, %dma_wait3A_53, %dma_wait3A_57] : memref<100x10x12750xi32, #tpu.memory_space<hbm>> -> memref<1x1x12750xi32, #tpu.memory_space<hbm>>
      %dma_wait3A_59 = tpu.memref_squeeze %dma_wait3A_58 : memref<1x1x12750xi32, #tpu.memory_space<hbm>> -> memref<12750xi32, #tpu.memory_space<hbm>>
      tpu.wait_dma2 semaphore(%arg14 : memref<!tpu.dma_semaphore, #tpu.memory_space<semaphore_mem>>) src(%dma_wait3A_59 : memref<12750xi32, #tpu.memory_space<hbm>>) dst(%arg10 : memref<12750xi32, #tpu.memory_space<vmem>>)
      %dma_wait3A_60 = arith.constant 0 : i32
      %dma_wait3A_61 = arith.constant 0 : i32
      %dma_wait3A_62 = tpu.memref_slice %arg3[%add3A_28, %dma_wait3A_60, %dma_wait3A_61] : memref<100x10x4250xi32, #tpu.memory_space<hbm>> -> memref<1x1x4250xi32, #tpu.memory_space<hbm>>
      %dma_wait3A_63 = tpu.memref_squeeze %dma_wait3A_62 : memref<1x1x4250xi32, #tpu.memory_space<hbm>> -> memref<4250xi32, #tpu.memory_space<hbm>>
      %dma_wait3A_64 = arith.constant 0 : i32
      %dma_wait3A_65 = tpu.memref_slice %arg3[%add3A_28, %dma_wait3A_60, %dma_wait3A_64] : memref<100x10x4250xi32, #tpu.memory_space<hbm>> -> memref<1x1x4250xi32, #tpu.memory_space<hbm>>
      %dma_wait3A_66 = tpu.memref_squeeze %dma_wait3A_65 : memref<1x1x4250xi32, #tpu.memory_space<hbm>> -> memref<4250xi32, #tpu.memory_space<hbm>>
      tpu.wait_dma2 semaphore(%arg14 : memref<!tpu.dma_semaphore, #tpu.memory_space<semaphore_mem>>) src(%dma_wait3A_66 : memref<4250xi32, #tpu.memory_space<hbm>>) dst(%arg12 : memref<4250xi32, #tpu.memory_space<vmem>>)
      %parallel_loop3A_67 = arith.constant 0 : i32
      %parallel_loop3A_68 = arith.constant 265 : i32
      %parallel_loop3A_69 = arith.constant 1 : i32
      scf.for %parallel_loop3A_147 = %parallel_loop3A_67 to %parallel_loop3A_68 step %parallel_loop3A_69  : i32 {
        %parallel_loop3A_148 = arith.constant 16 : i32
        %parallel_loop3A_149 = arith.muli %parallel_loop3A_147, %parallel_loop3A_148 : i32
        %parallel_loop3A_150 = vector.broadcast %parallel_loop3A_149 : i32 to vector<16xi32>
        %parallel_loop3A_151 = arith.addi %parallel_loop3A_150, %iota3A : vector<16xi32>
        %parallel_loop3A_152 = arith.constant 3 : i32
        %parallel_loop3A_153 = vector.broadcast %parallel_loop3A_152 : i32 to vector<16xi32>
        %parallel_loop3A_154 = arith.muli %parallel_loop3A_151, %parallel_loop3A_153 : vector<16xi32>
        %parallel_loop3A_155 = tpu.vector_load_idx %arg10[%parallel_loop3A_154] : memref<12750xi32, #tpu.memory_space<vmem>>[vector<16xi32>], vector<16xi32>,
        %parallel_loop3A_156 = arith.constant 1 : i32
        %parallel_loop3A_157 = vector.broadcast %parallel_loop3A_156 : i32 to vector<16xi32>
        %parallel_loop3A_158 = arith.addi %parallel_loop3A_154, %parallel_loop3A_157 : vector<16xi32>
        %parallel_loop3A_159 = tpu.vector_load_idx %arg10[%parallel_loop3A_158] : memref<12750xi32, #tpu.memory_space<vmem>>[vector<16xi32>], vector<16xi32>,
        %parallel_loop3A_160 = arith.constant 2 : i32
        %parallel_loop3A_161 = vector.broadcast %parallel_loop3A_160 : i32 to vector<16xi32>
        %parallel_loop3A_162 = arith.addi %parallel_loop3A_154, %parallel_loop3A_161 : vector<16xi32>
        %parallel_loop3A_163 = tpu.vector_load_idx %arg10[%parallel_loop3A_162] : memref<12750xi32, #tpu.memory_space<vmem>>[vector<16xi32>], vector<16xi32>,
        %parallel_loop3A_164 = arith.andi %parallel_loop3A_155, %broadcast_in_dim3A_5 : vector<16xi32>
        %parallel_loop3A_165 = arith.andi %parallel_loop3A_159, %broadcast_in_dim3A_5 : vector<16xi32>
        %parallel_loop3A_166 = arith.andi %parallel_loop3A_163, %broadcast_in_dim3A_5 : vector<16xi32>
        %parallel_loop3A_167 = arith.andi %parallel_loop3A_155, %broadcast_in_dim3A_7 : vector<16xi32>
        %parallel_loop3A_168 = arith.andi %parallel_loop3A_159, %broadcast_in_dim3A_7 : vector<16xi32>
        %parallel_loop3A_169 = arith.andi %parallel_loop3A_163, %broadcast_in_dim3A_7 : vector<16xi32>
        %parallel_loop3A_170 = tpu.vector_load_idx %arg7[%parallel_loop3A_164] : memref<10000xf32, #tpu.memory_space<vmem>>[vector<16xi32>], vector<16xf32>,
        %parallel_loop3A_171 = tpu.vector_load_idx %arg7[%parallel_loop3A_165] : memref<10000xf32, #tpu.memory_space<vmem>>[vector<16xi32>], vector<16xf32>,
        %parallel_loop3A_172 = tpu.vector_load_idx %arg7[%parallel_loop3A_166] : memref<10000xf32, #tpu.memory_space<vmem>>[vector<16xi32>], vector<16xf32>,
        %parallel_loop3A_173 = vector.bitcast %parallel_loop3A_170 : vector<16xf32> to vector<16xi32>
        %parallel_loop3A_174 = arith.xori %parallel_loop3A_173, %parallel_loop3A_167 : vector<16xi32>
        %parallel_loop3A_175 = vector.bitcast %parallel_loop3A_174 : vector<16xi32> to vector<16xf32>
        %parallel_loop3A_176 = arith.constant 1.000000e+00 : f32
        %parallel_loop3A_177 = vector.broadcast %parallel_loop3A_176 : f32 to vector<16xf32>
        %parallel_loop3A_178 = arith.subf %parallel_loop3A_177, %parallel_loop3A_175 : vector<16xf32>
        %parallel_loop3A_179 = vector.bitcast %parallel_loop3A_171 : vector<16xf32> to vector<16xi32>
        %parallel_loop3A_180 = arith.xori %parallel_loop3A_179, %parallel_loop3A_168 : vector<16xi32>
        %parallel_loop3A_181 = vector.bitcast %parallel_loop3A_180 : vector<16xi32> to vector<16xf32>
        %parallel_loop3A_182 = arith.constant 1.000000e+00 : f32
        %parallel_loop3A_183 = vector.broadcast %parallel_loop3A_182 : f32 to vector<16xf32>
        %parallel_loop3A_184 = arith.subf %parallel_loop3A_183, %parallel_loop3A_181 : vector<16xf32>
        %parallel_loop3A_185 = vector.bitcast %parallel_loop3A_172 : vector<16xf32> to vector<16xi32>
        %parallel_loop3A_186 = arith.xori %parallel_loop3A_185, %parallel_loop3A_169 : vector<16xi32>
        %parallel_loop3A_187 = vector.bitcast %parallel_loop3A_186 : vector<16xi32> to vector<16xf32>
        %parallel_loop3A_188 = arith.constant 1.000000e+00 : f32
        %parallel_loop3A_189 = vector.broadcast %parallel_loop3A_188 : f32 to vector<16xf32>
        %parallel_loop3A_190 = arith.subf %parallel_loop3A_189, %parallel_loop3A_187 : vector<16xf32>
        %parallel_loop3A_191 = arith.minimumf %parallel_loop3A_178, %parallel_loop3A_184 : vector<16xf32>
        %parallel_loop3A_192 = arith.minimumf %parallel_loop3A_178, %parallel_loop3A_190 : vector<16xf32>
        %parallel_loop3A_193 = arith.minimumf %parallel_loop3A_184, %parallel_loop3A_190 : vector<16xf32>
        %parallel_loop3A_194 = arith.minimumf %parallel_loop3A_191, %parallel_loop3A_190 : vector<16xf32>
        %parallel_loop3A_195 = arith.constant 9.99999996E-13 : f32
        %parallel_loop3A_196 = vector.broadcast %parallel_loop3A_195 : f32 to vector<16xf32>
        %parallel_loop3A_197 = arith.addf %parallel_loop3A_194, %parallel_loop3A_196 : vector<16xf32>
        %parallel_loop3A_198 = tpu.vector_load_idx %arg12[%parallel_loop3A_151] : memref<4250xi32, #tpu.memory_space<vmem>>[vector<16xi32>], vector<16xi32>,
        %parallel_loop3A_199 = arith.andi %parallel_loop3A_198, %broadcast_in_dim3A_3 : vector<16xi32>
        %parallel_loop3A_200 = vector.bitcast %parallel_loop3A_199 : vector<16xi32> to vector<16xf32>
        %parallel_loop3A_201 = arith.constant 16 : i32
        %parallel_loop3A_202 = vector.broadcast %parallel_loop3A_201 : i32 to vector<16xi32>
        %parallel_loop3A_203 = arith.shli %parallel_loop3A_198, %parallel_loop3A_202 : vector<16xi32>
        %parallel_loop3A_204 = vector.bitcast %parallel_loop3A_203 : vector<16xi32> to vector<16xf32>
        %parallel_loop3A_205 = arith.constant 0.000000e+00 : f32
        %parallel_loop3A_206 = vector.broadcast %parallel_loop3A_205 : f32 to vector<16xf32>
        %parallel_loop3A_207 = arith.mulf %parallel_loop3A_200, %parallel_loop3A_193 : vector<16xf32>
        %parallel_loop3A_208 = arith.cmpf ole, %parallel_loop3A_178, %parallel_loop3A_197 : vector<16xf32>
        %parallel_loop3A_209 = arith.mulf %parallel_loop3A_204, %parallel_loop3A_178 : vector<16xf32>
        %parallel_loop3A_210 = arith.select %parallel_loop3A_208, %parallel_loop3A_209, %parallel_loop3A_206 : vector<16xi1>, vector<16xf32>
        %parallel_loop3A_211 = arith.addf %parallel_loop3A_207, %parallel_loop3A_210 : vector<16xf32>
        %parallel_loop3A_212 = vector.bitcast %parallel_loop3A_211 : vector<16xf32> to vector<16xi32>
        %parallel_loop3A_213 = arith.xori %parallel_loop3A_212, %parallel_loop3A_167 : vector<16xi32>
        %parallel_loop3A_214 = vector.bitcast %parallel_loop3A_213 : vector<16xi32> to vector<16xf32>
        %parallel_loop3A_215 = arith.mulf %parallel_loop3A_200, %parallel_loop3A_192 : vector<16xf32>
        %parallel_loop3A_216 = arith.cmpf ole, %parallel_loop3A_184, %parallel_loop3A_197 : vector<16xf32>
        %parallel_loop3A_217 = arith.mulf %parallel_loop3A_204, %parallel_loop3A_184 : vector<16xf32>
        %parallel_loop3A_218 = arith.select %parallel_loop3A_216, %parallel_loop3A_217, %parallel_loop3A_206 : vector<16xi1>, vector<16xf32>
        %parallel_loop3A_219 = arith.addf %parallel_loop3A_215, %parallel_loop3A_218 : vector<16xf32>
        %parallel_loop3A_220 = vector.bitcast %parallel_loop3A_219 : vector<16xf32> to vector<16xi32>
        %parallel_loop3A_221 = arith.xori %parallel_loop3A_220, %parallel_loop3A_168 : vector<16xi32>
        %parallel_loop3A_222 = vector.bitcast %parallel_loop3A_221 : vector<16xi32> to vector<16xf32>
        %parallel_loop3A_223 = arith.mulf %parallel_loop3A_200, %parallel_loop3A_191 : vector<16xf32>
        %parallel_loop3A_224 = arith.cmpf ole, %parallel_loop3A_190, %parallel_loop3A_197 : vector<16xf32>
        %parallel_loop3A_225 = arith.mulf %parallel_loop3A_204, %parallel_loop3A_190 : vector<16xf32>
        %parallel_loop3A_226 = arith.select %parallel_loop3A_224, %parallel_loop3A_225, %parallel_loop3A_206 : vector<16xi1>, vector<16xf32>
        %parallel_loop3A_227 = arith.addf %parallel_loop3A_223, %parallel_loop3A_226 : vector<16xf32>
        %parallel_loop3A_228 = vector.bitcast %parallel_loop3A_227 : vector<16xf32> to vector<16xi32>
        %parallel_loop3A_229 = arith.xori %parallel_loop3A_228, %parallel_loop3A_169 : vector<16xi32>
        %parallel_loop3A_230 = vector.bitcast %parallel_loop3A_229 : vector<16xi32> to vector<16xf32>
        tpu.vector_store_idx %arg8[%parallel_loop3A_164], %parallel_loop3A_214 {add = true} : memref<10000xf32, #tpu.memory_space<vmem>>[vector<16xi32>], vector<16xf32>,
        tpu.vector_store_idx %arg8[%parallel_loop3A_165], %parallel_loop3A_222 {add = true} : memref<10000xf32, #tpu.memory_space<vmem>>[vector<16xi32>], vector<16xf32>,
        tpu.vector_store_idx %arg8[%parallel_loop3A_166], %parallel_loop3A_230 {add = true} : memref<10000xf32, #tpu.memory_space<vmem>>[vector<16xi32>], vector<16xf32>,
      } {sc.loop_unroll_factor = 1 : i64, sc.parallel_access}
      %add3A_70 = arith.constant 4240 : i32
      %add3A_71 = vector.broadcast %add3A_70 : i32 to vector<16xi32>
      %add3A_72 = arith.addi %add3A_71, %iota3A : vector<16xi32>
      %min3A = arith.constant 4249 : i32
      %min3A_73 = vector.broadcast %min3A : i32 to vector<16xi32>
      %min3A_74 = arith.minsi %add3A_72, %min3A_73 : vector<16xi32>
      %mul3A_75 = arith.constant 3 : i32
      %mul3A_76 = vector.broadcast %mul3A_75 : i32 to vector<16xi32>
      %mul3A_77 = arith.muli %min3A_74, %mul3A_76 : vector<16xi32>
      %gather3A = tpu.vector_load_idx %arg10[%mul3A_77] : memref<12750xi32, #tpu.memory_space<vmem>>[vector<16xi32>], vector<16xi32>,
      %add3A_78 = arith.constant 1 : i32
      %add3A_79 = vector.broadcast %add3A_78 : i32 to vector<16xi32>
      %add3A_80 = arith.addi %mul3A_77, %add3A_79 : vector<16xi32>
      %gather3A_81 = tpu.vector_load_idx %arg10[%add3A_80] : memref<12750xi32, #tpu.memory_space<vmem>>[vector<16xi32>], vector<16xi32>,
      %add3A_82 = arith.constant 2 : i32
      %add3A_83 = vector.broadcast %add3A_82 : i32 to vector<16xi32>
      %add3A_84 = arith.addi %mul3A_77, %add3A_83 : vector<16xi32>
      %gather3A_85 = tpu.vector_load_idx %arg10[%add3A_84] : memref<12750xi32, #tpu.memory_space<vmem>>[vector<16xi32>], vector<16xi32>,
      %and3A_86 = arith.andi %gather3A, %broadcast_in_dim3A_5 : vector<16xi32>
      %and3A_87 = arith.andi %gather3A_81, %broadcast_in_dim3A_5 : vector<16xi32>
      %and3A_88 = arith.andi %gather3A_85, %broadcast_in_dim3A_5 : vector<16xi32>
      %and3A_89 = arith.andi %gather3A, %broadcast_in_dim3A_7 : vector<16xi32>
      %and3A_90 = arith.andi %gather3A_81, %broadcast_in_dim3A_7 : vector<16xi32>
      %and3A_91 = arith.andi %gather3A_85, %broadcast_in_dim3A_7 : vector<16xi32>
      %gather3A_92 = tpu.vector_load_idx %arg7[%and3A_86] : memref<10000xf32, #tpu.memory_space<vmem>>[vector<16xi32>], vector<16xf32>,
      %gather3A_93 = tpu.vector_load_idx %arg7[%and3A_87] : memref<10000xf32, #tpu.memory_space<vmem>>[vector<16xi32>], vector<16xf32>,
      %gather3A_94 = tpu.vector_load_idx %arg7[%and3A_88] : memref<10000xf32, #tpu.memory_space<vmem>>[vector<16xi32>], vector<16xf32>,
      %bitcast3A = vector.bitcast %gather3A_92 : vector<16xf32> to vector<16xi32>
      %xor3A = arith.xori %bitcast3A, %and3A_89 : vector<16xi32>
      %bitcast3A_95 = vector.bitcast %xor3A : vector<16xi32> to vector<16xf32>
      %sub3A = arith.constant 1.000000e+00 : f32
      %sub3A_96 = vector.broadcast %sub3A : f32 to vector<16xf32>
      %sub3A_97 = arith.subf %sub3A_96, %bitcast3A_95 : vector<16xf32>
      %bitcast3A_98 = vector.bitcast %gather3A_93 : vector<16xf32> to vector<16xi32>
      %xor3A_99 = arith.xori %bitcast3A_98, %and3A_90 : vector<16xi32>
      %bitcast3A_100 = vector.bitcast %xor3A_99 : vector<16xi32> to vector<16xf32>
      %sub3A_101 = arith.constant 1.000000e+00 : f32
      %sub3A_102 = vector.broadcast %sub3A_101 : f32 to vector<16xf32>
      %sub3A_103 = arith.subf %sub3A_102, %bitcast3A_100 : vector<16xf32>
      %bitcast3A_104 = vector.bitcast %gather3A_94 : vector<16xf32> to vector<16xi32>
      %xor3A_105 = arith.xori %bitcast3A_104, %and3A_91 : vector<16xi32>
      %bitcast3A_106 = vector.bitcast %xor3A_105 : vector<16xi32> to vector<16xf32>
      %sub3A_107 = arith.constant 1.000000e+00 : f32
      %sub3A_108 = vector.broadcast %sub3A_107 : f32 to vector<16xf32>
      %sub3A_109 = arith.subf %sub3A_108, %bitcast3A_106 : vector<16xf32>
      %min3A_110 = arith.minimumf %sub3A_97, %sub3A_103 : vector<16xf32>
      %min3A_111 = arith.minimumf %sub3A_97, %sub3A_109 : vector<16xf32>
      %min3A_112 = arith.minimumf %sub3A_103, %sub3A_109 : vector<16xf32>
      %min3A_113 = arith.minimumf %min3A_110, %sub3A_109 : vector<16xf32>
      %add3A_114 = arith.constant 9.99999996E-13 : f32
      %add3A_115 = vector.broadcast %add3A_114 : f32 to vector<16xf32>
      %add3A_116 = arith.addf %min3A_113, %add3A_115 : vector<16xf32>
      %gather3A_117 = tpu.vector_load_idx %arg12[%min3A_74] : memref<4250xi32, #tpu.memory_space<vmem>>[vector<16xi32>], vector<16xi32>,
      %and3A_118 = arith.andi %gather3A_117, %broadcast_in_dim3A_3 : vector<16xi32>
      %bitcast3A_119 = vector.bitcast %and3A_118 : vector<16xi32> to vector<16xf32>
      %shift_left3A = arith.constant 16 : i32
      %shift_left3A_120 = vector.broadcast %shift_left3A : i32 to vector<16xi32>
      %shift_left3A_121 = arith.shli %gather3A_117, %shift_left3A_120 : vector<16xi32>
      %bitcast3A_122 = vector.bitcast %shift_left3A_121 : vector<16xi32> to vector<16xf32>
      %broadcast_in_dim3A_123 = arith.constant 0.000000e+00 : f32
      %broadcast_in_dim3A_124 = vector.broadcast %broadcast_in_dim3A_123 : f32 to vector<16xf32>
      %mul3A_125 = arith.mulf %bitcast3A_119, %min3A_112 : vector<16xf32>
      %le3A = arith.cmpf ole, %sub3A_97, %add3A_116 : vector<16xf32>
      %mul3A_126 = arith.mulf %bitcast3A_122, %sub3A_97 : vector<16xf32>
      %select_n3A = arith.select %le3A, %mul3A_126, %broadcast_in_dim3A_124 : vector<16xi1>, vector<16xf32>
      %add3A_127 = arith.addf %mul3A_125, %select_n3A : vector<16xf32>
      %bitcast3A_128 = vector.bitcast %add3A_127 : vector<16xf32> to vector<16xi32>
      %xor3A_129 = arith.xori %bitcast3A_128, %and3A_89 : vector<16xi32>
      %bitcast3A_130 = vector.bitcast %xor3A_129 : vector<16xi32> to vector<16xf32>
      %mul3A_131 = arith.mulf %bitcast3A_119, %min3A_111 : vector<16xf32>
      %le3A_132 = arith.cmpf ole, %sub3A_103, %add3A_116 : vector<16xf32>
      %mul3A_133 = arith.mulf %bitcast3A_122, %sub3A_103 : vector<16xf32>
      %select_n3A_134 = arith.select %le3A_132, %mul3A_133, %broadcast_in_dim3A_124 : vector<16xi1>, vector<16xf32>
      %add3A_135 = arith.addf %mul3A_131, %select_n3A_134 : vector<16xf32>
      %bitcast3A_136 = vector.bitcast %add3A_135 : vector<16xf32> to vector<16xi32>
      %xor3A_137 = arith.xori %bitcast3A_136, %and3A_90 : vector<16xi32>
      %bitcast3A_138 = vector.bitcast %xor3A_137 : vector<16xi32> to vector<16xf32>
      %mul3A_139 = arith.mulf %bitcast3A_119, %min3A_110 : vector<16xf32>
      %le3A_140 = arith.cmpf ole, %sub3A_109, %add3A_116 : vector<16xf32>
      %mul3A_141 = arith.mulf %bitcast3A_122, %sub3A_109 : vector<16xf32>
      %select_n3A_142 = arith.select %le3A_140, %mul3A_141, %broadcast_in_dim3A_124 : vector<16xi1>, vector<16xf32>
      %add3A_143 = arith.addf %mul3A_139, %select_n3A_142 : vector<16xf32>
      %bitcast3A_144 = vector.bitcast %add3A_143 : vector<16xf32> to vector<16xi32>
      %xor3A_145 = arith.xori %bitcast3A_144, %and3A_91 : vector<16xi32>
      %bitcast3A_146 = vector.bitcast %xor3A_145 : vector<16xi32> to vector<16xf32>
      tpu.vector_store_idx %arg8[%and3A_86], %bitcast3A_130 masked %lt3A_2 {add = true} : memref<10000xf32, #tpu.memory_space<vmem>>[vector<16xi32>], vector<16xf32>, vector<16xi1>
      tpu.vector_store_idx %arg8[%and3A_87], %bitcast3A_138 masked %lt3A_2 {add = true} : memref<10000xf32, #tpu.memory_space<vmem>>[vector<16xi32>], vector<16xf32>, vector<16xi1>
      tpu.vector_store_idx %arg8[%and3A_88], %bitcast3A_146 masked %lt3A_2 {add = true} : memref<10000xf32, #tpu.memory_space<vmem>>[vector<16xi32>], vector<16xf32>, vector<16xi1>
      "tpu.region"() ({
        %run_scoped3A = tpu.sem_alloc : memref<!tpu.dma_semaphore, #tpu.memory_space<semaphore_mem>>
        %dma_start3A_147 = arith.constant 0 : i32
        %dma_start3A_148 = tpu.memref_slice %arg6[%and3A_25, %shift_right_logical3A_26, %dma_start3A_147] : memref<4x10x10000xf32, #tpu.memory_space<hbm>> -> memref<1x1x10000xf32, #tpu.memory_space<hbm>>
        %dma_start3A_149 = tpu.memref_squeeze %dma_start3A_148 : memref<1x1x10000xf32, #tpu.memory_space<hbm>> -> memref<10000xf32, #tpu.memory_space<hbm>>
        %dma_start3A_150 = arith.constant 0 : i32
        %dma_start3A_151 = tpu.memref_slice %arg6[%and3A_25, %shift_right_logical3A_26, %dma_start3A_150] : memref<4x10x10000xf32, #tpu.memory_space<hbm>> -> memref<1x1x10000xf32, #tpu.memory_space<hbm>>
        %dma_start3A_152 = tpu.memref_squeeze %dma_start3A_151 : memref<1x1x10000xf32, #tpu.memory_space<hbm>> -> memref<10000xf32, #tpu.memory_space<hbm>>
        tpu.enqueue_dma source(%arg8 : memref<10000xf32, #tpu.memory_space<vmem>>) target(%dma_start3A_152 : memref<10000xf32, #tpu.memory_space<hbm>>) target_semaphore(%run_scoped3A : memref<!tpu.dma_semaphore, #tpu.memory_space<semaphore_mem>>)
        %dma_wait3A_153 = arith.constant 0 : i32
        %dma_wait3A_154 = tpu.memref_slice %arg6[%and3A_25, %shift_right_logical3A_26, %dma_wait3A_153] : memref<4x10x10000xf32, #tpu.memory_space<hbm>> -> memref<1x1x10000xf32, #tpu.memory_space<hbm>>
        %dma_wait3A_155 = tpu.memref_squeeze %dma_wait3A_154 : memref<1x1x10000xf32, #tpu.memory_space<hbm>> -> memref<10000xf32, #tpu.memory_space<hbm>>
        %dma_wait3A_156 = arith.constant 0 : i32
        %dma_wait3A_157 = tpu.memref_slice %arg6[%and3A_25, %shift_right_logical3A_26, %dma_wait3A_156] : memref<4x10x10000xf32, #tpu.memory_space<hbm>> -> memref<1x1x10000xf32, #tpu.memory_space<hbm>>
        %dma_wait3A_158 = tpu.memref_squeeze %dma_wait3A_157 : memref<1x1x10000xf32, #tpu.memory_space<hbm>> -> memref<10000xf32, #tpu.memory_space<hbm>>
        tpu.wait_dma2 semaphore(%run_scoped3A : memref<!tpu.dma_semaphore, #tpu.memory_space<semaphore_mem>>) src(%arg8 : memref<10000xf32, #tpu.memory_space<vmem>>) dst(%dma_wait3A_158 : memref<10000xf32, #tpu.memory_space<hbm>>)
        tpu.yield
      }) : () -> ()
    } else {
    }
    %scan3A = arith.constant 0 : i32
    %scan3A_20 = arith.constant 0 : i32
    %scan3A_21 = arith.constant 3 : i32
    %scan3A_22 = arith.addi %scan3A_20, %scan3A_21 : i32
    %scan3A_23 = arith.constant 1 : i32
    scf.for %scan3A_25 = %scan3A_20 to %scan3A_22 step %scan3A_23  : i32 {
      %mul3A_26 = arith.constant 32 : i32
      %mul3A_27 = arith.muli %mul3A_26, %scan3A_25 : i32
      %add3A_28 = arith.addi %add3A, %mul3A_27 : i32
      %dma_start3A = arith.constant 0 : i32
      %dma_start3A_29 = tpu.memref_slice %arg2[%add3A_28, %dma_start3A] : memref<100x10000xf32, #tpu.memory_space<hbm>> -> memref<1x10000xf32, #tpu.memory_space<hbm>>
      %dma_start3A_30 = tpu.memref_squeeze %dma_start3A_29 : memref<1x10000xf32, #tpu.memory_space<hbm>> -> memref<10000xf32, #tpu.memory_space<hbm>>
      %dma_start3A_31 = arith.constant 0 : i32
      %dma_start3A_32 = tpu.memref_slice %arg2[%add3A_28, %dma_start3A_31] : memref<100x10000xf32, #tpu.memory_space<hbm>> -> memref<1x10000xf32, #tpu.memory_space<hbm>>
      %dma_start3A_33 = tpu.memref_squeeze %dma_start3A_32 : memref<1x10000xf32, #tpu.memory_space<hbm>> -> memref<10000xf32, #tpu.memory_space<hbm>>
      tpu.enqueue_dma source(%dma_start3A_33 : memref<10000xf32, #tpu.memory_space<hbm>>) target(%arg7 : memref<10000xf32, #tpu.memory_space<vmem>>) target_semaphore(%arg15 : memref<!tpu.dma_semaphore, #tpu.memory_space<semaphore_mem>>)
      %dma_start3A_34 = arith.constant 0 : i32
      %dma_start3A_35 = arith.constant 0 : i32
      %dma_start3A_36 = tpu.memref_slice %arg4[%add3A_28, %dma_start3A_34, %dma_start3A_35] : memref<100x10x12750xi32, #tpu.memory_space<hbm>> -> memref<1x1x12750xi32, #tpu.memory_space<hbm>>
      %dma_start3A_37 = tpu.memref_squeeze %dma_start3A_36 : memref<1x1x12750xi32, #tpu.memory_space<hbm>> -> memref<12750xi32, #tpu.memory_space<hbm>>
      %dma_start3A_38 = arith.constant 0 : i32
      %dma_start3A_39 = tpu.memref_slice %arg4[%add3A_28, %dma_start3A_34, %dma_start3A_38] : memref<100x10x12750xi32, #tpu.memory_space<hbm>> -> memref<1x1x12750xi32, #tpu.memory_space<hbm>>
      %dma_start3A_40 = tpu.memref_squeeze %dma_start3A_39 : memref<1x1x12750xi32, #tpu.memory_space<hbm>> -> memref<12750xi32, #tpu.memory_space<hbm>>
      tpu.enqueue_dma source(%dma_start3A_40 : memref<12750xi32, #tpu.memory_space<hbm>>) target(%arg9 : memref<12750xi32, #tpu.memory_space<vmem>>) target_semaphore(%arg13 : memref<!tpu.dma_semaphore, #tpu.memory_space<semaphore_mem>>)
      %dma_start3A_41 = arith.constant 0 : i32
      %dma_start3A_42 = arith.constant 0 : i32
      %dma_start3A_43 = tpu.memref_slice %arg3[%add3A_28, %dma_start3A_41, %dma_start3A_42] : memref<100x10x4250xi32, #tpu.memory_space<hbm>> -> memref<1x1x4250xi32, #tpu.memory_space<hbm>>
      %dma_start3A_44 = tpu.memref_squeeze %dma_start3A_43 : memref<1x1x4250xi32, #tpu.memory_space<hbm>> -> memref<4250xi32, #tpu.memory_space<hbm>>
      %dma_start3A_45 = arith.constant 0 : i32
      %dma_start3A_46 = tpu.memref_slice %arg3[%add3A_28, %dma_start3A_41, %dma_start3A_45] : memref<100x10x4250xi32, #tpu.memory_space<hbm>> -> memref<1x1x4250xi32, #tpu.memory_space<hbm>>
      %dma_start3A_47 = tpu.memref_squeeze %dma_start3A_46 : memref<1x1x4250xi32, #tpu.memory_space<hbm>> -> memref<4250xi32, #tpu.memory_space<hbm>>
      tpu.enqueue_dma source(%dma_start3A_47 : memref<4250xi32, #tpu.memory_space<hbm>>) target(%arg11 : memref<4250xi32, #tpu.memory_space<vmem>>) target_semaphore(%arg13 : memref<!tpu.dma_semaphore, #tpu.memory_space<semaphore_mem>>)
      %parallel_loop3A = arith.constant 0 : i32
      %parallel_loop3A_48 = arith.constant 625 : i32
      %parallel_loop3A_49 = arith.constant 1 : i32
      scf.for %parallel_loop3A_100 = %parallel_loop3A to %parallel_loop3A_48 step %parallel_loop3A_49  : i32 {
        %parallel_loop3A_101 = arith.constant 0.000000e+00 : f32
        %parallel_loop3A_102 = vector.broadcast %parallel_loop3A_101 : f32 to vector<16xf32>
        %parallel_loop3A_103 = arith.constant 16 : i32
        %parallel_loop3A_104 = arith.muli %parallel_loop3A_100, %parallel_loop3A_103 : i32
        %parallel_loop3A_105 = arith.index_cast %parallel_loop3A_104 : i32 to index
        %parallel_loop3A_106 = tpu.vector_load %arg8[%parallel_loop3A_105] {strides = array<i32>} : memref<10000xf32, #tpu.memory_space<vmem>>, vector<16xf32>,
        tpu.vector_store %arg8[%parallel_loop3A_105], %parallel_loop3A_102 {strides = array<i32>} : memref<10000xf32, #tpu.memory_space<vmem>>, vector<16xf32>,
      } {sc.loop_unroll_factor = 8 : i64, sc.parallel_access}
      %dma_wait3A = arith.constant 0 : i32
      %dma_wait3A_50 = tpu.memref_slice %arg2[%add3A_28, %dma_wait3A] : memref<100x10000xf32, #tpu.memory_space<hbm>> -> memref<1x10000xf32, #tpu.memory_space<hbm>>
      %dma_wait3A_51 = tpu.memref_squeeze %dma_wait3A_50 : memref<1x10000xf32, #tpu.memory_space<hbm>> -> memref<10000xf32, #tpu.memory_space<hbm>>
      %dma_wait3A_52 = arith.constant 0 : i32
      %dma_wait3A_53 = tpu.memref_slice %arg2[%add3A_28, %dma_wait3A_52] : memref<100x10000xf32, #tpu.memory_space<hbm>> -> memref<1x10000xf32, #tpu.memory_space<hbm>>
      %dma_wait3A_54 = tpu.memref_squeeze %dma_wait3A_53 : memref<1x10000xf32, #tpu.memory_space<hbm>> -> memref<10000xf32, #tpu.memory_space<hbm>>
      tpu.wait_dma2 semaphore(%arg15 : memref<!tpu.dma_semaphore, #tpu.memory_space<semaphore_mem>>) src(%dma_wait3A_54 : memref<10000xf32, #tpu.memory_space<hbm>>) dst(%arg7 : memref<10000xf32, #tpu.memory_space<vmem>>)
      %scan3A_55 = arith.constant 0 : i32
      %scan3A_56 = arith.constant 0 : i32
      %scan3A_57 = arith.constant 5 : i32
      %scan3A_58 = arith.addi %scan3A_56, %scan3A_57 : i32
      %scan3A_59 = arith.constant 1 : i32
      scf.for %scan3A_100 = %scan3A_56 to %scan3A_58 step %scan3A_59  : i32 {
        %mul3A_101 = arith.constant 2 : i32
        %mul3A_102 = arith.muli %mul3A_101, %scan3A_100 : i32
        %add3A_103 = arith.constant 0 : i32
        %add3A_104 = arith.addi %mul3A_102, %add3A_103 : i32
        %add3A_105 = arith.constant 1 : i32
        %add3A_106 = arith.addi %add3A_104, %add3A_105 : i32
        %lt3A_107 = arith.constant 10 : i32
        %lt3A_108 = arith.cmpi slt, %add3A_106, %lt3A_107 : i32
        %convert_element_type3A_109 = arith.extui %lt3A_108 : i1 to i32
        %cond3A_110 = arith.constant 0 : i32
        %cond3A_111 = arith.cmpi ne, %convert_element_type3A_109, %cond3A_110 : i32
        scf.if %cond3A_111 {
          %add3A_321 = arith.constant 1 : i32
          %add3A_322 = arith.addi %add3A_104, %add3A_321 : i32
          %dma_start3A_323 = arith.constant 0 : i32
          %dma_start3A_324 = tpu.memref_slice %arg4[%add3A_28, %add3A_322, %dma_start3A_323] : memref<100x10x12750xi32, #tpu.memory_space<hbm>> -> memref<1x1x12750xi32, #tpu.memory_space<hbm>>
          %dma_start3A_325 = tpu.memref_squeeze %dma_start3A_324 : memref<1x1x12750xi32, #tpu.memory_space<hbm>> -> memref<12750xi32, #tpu.memory_space<hbm>>
          %dma_start3A_326 = arith.constant 0 : i32
          %dma_start3A_327 = tpu.memref_slice %arg4[%add3A_28, %add3A_322, %dma_start3A_326] : memref<100x10x12750xi32, #tpu.memory_space<hbm>> -> memref<1x1x12750xi32, #tpu.memory_space<hbm>>
          %dma_start3A_328 = tpu.memref_squeeze %dma_start3A_327 : memref<1x1x12750xi32, #tpu.memory_space<hbm>> -> memref<12750xi32, #tpu.memory_space<hbm>>
          tpu.enqueue_dma source(%dma_start3A_328 : memref<12750xi32, #tpu.memory_space<hbm>>) target(%arg10 : memref<12750xi32, #tpu.memory_space<vmem>>) target_semaphore(%arg14 : memref<!tpu.dma_semaphore, #tpu.memory_space<semaphore_mem>>)
          %dma_start3A_329 = arith.constant 0 : i32
          %dma_start3A_330 = tpu.memref_slice %arg3[%add3A_28, %add3A_322, %dma_start3A_329] : memref<100x10x4250xi32, #tpu.memory_space<hbm>> -> memref<1x1x4250xi32, #tpu.memory_space<hbm>>
          %dma_start3A_331 = tpu.memref_squeeze %dma_start3A_330 : memref<1x1x4250xi32, #tpu.memory_space<hbm>> -> memref<4250xi32, #tpu.memory_space<hbm>>
          %dma_start3A_332 = arith.constant 0 : i32
          %dma_start3A_333 = tpu.memref_slice %arg3[%add3A_28, %add3A_322, %dma_start3A_332] : memref<100x10x4250xi32, #tpu.memory_space<hbm>> -> memref<1x1x4250xi32, #tpu.memory_space<hbm>>
          %dma_start3A_334 = tpu.memref_squeeze %dma_start3A_333 : memref<1x1x4250xi32, #tpu.memory_space<hbm>> -> memref<4250xi32, #tpu.memory_space<hbm>>
          tpu.enqueue_dma source(%dma_start3A_334 : memref<4250xi32, #tpu.memory_space<hbm>>) target(%arg12 : memref<4250xi32, #tpu.memory_space<vmem>>) target_semaphore(%arg14 : memref<!tpu.dma_semaphore, #tpu.memory_space<semaphore_mem>>)
        } else {
        }
        %dma_wait3A_112 = arith.constant 0 : i32
        %dma_wait3A_113 = arith.constant 0 : i32
        %dma_wait3A_114 = tpu.memref_slice %arg4[%add3A_28, %dma_wait3A_112, %dma_wait3A_113] : memref<100x10x12750xi32, #tpu.memory_space<hbm>> -> memref<1x1x12750xi32, #tpu.memory_space<hbm>>
        %dma_wait3A_115 = tpu.memref_squeeze %dma_wait3A_114 : memref<1x1x12750xi32, #tpu.memory_space<hbm>> -> memref<12750xi32, #tpu.memory_space<hbm>>
        %dma_wait3A_116 = arith.constant 0 : i32
        %dma_wait3A_117 = tpu.memref_slice %arg4[%add3A_28, %dma_wait3A_112, %dma_wait3A_116] : memref<100x10x12750xi32, #tpu.memory_space<hbm>> -> memref<1x1x12750xi32, #tpu.memory_space<hbm>>
        %dma_wait3A_118 = tpu.memref_squeeze %dma_wait3A_117 : memref<1x1x12750xi32, #tpu.memory_space<hbm>> -> memref<12750xi32, #tpu.memory_space<hbm>>
        tpu.wait_dma2 semaphore(%arg13 : memref<!tpu.dma_semaphore, #tpu.memory_space<semaphore_mem>>) src(%dma_wait3A_118 : memref<12750xi32, #tpu.memory_space<hbm>>) dst(%arg9 : memref<12750xi32, #tpu.memory_space<vmem>>)
        %dma_wait3A_119 = arith.constant 0 : i32
        %dma_wait3A_120 = arith.constant 0 : i32
        %dma_wait3A_121 = tpu.memref_slice %arg3[%add3A_28, %dma_wait3A_119, %dma_wait3A_120] : memref<100x10x4250xi32, #tpu.memory_space<hbm>> -> memref<1x1x4250xi32, #tpu.memory_space<hbm>>
        %dma_wait3A_122 = tpu.memref_squeeze %dma_wait3A_121 : memref<1x1x4250xi32, #tpu.memory_space<hbm>> -> memref<4250xi32, #tpu.memory_space<hbm>>
        %dma_wait3A_123 = arith.constant 0 : i32
        %dma_wait3A_124 = tpu.memref_slice %arg3[%add3A_28, %dma_wait3A_119, %dma_wait3A_123] : memref<100x10x4250xi32, #tpu.memory_space<hbm>> -> memref<1x1x4250xi32, #tpu.memory_space<hbm>>
        %dma_wait3A_125 = tpu.memref_squeeze %dma_wait3A_124 : memref<1x1x4250xi32, #tpu.memory_space<hbm>> -> memref<4250xi32, #tpu.memory_space<hbm>>
        tpu.wait_dma2 semaphore(%arg13 : memref<!tpu.dma_semaphore, #tpu.memory_space<semaphore_mem>>) src(%dma_wait3A_125 : memref<4250xi32, #tpu.memory_space<hbm>>) dst(%arg11 : memref<4250xi32, #tpu.memory_space<vmem>>)
        %parallel_loop3A_126 = arith.constant 0 : i32
        %parallel_loop3A_127 = arith.constant 265 : i32
        %parallel_loop3A_128 = arith.constant 1 : i32
        scf.for %parallel_loop3A_321 = %parallel_loop3A_126 to %parallel_loop3A_127 step %parallel_loop3A_128  : i32 {
          %parallel_loop3A_322 = arith.constant 16 : i32
          %parallel_loop3A_323 = arith.muli %parallel_loop3A_321, %parallel_loop3A_322 : i32
          %parallel_loop3A_324 = vector.broadcast %parallel_loop3A_323 : i32 to vector<16xi32>
          %parallel_loop3A_325 = arith.addi %parallel_loop3A_324, %iota3A : vector<16xi32>
          %parallel_loop3A_326 = arith.constant 3 : i32
          %parallel_loop3A_327 = vector.broadcast %parallel_loop3A_326 : i32 to vector<16xi32>
          %parallel_loop3A_328 = arith.muli %parallel_loop3A_325, %parallel_loop3A_327 : vector<16xi32>
          %parallel_loop3A_329 = tpu.vector_load_idx %arg9[%parallel_loop3A_328] : memref<12750xi32, #tpu.memory_space<vmem>>[vector<16xi32>], vector<16xi32>,
          %parallel_loop3A_330 = arith.constant 1 : i32
          %parallel_loop3A_331 = vector.broadcast %parallel_loop3A_330 : i32 to vector<16xi32>
          %parallel_loop3A_332 = arith.addi %parallel_loop3A_328, %parallel_loop3A_331 : vector<16xi32>
          %parallel_loop3A_333 = tpu.vector_load_idx %arg9[%parallel_loop3A_332] : memref<12750xi32, #tpu.memory_space<vmem>>[vector<16xi32>], vector<16xi32>,
          %parallel_loop3A_334 = arith.constant 2 : i32
          %parallel_loop3A_335 = vector.broadcast %parallel_loop3A_334 : i32 to vector<16xi32>
          %parallel_loop3A_336 = arith.addi %parallel_loop3A_328, %parallel_loop3A_335 : vector<16xi32>
          %parallel_loop3A_337 = tpu.vector_load_idx %arg9[%parallel_loop3A_336] : memref<12750xi32, #tpu.memory_space<vmem>>[vector<16xi32>], vector<16xi32>,
          %parallel_loop3A_338 = arith.andi %parallel_loop3A_329, %broadcast_in_dim3A_5 : vector<16xi32>
          %parallel_loop3A_339 = arith.andi %parallel_loop3A_333, %broadcast_in_dim3A_5 : vector<16xi32>
          %parallel_loop3A_340 = arith.andi %parallel_loop3A_337, %broadcast_in_dim3A_5 : vector<16xi32>
          %parallel_loop3A_341 = arith.andi %parallel_loop3A_329, %broadcast_in_dim3A_7 : vector<16xi32>
          %parallel_loop3A_342 = arith.andi %parallel_loop3A_333, %broadcast_in_dim3A_7 : vector<16xi32>
          %parallel_loop3A_343 = arith.andi %parallel_loop3A_337, %broadcast_in_dim3A_7 : vector<16xi32>
          %parallel_loop3A_344 = tpu.vector_load_idx %arg7[%parallel_loop3A_338] : memref<10000xf32, #tpu.memory_space<vmem>>[vector<16xi32>], vector<16xf32>,
          %parallel_loop3A_345 = tpu.vector_load_idx %arg7[%parallel_loop3A_339] : memref<10000xf32, #tpu.memory_space<vmem>>[vector<16xi32>], vector<16xf32>,
          %parallel_loop3A_346 = tpu.vector_load_idx %arg7[%parallel_loop3A_340] : memref<10000xf32, #tpu.memory_space<vmem>>[vector<16xi32>], vector<16xf32>,
          %parallel_loop3A_347 = vector.bitcast %parallel_loop3A_344 : vector<16xf32> to vector<16xi32>
          %parallel_loop3A_348 = arith.xori %parallel_loop3A_347, %parallel_loop3A_341 : vector<16xi32>
          %parallel_loop3A_349 = vector.bitcast %parallel_loop3A_348 : vector<16xi32> to vector<16xf32>
          %parallel_loop3A_350 = arith.constant 1.000000e+00 : f32
          %parallel_loop3A_351 = vector.broadcast %parallel_loop3A_350 : f32 to vector<16xf32>
          %parallel_loop3A_352 = arith.subf %parallel_loop3A_351, %parallel_loop3A_349 : vector<16xf32>
          %parallel_loop3A_353 = vector.bitcast %parallel_loop3A_345 : vector<16xf32> to vector<16xi32>
          %parallel_loop3A_354 = arith.xori %parallel_loop3A_353, %parallel_loop3A_342 : vector<16xi32>
          %parallel_loop3A_355 = vector.bitcast %parallel_loop3A_354 : vector<16xi32> to vector<16xf32>
          %parallel_loop3A_356 = arith.constant 1.000000e+00 : f32
          %parallel_loop3A_357 = vector.broadcast %parallel_loop3A_356 : f32 to vector<16xf32>
          %parallel_loop3A_358 = arith.subf %parallel_loop3A_357, %parallel_loop3A_355 : vector<16xf32>
          %parallel_loop3A_359 = vector.bitcast %parallel_loop3A_346 : vector<16xf32> to vector<16xi32>
          %parallel_loop3A_360 = arith.xori %parallel_loop3A_359, %parallel_loop3A_343 : vector<16xi32>
          %parallel_loop3A_361 = vector.bitcast %parallel_loop3A_360 : vector<16xi32> to vector<16xf32>
          %parallel_loop3A_362 = arith.constant 1.000000e+00 : f32
          %parallel_loop3A_363 = vector.broadcast %parallel_loop3A_362 : f32 to vector<16xf32>
          %parallel_loop3A_364 = arith.subf %parallel_loop3A_363, %parallel_loop3A_361 : vector<16xf32>
          %parallel_loop3A_365 = arith.minimumf %parallel_loop3A_352, %parallel_loop3A_358 : vector<16xf32>
          %parallel_loop3A_366 = arith.minimumf %parallel_loop3A_352, %parallel_loop3A_364 : vector<16xf32>
          %parallel_loop3A_367 = arith.minimumf %parallel_loop3A_358, %parallel_loop3A_364 : vector<16xf32>
          %parallel_loop3A_368 = arith.minimumf %parallel_loop3A_365, %parallel_loop3A_364 : vector<16xf32>
          %parallel_loop3A_369 = arith.constant 9.99999996E-13 : f32
          %parallel_loop3A_370 = vector.broadcast %parallel_loop3A_369 : f32 to vector<16xf32>
          %parallel_loop3A_371 = arith.addf %parallel_loop3A_368, %parallel_loop3A_370 : vector<16xf32>
          %parallel_loop3A_372 = tpu.vector_load_idx %arg11[%parallel_loop3A_325] : memref<4250xi32, #tpu.memory_space<vmem>>[vector<16xi32>], vector<16xi32>,
          %parallel_loop3A_373 = arith.andi %parallel_loop3A_372, %broadcast_in_dim3A_3 : vector<16xi32>
          %parallel_loop3A_374 = vector.bitcast %parallel_loop3A_373 : vector<16xi32> to vector<16xf32>
          %parallel_loop3A_375 = arith.constant 16 : i32
          %parallel_loop3A_376 = vector.broadcast %parallel_loop3A_375 : i32 to vector<16xi32>
          %parallel_loop3A_377 = arith.shli %parallel_loop3A_372, %parallel_loop3A_376 : vector<16xi32>
          %parallel_loop3A_378 = vector.bitcast %parallel_loop3A_377 : vector<16xi32> to vector<16xf32>
          %parallel_loop3A_379 = arith.constant 0.000000e+00 : f32
          %parallel_loop3A_380 = vector.broadcast %parallel_loop3A_379 : f32 to vector<16xf32>
          %parallel_loop3A_381 = arith.mulf %parallel_loop3A_374, %parallel_loop3A_367 : vector<16xf32>
          %parallel_loop3A_382 = arith.cmpf ole, %parallel_loop3A_352, %parallel_loop3A_371 : vector<16xf32>
          %parallel_loop3A_383 = arith.mulf %parallel_loop3A_378, %parallel_loop3A_352 : vector<16xf32>
          %parallel_loop3A_384 = arith.select %parallel_loop3A_382, %parallel_loop3A_383, %parallel_loop3A_380 : vector<16xi1>, vector<16xf32>
          %parallel_loop3A_385 = arith.addf %parallel_loop3A_381, %parallel_loop3A_384 : vector<16xf32>
          %parallel_loop3A_386 = vector.bitcast %parallel_loop3A_385 : vector<16xf32> to vector<16xi32>
          %parallel_loop3A_387 = arith.xori %parallel_loop3A_386, %parallel_loop3A_341 : vector<16xi32>
          %parallel_loop3A_388 = vector.bitcast %parallel_loop3A_387 : vector<16xi32> to vector<16xf32>
          %parallel_loop3A_389 = arith.mulf %parallel_loop3A_374, %parallel_loop3A_366 : vector<16xf32>
          %parallel_loop3A_390 = arith.cmpf ole, %parallel_loop3A_358, %parallel_loop3A_371 : vector<16xf32>
          %parallel_loop3A_391 = arith.mulf %parallel_loop3A_378, %parallel_loop3A_358 : vector<16xf32>
          %parallel_loop3A_392 = arith.select %parallel_loop3A_390, %parallel_loop3A_391, %parallel_loop3A_380 : vector<16xi1>, vector<16xf32>
          %parallel_loop3A_393 = arith.addf %parallel_loop3A_389, %parallel_loop3A_392 : vector<16xf32>
          %parallel_loop3A_394 = vector.bitcast %parallel_loop3A_393 : vector<16xf32> to vector<16xi32>
          %parallel_loop3A_395 = arith.xori %parallel_loop3A_394, %parallel_loop3A_342 : vector<16xi32>
          %parallel_loop3A_396 = vector.bitcast %parallel_loop3A_395 : vector<16xi32> to vector<16xf32>
          %parallel_loop3A_397 = arith.mulf %parallel_loop3A_374, %parallel_loop3A_365 : vector<16xf32>
          %parallel_loop3A_398 = arith.cmpf ole, %parallel_loop3A_364, %parallel_loop3A_371 : vector<16xf32>
          %parallel_loop3A_399 = arith.mulf %parallel_loop3A_378, %parallel_loop3A_364 : vector<16xf32>
          %parallel_loop3A_400 = arith.select %parallel_loop3A_398, %parallel_loop3A_399, %parallel_loop3A_380 : vector<16xi1>, vector<16xf32>
          %parallel_loop3A_401 = arith.addf %parallel_loop3A_397, %parallel_loop3A_400 : vector<16xf32>
          %parallel_loop3A_402 = vector.bitcast %parallel_loop3A_401 : vector<16xf32> to vector<16xi32>
          %parallel_loop3A_403 = arith.xori %parallel_loop3A_402, %parallel_loop3A_343 : vector<16xi32>
          %parallel_loop3A_404 = vector.bitcast %parallel_loop3A_403 : vector<16xi32> to vector<16xf32>
          tpu.vector_store_idx %arg8[%parallel_loop3A_338], %parallel_loop3A_388 {add = true} : memref<10000xf32, #tpu.memory_space<vmem>>[vector<16xi32>], vector<16xf32>,
          tpu.vector_store_idx %arg8[%parallel_loop3A_339], %parallel_loop3A_396 {add = true} : memref<10000xf32, #tpu.memory_space<vmem>>[vector<16xi32>], vector<16xf32>,
          tpu.vector_store_idx %arg8[%parallel_loop3A_340], %parallel_loop3A_404 {add = true} : memref<10000xf32, #tpu.memory_space<vmem>>[vector<16xi32>], vector<16xf32>,
        } {sc.loop_unroll_factor = 1 : i64, sc.parallel_access}
        %add3A_129 = arith.constant 4240 : i32
        %add3A_130 = vector.broadcast %add3A_129 : i32 to vector<16xi32>
        %add3A_131 = arith.addi %add3A_130, %iota3A : vector<16xi32>
        %min3A_132 = arith.constant 4249 : i32
        %min3A_133 = vector.broadcast %min3A_132 : i32 to vector<16xi32>
        %min3A_134 = arith.minsi %add3A_131, %min3A_133 : vector<16xi32>
        %mul3A_135 = arith.constant 3 : i32
        %mul3A_136 = vector.broadcast %mul3A_135 : i32 to vector<16xi32>
        %mul3A_137 = arith.muli %min3A_134, %mul3A_136 : vector<16xi32>
        %gather3A = tpu.vector_load_idx %arg9[%mul3A_137] : memref<12750xi32, #tpu.memory_space<vmem>>[vector<16xi32>], vector<16xi32>,
        %add3A_138 = arith.constant 1 : i32
        %add3A_139 = vector.broadcast %add3A_138 : i32 to vector<16xi32>
        %add3A_140 = arith.addi %mul3A_137, %add3A_139 : vector<16xi32>
        %gather3A_141 = tpu.vector_load_idx %arg9[%add3A_140] : memref<12750xi32, #tpu.memory_space<vmem>>[vector<16xi32>], vector<16xi32>,
        %add3A_142 = arith.constant 2 : i32
        %add3A_143 = vector.broadcast %add3A_142 : i32 to vector<16xi32>
        %add3A_144 = arith.addi %mul3A_137, %add3A_143 : vector<16xi32>
        %gather3A_145 = tpu.vector_load_idx %arg9[%add3A_144] : memref<12750xi32, #tpu.memory_space<vmem>>[vector<16xi32>], vector<16xi32>,
        %and3A = arith.andi %gather3A, %broadcast_in_dim3A_5 : vector<16xi32>
        %and3A_146 = arith.andi %gather3A_141, %broadcast_in_dim3A_5 : vector<16xi32>
        %and3A_147 = arith.andi %gather3A_145, %broadcast_in_dim3A_5 : vector<16xi32>
        %and3A_148 = arith.andi %gather3A, %broadcast_in_dim3A_7 : vector<16xi32>
        %and3A_149 = arith.andi %gather3A_141, %broadcast_in_dim3A_7 : vector<16xi32>
        %and3A_150 = arith.andi %gather3A_145, %broadcast_in_dim3A_7 : vector<16xi32>
        %gather3A_151 = tpu.vector_load_idx %arg7[%and3A] : memref<10000xf32, #tpu.memory_space<vmem>>[vector<16xi32>], vector<16xf32>,
        %gather3A_152 = tpu.vector_load_idx %arg7[%and3A_146] : memref<10000xf32, #tpu.memory_space<vmem>>[vector<16xi32>], vector<16xf32>,
        %gather3A_153 = tpu.vector_load_idx %arg7[%and3A_147] : memref<10000xf32, #tpu.memory_space<vmem>>[vector<16xi32>], vector<16xf32>,
        %bitcast3A_154 = vector.bitcast %gather3A_151 : vector<16xf32> to vector<16xi32>
        %xor3A = arith.xori %bitcast3A_154, %and3A_148 : vector<16xi32>
        %bitcast3A_155 = vector.bitcast %xor3A : vector<16xi32> to vector<16xf32>
        %sub3A_156 = arith.constant 1.000000e+00 : f32
        %sub3A_157 = vector.broadcast %sub3A_156 : f32 to vector<16xf32>
        %sub3A_158 = arith.subf %sub3A_157, %bitcast3A_155 : vector<16xf32>
        %bitcast3A_159 = vector.bitcast %gather3A_152 : vector<16xf32> to vector<16xi32>
        %xor3A_160 = arith.xori %bitcast3A_159, %and3A_149 : vector<16xi32>
        %bitcast3A_161 = vector.bitcast %xor3A_160 : vector<16xi32> to vector<16xf32>
        %sub3A_162 = arith.constant 1.000000e+00 : f32
        %sub3A_163 = vector.broadcast %sub3A_162 : f32 to vector<16xf32>
        %sub3A_164 = arith.subf %sub3A_163, %bitcast3A_161 : vector<16xf32>
        %bitcast3A_165 = vector.bitcast %gather3A_153 : vector<16xf32> to vector<16xi32>
        %xor3A_166 = arith.xori %bitcast3A_165, %and3A_150 : vector<16xi32>
        %bitcast3A_167 = vector.bitcast %xor3A_166 : vector<16xi32> to vector<16xf32>
        %sub3A_168 = arith.constant 1.000000e+00 : f32
        %sub3A_169 = vector.broadcast %sub3A_168 : f32 to vector<16xf32>
        %sub3A_170 = arith.subf %sub3A_169, %bitcast3A_167 : vector<16xf32>
        %min3A_171 = arith.minimumf %sub3A_158, %sub3A_164 : vector<16xf32>
        %min3A_172 = arith.minimumf %sub3A_158, %sub3A_170 : vector<16xf32>
        %min3A_173 = arith.minimumf %sub3A_164, %sub3A_170 : vector<16xf32>
        %min3A_174 = arith.minimumf %min3A_171, %sub3A_170 : vector<16xf32>
        %add3A_175 = arith.constant 9.99999996E-13 : f32
        %add3A_176 = vector.broadcast %add3A_175 : f32 to vector<16xf32>
        %add3A_177 = arith.addf %min3A_174, %add3A_176 : vector<16xf32>
        %gather3A_178 = tpu.vector_load_idx %arg11[%min3A_134] : memref<4250xi32, #tpu.memory_space<vmem>>[vector<16xi32>], vector<16xi32>,
        %and3A_179 = arith.andi %gather3A_178, %broadcast_in_dim3A_3 : vector<16xi32>
        %bitcast3A_180 = vector.bitcast %and3A_179 : vector<16xi32> to vector<16xf32>
        %shift_left3A = arith.constant 16 : i32
        %shift_left3A_181 = vector.broadcast %shift_left3A : i32 to vector<16xi32>
        %shift_left3A_182 = arith.shli %gather3A_178, %shift_left3A_181 : vector<16xi32>
        %bitcast3A_183 = vector.bitcast %shift_left3A_182 : vector<16xi32> to vector<16xf32>
        %broadcast_in_dim3A_184 = arith.constant 0.000000e+00 : f32
        %broadcast_in_dim3A_185 = vector.broadcast %broadcast_in_dim3A_184 : f32 to vector<16xf32>
        %mul3A_186 = arith.mulf %bitcast3A_180, %min3A_173 : vector<16xf32>
        %le3A = arith.cmpf ole, %sub3A_158, %add3A_177 : vector<16xf32>
        %mul3A_187 = arith.mulf %bitcast3A_183, %sub3A_158 : vector<16xf32>
        %select_n3A = arith.select %le3A, %mul3A_187, %broadcast_in_dim3A_185 : vector<16xi1>, vector<16xf32>
        %add3A_188 = arith.addf %mul3A_186, %select_n3A : vector<16xf32>
        %bitcast3A_189 = vector.bitcast %add3A_188 : vector<16xf32> to vector<16xi32>
        %xor3A_190 = arith.xori %bitcast3A_189, %and3A_148 : vector<16xi32>
        %bitcast3A_191 = vector.bitcast %xor3A_190 : vector<16xi32> to vector<16xf32>
        %mul3A_192 = arith.mulf %bitcast3A_180, %min3A_172 : vector<16xf32>
        %le3A_193 = arith.cmpf ole, %sub3A_164, %add3A_177 : vector<16xf32>
        %mul3A_194 = arith.mulf %bitcast3A_183, %sub3A_164 : vector<16xf32>
        %select_n3A_195 = arith.select %le3A_193, %mul3A_194, %broadcast_in_dim3A_185 : vector<16xi1>, vector<16xf32>
        %add3A_196 = arith.addf %mul3A_192, %select_n3A_195 : vector<16xf32>
        %bitcast3A_197 = vector.bitcast %add3A_196 : vector<16xf32> to vector<16xi32>
        %xor3A_198 = arith.xori %bitcast3A_197, %and3A_149 : vector<16xi32>
        %bitcast3A_199 = vector.bitcast %xor3A_198 : vector<16xi32> to vector<16xf32>
        %mul3A_200 = arith.mulf %bitcast3A_180, %min3A_171 : vector<16xf32>
        %le3A_201 = arith.cmpf ole, %sub3A_170, %add3A_177 : vector<16xf32>
        %mul3A_202 = arith.mulf %bitcast3A_183, %sub3A_170 : vector<16xf32>
        %select_n3A_203 = arith.select %le3A_201, %mul3A_202, %broadcast_in_dim3A_185 : vector<16xi1>, vector<16xf32>
        %add3A_204 = arith.addf %mul3A_200, %select_n3A_203 : vector<16xf32>
        %bitcast3A_205 = vector.bitcast %add3A_204 : vector<16xf32> to vector<16xi32>
        %xor3A_206 = arith.xori %bitcast3A_205, %and3A_150 : vector<16xi32>
        %bitcast3A_207 = vector.bitcast %xor3A_206 : vector<16xi32> to vector<16xf32>
        tpu.vector_store_idx %arg8[%and3A], %bitcast3A_191 masked %lt3A_2 {add = true} : memref<10000xf32, #tpu.memory_space<vmem>>[vector<16xi32>], vector<16xf32>, vector<16xi1>
        tpu.vector_store_idx %arg8[%and3A_146], %bitcast3A_199 masked %lt3A_2 {add = true} : memref<10000xf32, #tpu.memory_space<vmem>>[vector<16xi32>], vector<16xf32>, vector<16xi1>
        tpu.vector_store_idx %arg8[%and3A_147], %bitcast3A_207 masked %lt3A_2 {add = true} : memref<10000xf32, #tpu.memory_space<vmem>>[vector<16xi32>], vector<16xf32>, vector<16xi1>
        %mul3A_208 = arith.constant 2 : i32
        %mul3A_209 = arith.muli %mul3A_208, %scan3A_100 : i32
        %add3A_210 = arith.constant 1 : i32
        %add3A_211 = arith.addi %mul3A_209, %add3A_210 : i32
        %add3A_212 = arith.constant 1 : i32
        %add3A_213 = arith.addi %add3A_211, %add3A_212 : i32
        %lt3A_214 = arith.constant 10 : i32
        %lt3A_215 = arith.cmpi slt, %add3A_213, %lt3A_214 : i32
        %convert_element_type3A_216 = arith.extui %lt3A_215 : i1 to i32
        %cond3A_217 = arith.constant 0 : i32
        %cond3A_218 = arith.cmpi ne, %convert_element_type3A_216, %cond3A_217 : i32
        scf.if %cond3A_218 {
          %add3A_321 = arith.constant 1 : i32
          %add3A_322 = arith.addi %add3A_211, %add3A_321 : i32
          %dma_start3A_323 = arith.constant 0 : i32
          %dma_start3A_324 = tpu.memref_slice %arg4[%add3A_28, %add3A_322, %dma_start3A_323] : memref<100x10x12750xi32, #tpu.memory_space<hbm>> -> memref<1x1x12750xi32, #tpu.memory_space<hbm>>
          %dma_start3A_325 = tpu.memref_squeeze %dma_start3A_324 : memref<1x1x12750xi32, #tpu.memory_space<hbm>> -> memref<12750xi32, #tpu.memory_space<hbm>>
          %dma_start3A_326 = arith.constant 0 : i32
          %dma_start3A_327 = tpu.memref_slice %arg4[%add3A_28, %add3A_322, %dma_start3A_326] : memref<100x10x12750xi32, #tpu.memory_space<hbm>> -> memref<1x1x12750xi32, #tpu.memory_space<hbm>>
          %dma_start3A_328 = tpu.memref_squeeze %dma_start3A_327 : memref<1x1x12750xi32, #tpu.memory_space<hbm>> -> memref<12750xi32, #tpu.memory_space<hbm>>
          tpu.enqueue_dma source(%dma_start3A_328 : memref<12750xi32, #tpu.memory_space<hbm>>) target(%arg9 : memref<12750xi32, #tpu.memory_space<vmem>>) target_semaphore(%arg13 : memref<!tpu.dma_semaphore, #tpu.memory_space<semaphore_mem>>)
          %dma_start3A_329 = arith.constant 0 : i32
          %dma_start3A_330 = tpu.memref_slice %arg3[%add3A_28, %add3A_322, %dma_start3A_329] : memref<100x10x4250xi32, #tpu.memory_space<hbm>> -> memref<1x1x4250xi32, #tpu.memory_space<hbm>>
          %dma_start3A_331 = tpu.memref_squeeze %dma_start3A_330 : memref<1x1x4250xi32, #tpu.memory_space<hbm>> -> memref<4250xi32, #tpu.memory_space<hbm>>
          %dma_start3A_332 = arith.constant 0 : i32
          %dma_start3A_333 = tpu.memref_slice %arg3[%add3A_28, %add3A_322, %dma_start3A_332] : memref<100x10x4250xi32, #tpu.memory_space<hbm>> -> memref<1x1x4250xi32, #tpu.memory_space<hbm>>
          %dma_start3A_334 = tpu.memref_squeeze %dma_start3A_333 : memref<1x1x4250xi32, #tpu.memory_space<hbm>> -> memref<4250xi32, #tpu.memory_space<hbm>>
          tpu.enqueue_dma source(%dma_start3A_334 : memref<4250xi32, #tpu.memory_space<hbm>>) target(%arg11 : memref<4250xi32, #tpu.memory_space<vmem>>) target_semaphore(%arg13 : memref<!tpu.dma_semaphore, #tpu.memory_space<semaphore_mem>>)
        } else {
        }
        %dma_wait3A_219 = arith.constant 0 : i32
        %dma_wait3A_220 = arith.constant 0 : i32
        %dma_wait3A_221 = tpu.memref_slice %arg4[%add3A_28, %dma_wait3A_219, %dma_wait3A_220] : memref<100x10x12750xi32, #tpu.memory_space<hbm>> -> memref<1x1x12750xi32, #tpu.memory_space<hbm>>
        %dma_wait3A_222 = tpu.memref_squeeze %dma_wait3A_221 : memref<1x1x12750xi32, #tpu.memory_space<hbm>> -> memref<12750xi32, #tpu.memory_space<hbm>>
        %dma_wait3A_223 = arith.constant 0 : i32
        %dma_wait3A_224 = tpu.memref_slice %arg4[%add3A_28, %dma_wait3A_219, %dma_wait3A_223] : memref<100x10x12750xi32, #tpu.memory_space<hbm>> -> memref<1x1x12750xi32, #tpu.memory_space<hbm>>
        %dma_wait3A_225 = tpu.memref_squeeze %dma_wait3A_224 : memref<1x1x12750xi32, #tpu.memory_space<hbm>> -> memref<12750xi32, #tpu.memory_space<hbm>>
        tpu.wait_dma2 semaphore(%arg14 : memref<!tpu.dma_semaphore, #tpu.memory_space<semaphore_mem>>) src(%dma_wait3A_225 : memref<12750xi32, #tpu.memory_space<hbm>>) dst(%arg10 : memref<12750xi32, #tpu.memory_space<vmem>>)
        %dma_wait3A_226 = arith.constant 0 : i32
        %dma_wait3A_227 = arith.constant 0 : i32
        %dma_wait3A_228 = tpu.memref_slice %arg3[%add3A_28, %dma_wait3A_226, %dma_wait3A_227] : memref<100x10x4250xi32, #tpu.memory_space<hbm>> -> memref<1x1x4250xi32, #tpu.memory_space<hbm>>
        %dma_wait3A_229 = tpu.memref_squeeze %dma_wait3A_228 : memref<1x1x4250xi32, #tpu.memory_space<hbm>> -> memref<4250xi32, #tpu.memory_space<hbm>>
        %dma_wait3A_230 = arith.constant 0 : i32
        %dma_wait3A_231 = tpu.memref_slice %arg3[%add3A_28, %dma_wait3A_226, %dma_wait3A_230] : memref<100x10x4250xi32, #tpu.memory_space<hbm>> -> memref<1x1x4250xi32, #tpu.memory_space<hbm>>
        %dma_wait3A_232 = tpu.memref_squeeze %dma_wait3A_231 : memref<1x1x4250xi32, #tpu.memory_space<hbm>> -> memref<4250xi32, #tpu.memory_space<hbm>>
        tpu.wait_dma2 semaphore(%arg14 : memref<!tpu.dma_semaphore, #tpu.memory_space<semaphore_mem>>) src(%dma_wait3A_232 : memref<4250xi32, #tpu.memory_space<hbm>>) dst(%arg12 : memref<4250xi32, #tpu.memory_space<vmem>>)
        %parallel_loop3A_233 = arith.constant 0 : i32
        %parallel_loop3A_234 = arith.constant 265 : i32
        %parallel_loop3A_235 = arith.constant 1 : i32
        scf.for %parallel_loop3A_321 = %parallel_loop3A_233 to %parallel_loop3A_234 step %parallel_loop3A_235  : i32 {
          %parallel_loop3A_322 = arith.constant 16 : i32
          %parallel_loop3A_323 = arith.muli %parallel_loop3A_321, %parallel_loop3A_322 : i32
          %parallel_loop3A_324 = vector.broadcast %parallel_loop3A_323 : i32 to vector<16xi32>
          %parallel_loop3A_325 = arith.addi %parallel_loop3A_324, %iota3A : vector<16xi32>
          %parallel_loop3A_326 = arith.constant 3 : i32
          %parallel_loop3A_327 = vector.broadcast %parallel_loop3A_326 : i32 to vector<16xi32>
          %parallel_loop3A_328 = arith.muli %parallel_loop3A_325, %parallel_loop3A_327 : vector<16xi32>
          %parallel_loop3A_329 = tpu.vector_load_idx %arg10[%parallel_loop3A_328] : memref<12750xi32, #tpu.memory_space<vmem>>[vector<16xi32>], vector<16xi32>,
          %parallel_loop3A_330 = arith.constant 1 : i32
          %parallel_loop3A_331 = vector.broadcast %parallel_loop3A_330 : i32 to vector<16xi32>
          %parallel_loop3A_332 = arith.addi %parallel_loop3A_328, %parallel_loop3A_331 : vector<16xi32>
          %parallel_loop3A_333 = tpu.vector_load_idx %arg10[%parallel_loop3A_332] : memref<12750xi32, #tpu.memory_space<vmem>>[vector<16xi32>], vector<16xi32>,
          %parallel_loop3A_334 = arith.constant 2 : i32
          %parallel_loop3A_335 = vector.broadcast %parallel_loop3A_334 : i32 to vector<16xi32>
          %parallel_loop3A_336 = arith.addi %parallel_loop3A_328, %parallel_loop3A_335 : vector<16xi32>
          %parallel_loop3A_337 = tpu.vector_load_idx %arg10[%parallel_loop3A_336] : memref<12750xi32, #tpu.memory_space<vmem>>[vector<16xi32>], vector<16xi32>,
          %parallel_loop3A_338 = arith.andi %parallel_loop3A_329, %broadcast_in_dim3A_5 : vector<16xi32>
          %parallel_loop3A_339 = arith.andi %parallel_loop3A_333, %broadcast_in_dim3A_5 : vector<16xi32>
          %parallel_loop3A_340 = arith.andi %parallel_loop3A_337, %broadcast_in_dim3A_5 : vector<16xi32>
          %parallel_loop3A_341 = arith.andi %parallel_loop3A_329, %broadcast_in_dim3A_7 : vector<16xi32>
          %parallel_loop3A_342 = arith.andi %parallel_loop3A_333, %broadcast_in_dim3A_7 : vector<16xi32>
          %parallel_loop3A_343 = arith.andi %parallel_loop3A_337, %broadcast_in_dim3A_7 : vector<16xi32>
          %parallel_loop3A_344 = tpu.vector_load_idx %arg7[%parallel_loop3A_338] : memref<10000xf32, #tpu.memory_space<vmem>>[vector<16xi32>], vector<16xf32>,
          %parallel_loop3A_345 = tpu.vector_load_idx %arg7[%parallel_loop3A_339] : memref<10000xf32, #tpu.memory_space<vmem>>[vector<16xi32>], vector<16xf32>,
          %parallel_loop3A_346 = tpu.vector_load_idx %arg7[%parallel_loop3A_340] : memref<10000xf32, #tpu.memory_space<vmem>>[vector<16xi32>], vector<16xf32>,
          %parallel_loop3A_347 = vector.bitcast %parallel_loop3A_344 : vector<16xf32> to vector<16xi32>
          %parallel_loop3A_348 = arith.xori %parallel_loop3A_347, %parallel_loop3A_341 : vector<16xi32>
          %parallel_loop3A_349 = vector.bitcast %parallel_loop3A_348 : vector<16xi32> to vector<16xf32>
          %parallel_loop3A_350 = arith.constant 1.000000e+00 : f32
          %parallel_loop3A_351 = vector.broadcast %parallel_loop3A_350 : f32 to vector<16xf32>
          %parallel_loop3A_352 = arith.subf %parallel_loop3A_351, %parallel_loop3A_349 : vector<16xf32>
          %parallel_loop3A_353 = vector.bitcast %parallel_loop3A_345 : vector<16xf32> to vector<16xi32>
          %parallel_loop3A_354 = arith.xori %parallel_loop3A_353, %parallel_loop3A_342 : vector<16xi32>
          %parallel_loop3A_355 = vector.bitcast %parallel_loop3A_354 : vector<16xi32> to vector<16xf32>
          %parallel_loop3A_356 = arith.constant 1.000000e+00 : f32
          %parallel_loop3A_357 = vector.broadcast %parallel_loop3A_356 : f32 to vector<16xf32>
          %parallel_loop3A_358 = arith.subf %parallel_loop3A_357, %parallel_loop3A_355 : vector<16xf32>
          %parallel_loop3A_359 = vector.bitcast %parallel_loop3A_346 : vector<16xf32> to vector<16xi32>
          %parallel_loop3A_360 = arith.xori %parallel_loop3A_359, %parallel_loop3A_343 : vector<16xi32>
          %parallel_loop3A_361 = vector.bitcast %parallel_loop3A_360 : vector<16xi32> to vector<16xf32>
          %parallel_loop3A_362 = arith.constant 1.000000e+00 : f32
          %parallel_loop3A_363 = vector.broadcast %parallel_loop3A_362 : f32 to vector<16xf32>
          %parallel_loop3A_364 = arith.subf %parallel_loop3A_363, %parallel_loop3A_361 : vector<16xf32>
          %parallel_loop3A_365 = arith.minimumf %parallel_loop3A_352, %parallel_loop3A_358 : vector<16xf32>
          %parallel_loop3A_366 = arith.minimumf %parallel_loop3A_352, %parallel_loop3A_364 : vector<16xf32>
          %parallel_loop3A_367 = arith.minimumf %parallel_loop3A_358, %parallel_loop3A_364 : vector<16xf32>
          %parallel_loop3A_368 = arith.minimumf %parallel_loop3A_365, %parallel_loop3A_364 : vector<16xf32>
          %parallel_loop3A_369 = arith.constant 9.99999996E-13 : f32
          %parallel_loop3A_370 = vector.broadcast %parallel_loop3A_369 : f32 to vector<16xf32>
          %parallel_loop3A_371 = arith.addf %parallel_loop3A_368, %parallel_loop3A_370 : vector<16xf32>
          %parallel_loop3A_372 = tpu.vector_load_idx %arg12[%parallel_loop3A_325] : memref<4250xi32, #tpu.memory_space<vmem>>[vector<16xi32>], vector<16xi32>,
          %parallel_loop3A_373 = arith.andi %parallel_loop3A_372, %broadcast_in_dim3A_3 : vector<16xi32>
          %parallel_loop3A_374 = vector.bitcast %parallel_loop3A_373 : vector<16xi32> to vector<16xf32>
          %parallel_loop3A_375 = arith.constant 16 : i32
          %parallel_loop3A_376 = vector.broadcast %parallel_loop3A_375 : i32 to vector<16xi32>
          %parallel_loop3A_377 = arith.shli %parallel_loop3A_372, %parallel_loop3A_376 : vector<16xi32>
          %parallel_loop3A_378 = vector.bitcast %parallel_loop3A_377 : vector<16xi32> to vector<16xf32>
          %parallel_loop3A_379 = arith.constant 0.000000e+00 : f32
          %parallel_loop3A_380 = vector.broadcast %parallel_loop3A_379 : f32 to vector<16xf32>
          %parallel_loop3A_381 = arith.mulf %parallel_loop3A_374, %parallel_loop3A_367 : vector<16xf32>
          %parallel_loop3A_382 = arith.cmpf ole, %parallel_loop3A_352, %parallel_loop3A_371 : vector<16xf32>
          %parallel_loop3A_383 = arith.mulf %parallel_loop3A_378, %parallel_loop3A_352 : vector<16xf32>
          %parallel_loop3A_384 = arith.select %parallel_loop3A_382, %parallel_loop3A_383, %parallel_loop3A_380 : vector<16xi1>, vector<16xf32>
          %parallel_loop3A_385 = arith.addf %parallel_loop3A_381, %parallel_loop3A_384 : vector<16xf32>
          %parallel_loop3A_386 = vector.bitcast %parallel_loop3A_385 : vector<16xf32> to vector<16xi32>
          %parallel_loop3A_387 = arith.xori %parallel_loop3A_386, %parallel_loop3A_341 : vector<16xi32>
          %parallel_loop3A_388 = vector.bitcast %parallel_loop3A_387 : vector<16xi32> to vector<16xf32>
          %parallel_loop3A_389 = arith.mulf %parallel_loop3A_374, %parallel_loop3A_366 : vector<16xf32>
          %parallel_loop3A_390 = arith.cmpf ole, %parallel_loop3A_358, %parallel_loop3A_371 : vector<16xf32>
          %parallel_loop3A_391 = arith.mulf %parallel_loop3A_378, %parallel_loop3A_358 : vector<16xf32>
          %parallel_loop3A_392 = arith.select %parallel_loop3A_390, %parallel_loop3A_391, %parallel_loop3A_380 : vector<16xi1>, vector<16xf32>
          %parallel_loop3A_393 = arith.addf %parallel_loop3A_389, %parallel_loop3A_392 : vector<16xf32>
          %parallel_loop3A_394 = vector.bitcast %parallel_loop3A_393 : vector<16xf32> to vector<16xi32>
          %parallel_loop3A_395 = arith.xori %parallel_loop3A_394, %parallel_loop3A_342 : vector<16xi32>
          %parallel_loop3A_396 = vector.bitcast %parallel_loop3A_395 : vector<16xi32> to vector<16xf32>
          %parallel_loop3A_397 = arith.mulf %parallel_loop3A_374, %parallel_loop3A_365 : vector<16xf32>
          %parallel_loop3A_398 = arith.cmpf ole, %parallel_loop3A_364, %parallel_loop3A_371 : vector<16xf32>
          %parallel_loop3A_399 = arith.mulf %parallel_loop3A_378, %parallel_loop3A_364 : vector<16xf32>
          %parallel_loop3A_400 = arith.select %parallel_loop3A_398, %parallel_loop3A_399, %parallel_loop3A_380 : vector<16xi1>, vector<16xf32>
          %parallel_loop3A_401 = arith.addf %parallel_loop3A_397, %parallel_loop3A_400 : vector<16xf32>
          %parallel_loop3A_402 = vector.bitcast %parallel_loop3A_401 : vector<16xf32> to vector<16xi32>
          %parallel_loop3A_403 = arith.xori %parallel_loop3A_402, %parallel_loop3A_343 : vector<16xi32>
          %parallel_loop3A_404 = vector.bitcast %parallel_loop3A_403 : vector<16xi32> to vector<16xf32>
          tpu.vector_store_idx %arg8[%parallel_loop3A_338], %parallel_loop3A_388 {add = true} : memref<10000xf32, #tpu.memory_space<vmem>>[vector<16xi32>], vector<16xf32>,
          tpu.vector_store_idx %arg8[%parallel_loop3A_339], %parallel_loop3A_396 {add = true} : memref<10000xf32, #tpu.memory_space<vmem>>[vector<16xi32>], vector<16xf32>,
          tpu.vector_store_idx %arg8[%parallel_loop3A_340], %parallel_loop3A_404 {add = true} : memref<10000xf32, #tpu.memory_space<vmem>>[vector<16xi32>], vector<16xf32>,
        } {sc.loop_unroll_factor = 1 : i64, sc.parallel_access}
        %add3A_236 = arith.constant 4240 : i32
        %add3A_237 = vector.broadcast %add3A_236 : i32 to vector<16xi32>
        %add3A_238 = arith.addi %add3A_237, %iota3A : vector<16xi32>
        %min3A_239 = arith.constant 4249 : i32
        %min3A_240 = vector.broadcast %min3A_239 : i32 to vector<16xi32>
        %min3A_241 = arith.minsi %add3A_238, %min3A_240 : vector<16xi32>
        %mul3A_242 = arith.constant 3 : i32
        %mul3A_243 = vector.broadcast %mul3A_242 : i32 to vector<16xi32>
        %mul3A_244 = arith.muli %min3A_241, %mul3A_243 : vector<16xi32>
        %gather3A_245 = tpu.vector_load_idx %arg10[%mul3A_244] : memref<12750xi32, #tpu.memory_space<vmem>>[vector<16xi32>], vector<16xi32>,
        %add3A_246 = arith.constant 1 : i32
        %add3A_247 = vector.broadcast %add3A_246 : i32 to vector<16xi32>
        %add3A_248 = arith.addi %mul3A_244, %add3A_247 : vector<16xi32>
        %gather3A_249 = tpu.vector_load_idx %arg10[%add3A_248] : memref<12750xi32, #tpu.memory_space<vmem>>[vector<16xi32>], vector<16xi32>,
        %add3A_250 = arith.constant 2 : i32
        %add3A_251 = vector.broadcast %add3A_250 : i32 to vector<16xi32>
        %add3A_252 = arith.addi %mul3A_244, %add3A_251 : vector<16xi32>
        %gather3A_253 = tpu.vector_load_idx %arg10[%add3A_252] : memref<12750xi32, #tpu.memory_space<vmem>>[vector<16xi32>], vector<16xi32>,
        %and3A_254 = arith.andi %gather3A_245, %broadcast_in_dim3A_5 : vector<16xi32>
        %and3A_255 = arith.andi %gather3A_249, %broadcast_in_dim3A_5 : vector<16xi32>
        %and3A_256 = arith.andi %gather3A_253, %broadcast_in_dim3A_5 : vector<16xi32>
        %and3A_257 = arith.andi %gather3A_245, %broadcast_in_dim3A_7 : vector<16xi32>
        %and3A_258 = arith.andi %gather3A_249, %broadcast_in_dim3A_7 : vector<16xi32>
        %and3A_259 = arith.andi %gather3A_253, %broadcast_in_dim3A_7 : vector<16xi32>
        %gather3A_260 = tpu.vector_load_idx %arg7[%and3A_254] : memref<10000xf32, #tpu.memory_space<vmem>>[vector<16xi32>], vector<16xf32>,
        %gather3A_261 = tpu.vector_load_idx %arg7[%and3A_255] : memref<10000xf32, #tpu.memory_space<vmem>>[vector<16xi32>], vector<16xf32>,
        %gather3A_262 = tpu.vector_load_idx %arg7[%and3A_256] : memref<10000xf32, #tpu.memory_space<vmem>>[vector<16xi32>], vector<16xf32>,
        %bitcast3A_263 = vector.bitcast %gather3A_260 : vector<16xf32> to vector<16xi32>
        %xor3A_264 = arith.xori %bitcast3A_263, %and3A_257 : vector<16xi32>
        %bitcast3A_265 = vector.bitcast %xor3A_264 : vector<16xi32> to vector<16xf32>
        %sub3A_266 = arith.constant 1.000000e+00 : f32
        %sub3A_267 = vector.broadcast %sub3A_266 : f32 to vector<16xf32>
        %sub3A_268 = arith.subf %sub3A_267, %bitcast3A_265 : vector<16xf32>
        %bitcast3A_269 = vector.bitcast %gather3A_261 : vector<16xf32> to vector<16xi32>
        %xor3A_270 = arith.xori %bitcast3A_269, %and3A_258 : vector<16xi32>
        %bitcast3A_271 = vector.bitcast %xor3A_270 : vector<16xi32> to vector<16xf32>
        %sub3A_272 = arith.constant 1.000000e+00 : f32
        %sub3A_273 = vector.broadcast %sub3A_272 : f32 to vector<16xf32>
        %sub3A_274 = arith.subf %sub3A_273, %bitcast3A_271 : vector<16xf32>
        %bitcast3A_275 = vector.bitcast %gather3A_262 : vector<16xf32> to vector<16xi32>
        %xor3A_276 = arith.xori %bitcast3A_275, %and3A_259 : vector<16xi32>
        %bitcast3A_277 = vector.bitcast %xor3A_276 : vector<16xi32> to vector<16xf32>
        %sub3A_278 = arith.constant 1.000000e+00 : f32
        %sub3A_279 = vector.broadcast %sub3A_278 : f32 to vector<16xf32>
        %sub3A_280 = arith.subf %sub3A_279, %bitcast3A_277 : vector<16xf32>
        %min3A_281 = arith.minimumf %sub3A_268, %sub3A_274 : vector<16xf32>
        %min3A_282 = arith.minimumf %sub3A_268, %sub3A_280 : vector<16xf32>
        %min3A_283 = arith.minimumf %sub3A_274, %sub3A_280 : vector<16xf32>
        %min3A_284 = arith.minimumf %min3A_281, %sub3A_280 : vector<16xf32>
        %add3A_285 = arith.constant 9.99999996E-13 : f32
        %add3A_286 = vector.broadcast %add3A_285 : f32 to vector<16xf32>
        %add3A_287 = arith.addf %min3A_284, %add3A_286 : vector<16xf32>
        %gather3A_288 = tpu.vector_load_idx %arg12[%min3A_241] : memref<4250xi32, #tpu.memory_space<vmem>>[vector<16xi32>], vector<16xi32>,
        %and3A_289 = arith.andi %gather3A_288, %broadcast_in_dim3A_3 : vector<16xi32>
        %bitcast3A_290 = vector.bitcast %and3A_289 : vector<16xi32> to vector<16xf32>
        %shift_left3A_291 = arith.constant 16 : i32
        %shift_left3A_292 = vector.broadcast %shift_left3A_291 : i32 to vector<16xi32>
        %shift_left3A_293 = arith.shli %gather3A_288, %shift_left3A_292 : vector<16xi32>
        %bitcast3A_294 = vector.bitcast %shift_left3A_293 : vector<16xi32> to vector<16xf32>
        %broadcast_in_dim3A_295 = arith.constant 0.000000e+00 : f32
        %broadcast_in_dim3A_296 = vector.broadcast %broadcast_in_dim3A_295 : f32 to vector<16xf32>
        %mul3A_297 = arith.mulf %bitcast3A_290, %min3A_283 : vector<16xf32>
        %le3A_298 = arith.cmpf ole, %sub3A_268, %add3A_287 : vector<16xf32>
        %mul3A_299 = arith.mulf %bitcast3A_294, %sub3A_268 : vector<16xf32>
        %select_n3A_300 = arith.select %le3A_298, %mul3A_299, %broadcast_in_dim3A_296 : vector<16xi1>, vector<16xf32>
        %add3A_301 = arith.addf %mul3A_297, %select_n3A_300 : vector<16xf32>
        %bitcast3A_302 = vector.bitcast %add3A_301 : vector<16xf32> to vector<16xi32>
        %xor3A_303 = arith.xori %bitcast3A_302, %and3A_257 : vector<16xi32>
        %bitcast3A_304 = vector.bitcast %xor3A_303 : vector<16xi32> to vector<16xf32>
        %mul3A_305 = arith.mulf %bitcast3A_290, %min3A_282 : vector<16xf32>
        %le3A_306 = arith.cmpf ole, %sub3A_274, %add3A_287 : vector<16xf32>
        %mul3A_307 = arith.mulf %bitcast3A_294, %sub3A_274 : vector<16xf32>
        %select_n3A_308 = arith.select %le3A_306, %mul3A_307, %broadcast_in_dim3A_296 : vector<16xi1>, vector<16xf32>
        %add3A_309 = arith.addf %mul3A_305, %select_n3A_308 : vector<16xf32>
        %bitcast3A_310 = vector.bitcast %add3A_309 : vector<16xf32> to vector<16xi32>
        %xor3A_311 = arith.xori %bitcast3A_310, %and3A_258 : vector<16xi32>
        %bitcast3A_312 = vector.bitcast %xor3A_311 : vector<16xi32> to vector<16xf32>
        %mul3A_313 = arith.mulf %bitcast3A_290, %min3A_281 : vector<16xf32>
        %le3A_314 = arith.cmpf ole, %sub3A_280, %add3A_287 : vector<16xf32>
        %mul3A_315 = arith.mulf %bitcast3A_294, %sub3A_280 : vector<16xf32>
        %select_n3A_316 = arith.select %le3A_314, %mul3A_315, %broadcast_in_dim3A_296 : vector<16xi1>, vector<16xf32>
        %add3A_317 = arith.addf %mul3A_313, %select_n3A_316 : vector<16xf32>
        %bitcast3A_318 = vector.bitcast %add3A_317 : vector<16xf32> to vector<16xi32>
        %xor3A_319 = arith.xori %bitcast3A_318, %and3A_259 : vector<16xi32>
        %bitcast3A_320 = vector.bitcast %xor3A_319 : vector<16xi32> to vector<16xf32>
        tpu.vector_store_idx %arg8[%and3A_254], %bitcast3A_304 masked %lt3A_2 {add = true} : memref<10000xf32, #tpu.memory_space<vmem>>[vector<16xi32>], vector<16xf32>, vector<16xi1>
        tpu.vector_store_idx %arg8[%and3A_255], %bitcast3A_312 masked %lt3A_2 {add = true} : memref<10000xf32, #tpu.memory_space<vmem>>[vector<16xi32>], vector<16xf32>, vector<16xi1>
        tpu.vector_store_idx %arg8[%and3A_256], %bitcast3A_320 masked %lt3A_2 {add = true} : memref<10000xf32, #tpu.memory_space<vmem>>[vector<16xi32>], vector<16xf32>, vector<16xi1>
      }
      %scan3A_60 = arith.constant 5 : i32
      %broadcast_in_dim3A_61 = arith.constant 0.000000e+00 : f32
      %broadcast_in_dim3A_62 = vector.broadcast %broadcast_in_dim3A_61 : f32 to vector<16xf32>
      %parallel_loop3A_63 = arith.constant 0 : i32
      %parallel_loop3A_64 = arith.constant 625 : i32
      %parallel_loop3A_65 = arith.constant 1 : i32
      %parallel_loop3A_66 = scf.for %parallel_loop3A_100 = %parallel_loop3A_63 to %parallel_loop3A_64 step %parallel_loop3A_65 iter_args(%parallel_loop3A_101 = %broadcast_in_dim3A_62) -> (vector<16xf32>)  : i32 {
        %parallel_loop3A_102 = arith.constant 16 : i32
        %parallel_loop3A_103 = arith.muli %parallel_loop3A_100, %parallel_loop3A_102 : i32
        %parallel_loop3A_104 = arith.index_cast %parallel_loop3A_103 : i32 to index
        %parallel_loop3A_105 = tpu.vector_load %arg8[%parallel_loop3A_104] {strides = array<i32>} : memref<10000xf32, #tpu.memory_space<vmem>>, vector<16xf32>,
        %parallel_loop3A_106 = math.absf %parallel_loop3A_105 : vector<16xf32>
        %parallel_loop3A_107 = arith.maximumf %parallel_loop3A_101, %parallel_loop3A_106 : vector<16xf32>
        scf.yield %parallel_loop3A_107 : vector<16xf32>
      } {sc.loop_unroll_factor = 8 : i64, sc.parallel_access}
      %broadcast_in_dim3A_67 = arith.constant 0.000000e+00 : f32
      %broadcast_in_dim3A_68 = vector.broadcast %broadcast_in_dim3A_67 : f32 to vector<16xf32>
      %reduce_max3A = arith.constant true
      %reduce_max3A_69 = vector.broadcast %reduce_max3A : i1 to vector<16xi1>
      %reduce_max3A_70 = tpu.scan <max>, %parallel_loop3A_66 masked %reduce_max3A_69 : vector<16xf32>, vector<16xi1> -> vector<16xf32>
      %reduce_max3A_71 = vector.extract %reduce_max3A_70[15] : f32 from vector<16xf32>
      %add3A_72 = arith.constant 9.99999997E-7 : f32
      %add3A_73 = arith.addf %reduce_max3A_71, %add3A_72 : f32
      %add3A_74 = vector.broadcast %add3A_73 : f32 to vector<16xf32>
      %add3A_75 = arith.addf %broadcast_in_dim3A_68, %add3A_74 : vector<16xf32>
      %bitcast3A = vector.bitcast %add3A_75 : vector<16xf32> to vector<16xi32>
      %broadcast_in_dim3A_76 = arith.constant 2129859011 : i32
      %broadcast_in_dim3A_77 = vector.broadcast %broadcast_in_dim3A_76 : i32 to vector<16xi32>
      %sub3A = arith.subi %broadcast_in_dim3A_77, %bitcast3A : vector<16xi32>
      %bitcast3A_78 = vector.bitcast %sub3A : vector<16xi32> to vector<16xf32>
      %mul3A_79 = arith.mulf %add3A_75, %bitcast3A_78 : vector<16xf32>
      %sub3A_80 = arith.constant 2.000000e+00 : f32
      %sub3A_81 = vector.broadcast %sub3A_80 : f32 to vector<16xf32>
      %sub3A_82 = arith.subf %sub3A_81, %mul3A_79 : vector<16xf32>
      %mul3A_83 = arith.mulf %bitcast3A_78, %sub3A_82 : vector<16xf32>
      %mul3A_84 = arith.mulf %add3A_75, %mul3A_83 : vector<16xf32>
      %sub3A_85 = arith.constant 2.000000e+00 : f32
      %sub3A_86 = vector.broadcast %sub3A_85 : f32 to vector<16xf32>
      %sub3A_87 = arith.subf %sub3A_86, %mul3A_84 : vector<16xf32>
      %mul3A_88 = arith.mulf %mul3A_83, %sub3A_87 : vector<16xf32>
      %mul3A_89 = arith.mulf %add3A_75, %mul3A_88 : vector<16xf32>
      %sub3A_90 = arith.constant 2.000000e+00 : f32
      %sub3A_91 = vector.broadcast %sub3A_90 : f32 to vector<16xf32>
      %sub3A_92 = arith.subf %sub3A_91, %mul3A_89 : vector<16xf32>
      %mul3A_93 = arith.mulf %mul3A_88, %sub3A_92 : vector<16xf32>
      %jit3A = arith.constant 9.99999974E-6 : f32
      %jit3A_94 = arith.constant 1.000000e-01 : f32
      %max3A = vector.broadcast %jit3A : f32 to vector<16xf32>
      %max3A_95 = arith.maximumf %max3A, %mul3A_93 : vector<16xf32>
      %min3A = vector.broadcast %jit3A_94 : f32 to vector<16xf32>
      %min3A_96 = arith.minimumf %min3A, %max3A_95 : vector<16xf32>
      %parallel_loop3A_97 = arith.constant 0 : i32
      %parallel_loop3A_98 = arith.constant 625 : i32
      %parallel_loop3A_99 = arith.constant 1 : i32
      scf.for %parallel_loop3A_100 = %parallel_loop3A_97 to %parallel_loop3A_98 step %parallel_loop3A_99  : i32 {
        %parallel_loop3A_101 = arith.constant 16 : i32
        %parallel_loop3A_102 = arith.muli %parallel_loop3A_100, %parallel_loop3A_101 : i32
        %parallel_loop3A_103 = arith.index_cast %parallel_loop3A_102 : i32 to index
        %parallel_loop3A_104 = tpu.vector_load %arg8[%parallel_loop3A_103] {strides = array<i32>} : memref<10000xf32, #tpu.memory_space<vmem>>, vector<16xf32>,
        %parallel_loop3A_105 = arith.mulf %parallel_loop3A_104, %min3A_96 : vector<16xf32>
        %parallel_loop3A_106 = arith.index_cast %parallel_loop3A_102 : i32 to index
        %parallel_loop3A_107 = tpu.vector_load %arg8[%parallel_loop3A_106] {strides = array<i32>} : memref<10000xf32, #tpu.memory_space<vmem>>, vector<16xf32>,
        tpu.vector_store %arg8[%parallel_loop3A_106], %parallel_loop3A_105 {strides = array<i32>} : memref<10000xf32, #tpu.memory_space<vmem>>, vector<16xf32>,
      } {sc.loop_unroll_factor = 8 : i64, sc.parallel_access}
      "tpu.region"() ({
        %run_scoped3A = tpu.sem_alloc : memref<!tpu.dma_semaphore, #tpu.memory_space<semaphore_mem>>
        %dma_start3A_100 = arith.constant 0 : i32
        %dma_start3A_101 = tpu.memref_slice %arg5[%add3A_28, %dma_start3A_100] : memref<100x10000xf32, #tpu.memory_space<hbm>> -> memref<1x10000xf32, #tpu.memory_space<hbm>>
        %dma_start3A_102 = tpu.memref_squeeze %dma_start3A_101 : memref<1x10000xf32, #tpu.memory_space<hbm>> -> memref<10000xf32, #tpu.memory_space<hbm>>
        %dma_start3A_103 = arith.constant 0 : i32
        %dma_start3A_104 = tpu.memref_slice %arg5[%add3A_28, %dma_start3A_103] : memref<100x10000xf32, #tpu.memory_space<hbm>> -> memref<1x10000xf32, #tpu.memory_space<hbm>>
        %dma_start3A_105 = tpu.memref_squeeze %dma_start3A_104 : memref<1x10000xf32, #tpu.memory_space<hbm>> -> memref<10000xf32, #tpu.memory_space<hbm>>
        tpu.enqueue_dma source(%arg8 : memref<10000xf32, #tpu.memory_space<vmem>>) target(%dma_start3A_105 : memref<10000xf32, #tpu.memory_space<hbm>>) target_semaphore(%run_scoped3A : memref<!tpu.dma_semaphore, #tpu.memory_space<semaphore_mem>>)
        %dma_wait3A_106 = arith.constant 0 : i32
        %dma_wait3A_107 = tpu.memref_slice %arg5[%add3A_28, %dma_wait3A_106] : memref<100x10000xf32, #tpu.memory_space<hbm>> -> memref<1x10000xf32, #tpu.memory_space<hbm>>
        %dma_wait3A_108 = tpu.memref_squeeze %dma_wait3A_107 : memref<1x10000xf32, #tpu.memory_space<hbm>> -> memref<10000xf32, #tpu.memory_space<hbm>>
        %dma_wait3A_109 = arith.constant 0 : i32
        %dma_wait3A_110 = tpu.memref_slice %arg5[%add3A_28, %dma_wait3A_109] : memref<100x10000xf32, #tpu.memory_space<hbm>> -> memref<1x10000xf32, #tpu.memory_space<hbm>>
        %dma_wait3A_111 = tpu.memref_squeeze %dma_wait3A_110 : memref<1x10000xf32, #tpu.memory_space<hbm>> -> memref<10000xf32, #tpu.memory_space<hbm>>
        tpu.wait_dma2 semaphore(%run_scoped3A : memref<!tpu.dma_semaphore, #tpu.memory_space<semaphore_mem>>) src(%arg8 : memref<10000xf32, #tpu.memory_space<vmem>>) dst(%dma_wait3A_111 : memref<10000xf32, #tpu.memory_space<hbm>>)
        tpu.yield
      }) : () -> ()
    }
    %scan3A_24 = arith.constant 3 : i32
    return
  }
}

module attributes {stable_mosaic.version = 14 : i64} {
  func.func @combine_body(%arg0: i32, %arg1: memref<1x10x10000xf32, #tpu.memory_space<vmem>>, %arg2: memref<1x1x10000xf32, #tpu.memory_space<vmem>>) attributes {dimension_semantics = [#tpu.dimension_semantics<arbitrary>], iteration_bounds = array<i64: 4>, scalar_prefetch = 0 : i64, scratch_operands = 0 : i64, tpu.core_type = #tpu.core_type<tc>, window_params = [{transform_indices = @transform_0, window_bounds = array<i64: 1, 10, 10000>}, {transform_indices = @transform_1, window_bounds = array<i64: 1, 1, 10000>}]} {
    %get3A = arith.constant 0 : index
    %get3A_0 = arith.constant 0 : index
    %get3A_1 = arith.constant 0 : index
    %get3A_2 = vector.load %arg1[%get3A, %get3A_0, %get3A_1] : memref<1x10x10000xf32, #tpu.memory_space<vmem>>, vector<1x10x10000xf32>
    %get3A_3 = vector.shape_cast %get3A_2 : vector<1x10x10000xf32> to vector<10x10000xf32>
    %reduce_sum3A = arith.constant dense<0.000000e+00> : vector<10000xf32>
    %reduce_sum3A_4 = vector.multi_reduction <add>, %get3A_3, %reduce_sum3A [0] : vector<10x10000xf32> to vector<10000xf32>
    %broadcast_in_dim3A = vector.shape_cast %reduce_sum3A_4 : vector<10000xf32> to vector<1x10000xf32>
    %abs3A = math.absf %broadcast_in_dim3A : vector<1x10000xf32>
    %reduce_max3A = vector.shape_cast %abs3A : vector<1x10000xf32> to vector<1x1x10000xf32>
    %reduce_max3A_5 = arith.constant dense<0xFF800000> : vector<1xf32>
    %reduce_max3A_6 = vector.multi_reduction <maximumf>, %reduce_max3A, %reduce_max3A_5 [1, 2] : vector<1x1x10000xf32> to vector<1xf32>
    %reduce_max3A_7 = vector.shape_cast %reduce_max3A_6 : vector<1xf32> to vector<1x1x1xf32>
    %reduce_max3A_8 = vector.extract %reduce_max3A_7[0, 0, 0] : f32 from vector<1x1x1xf32>
    %add3A = arith.constant 9.99999997E-7 : f32
    %add3A_9 = arith.addf %reduce_max3A_8, %add3A : f32
    %div3A = arith.constant 1.000000e+00 : f32
    %div3A_10 = arith.divf %div3A, %add3A_9 : f32
    %jit3A = arith.constant 9.99999974E-6 : f32
    %jit3A_11 = arith.constant 1.000000e-01 : f32
    %max3A = arith.maximumf %jit3A, %div3A_10 : f32
    %min3A = arith.minimumf %jit3A_11, %max3A : f32
    %mul3A = vector.broadcast %min3A : f32 to vector<1x10000xf32>
    %mul3A_12 = arith.mulf %broadcast_in_dim3A, %mul3A : vector<1x10000xf32>
    %swap3A = arith.constant 0 : index
    %swap3A_13 = arith.constant 0 : index
    %swap3A_14 = arith.constant 0 : index
    %swap3A_15 = vector.load %arg2[%swap3A, %swap3A_13, %swap3A_14] : memref<1x1x10000xf32, #tpu.memory_space<vmem>>, vector<1x1x10000xf32>
    %swap3A_16 = vector.shape_cast %swap3A_15 : vector<1x1x10000xf32> to vector<1x10000xf32>
    %swap3A_17 = vector.shape_cast %mul3A_12 : vector<1x10000xf32> to vector<1x1x10000xf32>
    tpu.vector_store %arg2[%swap3A, %swap3A_13, %swap3A_14], %swap3A_17 {strides = array<i32>} : memref<1x1x10000xf32, #tpu.memory_space<vmem>>, vector<1x1x10000xf32>,
    return
  }
  func.func @transform_0(%arg0: i32) -> (i32, i32, i32) {
    %c0_i32 = arith.constant 0 : i32
    %c0_i32_0 = arith.constant 0 : i32
    %c0_i32_1 = arith.constant 0 : i32
    return %arg0, %c0_i32, %c0_i32_0 : i32, i32, i32
  }
  func.func @transform_1(%arg0: i32) -> (i32, i32, i32) {
    %c0_i32 = arith.constant 0 : i32
    %c0_i32_0 = arith.constant 0 : i32
    %c0_i32_1 = arith.constant 0 : i32
    return %arg0, %c0_i32, %c0_i32_0 : i32, i32, i32
  }
}

</mosaic_0001>

<sc_bundles>
// kernel: kernel.4.cloned.1.call-start
scs
__scs_entry_jumppad:
0x0: {  	(pc) =	sbr.rel $0x88, $3  }
0x1: {  	(tag) =	ssettag $0x0;
	lr =	simm.s32 $0x1  }
0x2: {  	[smem:$0x3F9C] =	sst lr;
	_ =	strace $0xD0000000  }
0x3: {  	_ = 	snop  }
0x4: {  	_ = 	snop  }
0x5: {  	_ = 	snop  }
0x6: {  	_ = 	snop  }
0x7: {  	_ = 	snop  }
__scs_overlays_trampoline_lowered:
0x8: {  	[smem:$0x3FAB] =	sst s0  }
0x9: {  	[smem:$0x3FAC] =	sst s1  }
0xa: {  	[smem:$0x3FAD] =	sst s2  }
0xb: {  	[smem:$0x3FAE] =	sst s3  }
0xc: {  	[smem:$0x3FAF] =	sst s4  }
0xd: {  	[smem:$0x3FB0] =	sst s5  }
0xe: {  	[smem:$0x3FB1] =	sst s6  }
0xf: {  	[smem:$0x3FB2] =	sst s7  }
0x10: {  	[smem:$0x3FB3] =	sst s8  }
0x11: {  	[smem:$0x3FB4] =	sst s9;
	s0 =	simm.s32 @!p0 $0x0  }
0x12: {  	s1 =	sld [smem:$0x3F9A];
	s0 =	simm.s32 @p0 $0x1  }
0x13: {  	[smem:$0x3FB5] =	sst s0;
	s0 =	simm.s32 @!p1 $0x0  }
0x14: {  	s2 =	sld [smem:$0x3F99];
	s0 =	simm.s32 @p1 $0x1  }
0x15: {  	[smem:$0x3FB6] =	sst s0;
	s0 =	simm.s32 @!p2 $0x0  }
0x16: {  	s3 =	sld [smem:$0x3FDB];
	s0 =	simm.s32 @p2 $0x1  }
0x17: {  	s4 =	simm.s32 $0x1BF5;
	[smem:$0x3FB8] =	sst s0  }
0x18: {  	s0 =	sld [smem:$0x3F9B];
	_ =	swait.ge [sflag:s4], $0x0  }
0x19: {  	s7 =	sld [smem:$0x3F9C]  }
0x1a: {  	s8 =	sadd.s32 $0xFFFFE003, lr  }
0x1b: {  	s9 =	sadd.s32 $0xFFFFFEF7, lr;
	s5 =	simm.s32 $0xFFFFFFFF;
	p2 =	slt.u32 s8, $0xFFFFF086  }
0x1c: {  	p1 =	slt.u32 s9, $0xF7A;
	s5 =	simm.s32 @!p2 $0x0  }
0x1d: {  	s5 =	simm.s32 @p1 $0x1;
	p0 =	seq.s32 s7, s2  }
0x1e: {  	s7 =	smul.u32 @!p0 $0xF7A, s2;
	p2 =	seq.s32 @!p0 s5, $0x0  }
0x1f: {  	s9 =	smul.u32 $0xF7A, s1;
	s8 =	simm.s32 @!p0 $0x1BF5;
	p2 =	por !p2, p0  }
0x20: {  	[sflag:s8] =	ssyncset.s32 @!p0 $0xFFFFF086;
	s6 =	sadd.s32 @!p0 s3, s7;
	s7 =	simm.s32 @!p0 $0x108  }
0x21: {  	s3 =	sadd.s32 s3, s9;
	s6 =	sadd.s32 @!p0 $0x88, s6;
	s7 =	simm.s32 @p2 $0x1082  }
0x22: {  	[simem:s7], [sflag:s8] =	dma.local @!p0 [hbm:s6], $0xF7A  }
0x23: {  	s9 =	sor.u32 $0xD0000000, s2;
	s6 =	simm.s32 $0x108;
	_ =	swait.ge @!p0 [sflag:s8], $0x0  }
0x24: {  	s3 =	sadd.s32 $0x88, s3;
	s6 =	simm.s32 @!p1 $0x1082;
	[sflag:s4] =	ssyncset.s32 $0xFFFFF086  }
0x25: {  	[simem:s6], [sflag:s4] =	dma.local [hbm:s3], $0xF7A  }
0x26: {  	[smem:$0x3F9C] =	sst s1;
	(tag) =	ssettag s2;
	_ =	strace s9  }
0x27: {  	s1 =	sld [smem:$0x3FAC]  }
0x28: {  	s2 =	sld [smem:$0x3FAD]  }
0x29: {  	s4 =	sld [smem:$0x3FAF]  }
0x2a: {  	p0 =	seq.s32 s5, $0x0;
	s5 =	sld [smem:$0x3FB0]  }
0x2b: {  	s6 =	sld [smem:$0x3FB1]  }
0x2c: {  	s7 =	sld [smem:$0x3FB2]  }
0x2d: {  	s3 =	simm.s32 $0x108;
	s8 =	sld [smem:$0x3FB3]  }
0x2e: {  	s3 =	simm.s32 @!p0 $0x1082;
	s9 =	sld [smem:$0x3FB4]  }
0x2f: {  	lr =	sadd.s32 s0, s3;
	s0 =	sld [smem:$0x3FAB]  }
0x30: {  	s3 =	sld [smem:$0x3FAE]  }
0x31: {  	[smem:$0x3FB7] =	sst s10  }
0x32: {  	s10 =	sld [smem:$0x3FB5];
	_ =	sdelay $0x3  }
0x33: {  	p0 =	seq.s32 s10, $0x1;
	s10 =	sld [smem:$0x3FB7];
	_ =	sdelay $0x3  }
0x34: {  	[smem:$0x3FB7] =	sst s10  }
0x35: {  	s10 =	sld [smem:$0x3FB6];
	_ =	sdelay $0x3  }
0x36: {  	p1 =	seq.s32 s10, $0x1;
	s10 =	sld [smem:$0x3FB7];
	_ =	sdelay $0x3  }
0x37: {  	[smem:$0x3FB7] =	sst s10  }
0x38: {  	s10 =	sld [smem:$0x3FB8]  }
0x39: {  	_ = 	snop;
	(pc) =	sbr.ind lr, $3  }
0x3a: {  	_ = 	snop  }
0x3b: {  	_ = 	snop  }
0x3c: {  	p2 =	seq.s32 s10, $0x1;
	s10 =	sld [smem:$0x3FB7]  }
0x3d: {  	_ =	shalt  }
0x3e: {  	_ =	shalt  }
0x3f: {  	_ =	shalt  }
0x40: {  	_ =	shalt  }
0x41: {  	_ =	shalt  }
0x42: {  	_ =	shalt  }
0x43: {  	_ =	shalt  }
0x44: {  	_ =	shalt  }
0x45: {  	_ =	shalt  }
0x46: {  	_ =	shalt  }
0x47: {  	_ =	shalt  }
0x48: {  	_ =	shalt  }
0x49: {  	_ =	shalt  }
0x4a: {  	_ =	shalt  }
0x4b: {  	_ =	shalt  }
0x4c: {  	_ =	shalt  }
0x4d: {  	_ =	shalt  }
0x4e: {  	_ =	shalt  }
0x4f: {  	_ =	shalt  }
0x50: {  	_ =	shalt  }
0x51: {  	_ =	shalt  }
0x52: {  	_ =	shalt  }
0x53: {  	_ =	shalt  }
0x54: {  	_ =	shalt  }
0x55: {  	_ =	shalt  }
0x56: {  	_ =	shalt  }
0x57: {  	_ =	shalt  }
0x58: {  	_ =	shalt  }
0x59: {  	_ =	shalt  }
0x5a: {  	_ =	shalt  }
0x5b: {  	_ =	shalt  }
0x5c: {  	_ =	shalt  }
0x5d: {  	_ =	shalt  }
0x5e: {  	_ =	shalt  }
0x5f: {  	_ =	shalt  }
0x60: {  	_ =	shalt  }
0x61: {  	_ =	shalt  }
0x62: {  	_ =	shalt  }
0x63: {  	_ =	shalt  }
0x64: {  	_ =	shalt  }
0x65: {  	_ =	shalt  }
0x66: {  	_ =	shalt  }
0x67: {  	_ =	shalt  }
0x68: {  	_ =	shalt  }
0x69: {  	_ =	shalt  }
0x6a: {  	_ =	shalt  }
0x6b: {  	_ =	shalt  }
0x6c: {  	_ =	shalt  }
0x6d: {  	_ =	shalt  }
0x6e: {  	_ =	shalt  }
0x6f: {  	_ =	shalt  }
0x70: {  	_ =	shalt  }
0x71: {  	_ =	shalt  }
0x72: {  	_ =	shalt  }
0x73: {  	_ =	shalt  }
0x74: {  	_ =	shalt  }
0x75: {  	_ =	shalt  }
0x76: {  	_ =	shalt  }
0x77: {  	_ =	shalt  }
0x78: {  	_ =	shalt  }
0x79: {  	_ =	shalt  }
0x7a: {  	_ =	shalt  }
0x7b: {  	_ =	shalt  }
0x7c: {  	_ =	shalt  }
0x7d: {  	_ =	shalt  }
0x7e: {  	_ =	shalt  }
0x7f: {  	_ =	shalt  }
0x80: {  	_ =	shalt  }
0x81: {  	_ =	shalt  }
0x82: {  	_ =	shalt  }
0x83: {  	_ =	shalt  }
0x84: {  	_ =	shalt  }
0x85: {  	_ =	shalt  }
0x86: {  	_ =	shalt  }
0x87: {  	_ =	shalt  }
.Lfunc_end0:
.L_simem_size_0:
called_computation.1_lowered:
.L_overlay_start_0:
0x88: {  	s2 =	sld [smem:$0x3FD9]  }
0x89: {  	s3 =	sld [smem:$0x3FFE];
	_ =	sdelay $0x1  }
0x8a: {  	s1 =	srdreg.scid  }
0x8b: {  	s0 =	sand.u32 $0x1, s1  }
0x8c: {  	s17 =	sshll.u32 s0, $0xA;
	s2 =	sadd.s32 s3, s2  }
0x8d: {  	s2 =	sadd.s32 s2, s17  }
0x8e: {  	[smem:$0x3FC3] =	sst s2  }
0x8f: {  	_ = 	snop  }
0x90: {  	s2 =	sld [smem:$0x3FC9]  }
0x91: {  	s18 =	sld [smem:$0x3FD0];
	(tm) =	ssettm $0x1  }
0x92: {  	s4 =	sld [smem:$0x3FFB];
	_ =	sdelay $0x3  }
0x93: {  	_ =	strace s4  }
0x94: {  	s4 =	sld [smem:$0x3FFC];
	_ =	sdelay $0x3  }
0x95: {  	_ =	strace s4  }
0x96: {  	s4 =	sld [smem:$0x3FFD];
	_ =	sdelay $0x3  }
0x97: {  	_ =	strace s4  }
0x98: {  	_ =	strace $0x8FFFFFFF  }
0x99: {  	s19 =	sld [smem:$0x3FDB];
	_ =	sdelay $0x1  }
0x9a: {  	s5 =	simm.s32 $_scs_section_size  }
0x9b: {  	s6 =	simm.s32 $_size__tile_overlayer_lowered;
	s7 =	simm.s32 $_tile_overlayer_lowered  }
0x9c: {  	s22 =	simm.s32 $0x1BFF;
	s21 =	sshll.u32 s7, $0x1;
	s4 =	sadd.s32 s5, s19  }
0x9d: {  	s8 =	simm.s32 $0x0;
	s20 =	sshll.u32 s6, $0x1;
	s6 =	sadd.s32 s21, s4  }
0x9e: {  	[timem:s8], [sflag:s22] =	dma.local [hbm:s6], s20  }
0x9f: {  	_ =	swait.ge [sflag:s22], s20  }
0xa0: {  	s5 =	ssub.s32 $0x0, s20;
	[sflag:s22] =	ssyncset.done $0x0  }
0xa1: {  	[sflag:s22] =	ssyncadd.s32 s5;
	_ =	sdelay $0x1  }
0xa2: {  	s23 =	simm.s32 $0x1B8B  }
0xa3: {  	_ =	swait.ge [sflag:s23], $0x1  }
0xa4: {  	[sflag:s23] =	ssyncset.done $0x0  }
0xa5: {  	s25 =	simm.s32 $0x1B8E;
	s24 =	sld [smem:$0x3FFE];
	[sflag:s23] =	ssyncadd.s32 $0xFFFFFFFF  }
0xa6: {  	s26 =	simm.s32 $execute0_lowered;
	[smem:$0x3FD2] =	sst s25  }
0xa7: {  	s6 =	sshll.u32 s26, $0x1;
	_ =	strace $0x80000049;
	[dreg:$0x1] =	wrdreg $0xFFFFFFFF  }
0xa8: {  	s28 =	simm.s32 $_size_execute0_lowered;
	s4 =	sadd.s32 s4, s6;
	[dreg:$0x0] =	wrdreg $0x0  }
0xa9: {  	s6 =	sshll.u32 s28, $0x1;
	[dreg:$0x2] =	wrdreg s4  }
0xaa: {  	[dreg:$0x3] =	wrdreg s6  }
0xab: {  	[dreg:$0x4] =	wrdreg $0xC0  }
0xac: {  	_ =	task [dreg:s8], $0x5FFFF  }
0xad: {  	[dreg:$0x1] =	wrdreg $0xFFFFFFFF  }
0xae: {  	[dreg:$0x0] =	wrdreg $0x60  }
0xaf: {  	[dreg:$0x2] =	wrdreg s2  }
0xb0: {  	[dreg:$0x3] =	wrdreg s24  }
0xb1: {  	[dreg:$0x4] =	wrdreg s18  }
0xb2: {  	[dreg:$0x5] =	wrdreg $0x9  }
0xb3: {  	_ =	task.clear_ibuf [dreg:s8], $0x6FFFF;
	_ =	strace $0x90000049  }
0xb4: {  	s29 =	simm.s32 $0x9;
	_ =	strace $0x8000004B  }
0xb5: {  	_ =	swait.ge [sflag:s29], $0x1  }
0xb6: {  	[sflag:s29] =	ssyncadd.s32 $0xFFFFFFFF  }
0xb7: {  	_ =	strace $0x9000004B  }
0xb8: {  	_ =	sfence  }
0xb9: {  	s30 =	sld [smem:$0x0];
	_ =	sdelay $0x2  }
0xba: {  	s31 =	sshll.u32 s1, $0xD;
	s1 =	sshrl.u32 s1, $0x2  }
0xbb: {  	s3 =	sand.u32 $0x4000, s31;
	s1 =	sadd.s32 s1, s30  }
0xbc: {  	s0 =	sor.u32 s3, s0;
	s1 =	sshll.u32 s1, $0x11  }
0xbd: {  	s0 =	sor.u32 s1, s0  }
0xbe: {  	s0 =	sadd.s32 $0x8F2B, s0  }
0xbf: {  	[sflag:s0] =	ssyncadd.remote.s32 $0x1  }
0xc0: {  	_ =	sfence.sel $0xFFFF  }
0xc1: {  	[dreg:$0x0] =	wrdreg $0xFFFFFFFF;
	(pc) =	sbr.abs _section_cstart, $3  }
0xc2: {  	[dreg:$0x1] =	wrdreg $0xFFFFFFFF  }
0xc3: {  	_ =	task.clear_ibuf [dreg:s8], $0x2FFFF;
	_ =	strace $0x9FFFFFFF  }
0xc4: {  	(tm) =	ssettm $0x7FFFFFFF  }
0xc5: {  	_ =	shalt  }
tec
execute0_lowered:
.L_overlay_start_1:
0x0: {  	(tag) =	ssettag $0x1  }
0x1: {  	s1 =	rddreg [dreg:$0x0]  }
0x2: {  	s0 =	rddreg [dreg:$0x1]  }
0x3: {  	s3 =	rddreg [dreg:$0x2]  }
0x4: {  	s2 =	srdreg.scid;
	s16 =	stileid.u32;
	s4 =	simm.s32 $0x0  }
0x5: {  	s28 =	simm.s32 $0x2;
	s29 =	simm.s32 $0x0;
	s2 =	sand.u32 $0x1, s2  }
0x6: {  	s5 =	sshll.u32 s16, $0x1;
	[smem:$0x7FF] =	sst s4;
	s6 =	sadd.s32 $0x42EE00, s0  }
0x7: {  	s7 =	sadd.s32 $0xE00, s0;
	s0 =	sadd.s32 $0x271E00, s0;
	s13 =	sshll.u32 s16, $0x6  }
0x8: {  	v0 =	vimm.s32 $0x31CB;
	vm8 =	vcmask $0x300;
	vm7 =	vcmask $0x704;
	p0 =	sgt.u32 s16, $0x3;
	s5 =	sor.u32 s2, s5;
	_ =	strace $0x8000004A  }
0x9: {  	vm5 =	vcmask $0xB08;
	vm3 =	vcmask $0xF0C;
	vm2 =	vcmask $0x1310;
	s2 =	ssub.s32 $0x2, s2;
	s13 =	sand.u32 $0x380, s13;
	s8 =	sand.u32 $0x3, s5  }
0xa: {  	vm0 =	vcmask $0x1714;
	vm1 =	vcmask $0x1B18;
	vm4 =	vcmask $0x1F1C;
	s10 =	sshrl.u32 s2, $0x1;
	s30 =	sshll.u32 s5, $0x7;
	s9 =	sor.u32 $0x60, s8  }
0xb: {  	vm6 =	vcmask $0x2320;
	v6 =	vimm.s32 $0x31CC;
	v7 =	vimm.s32 $0x31CD;
	s12 =	sshll.u32 s8, $0x4;
	s2 =	ssub.s32 s2, s10;
	s11 =	smul.u32 $0x32000, s9  }
0xc: {  	v8 =	vimm.s32 $0x1099;
	v0 =	vsel vm8, $0x31B0, v0;
	v6 =	vsel vm8, $0x31B1, v6;
	s9 =	smul.u32 $0x11000, s9;
	s12 =	sadd.s32 s12, s1;
	s31 =	smax.u32 s2, $0x1  }
0xd: {  	v7 =	vsel vm8, $0x31B2, v7;
	v8 =	vsel vm8, $0x1090, v8;
	v0 =	vsel vm7, $0x31B3, v0;
	s14 =	smul.u32 $0x27800, s8;
	s15 =	sadd.s32 $0x1DA00, s12;
	[dreg:$0xb] =	wrdreg s31  }
0xe: {  	v6 =	vsel vm7, $0x31B4, v6;
	v7 =	vsel vm7, $0x31B5, v7;
	v8 =	vsel vm7, $0x1091, v8;
	[dreg:$0x4] =	wrdreg s15;
	s17 =	sor.u32 s13, s11;
	s9 =	sor.u32 s13, s9  }
0xf: {  	v0 =	vsel vm5, $0x31B6, v0;
	v6 =	vsel vm5, $0x31B7, v6;
	v7 =	vsel vm5, $0x31B8, v7;
	s13 =	sor.u32 s13, s14;
	s15 =	sand.u32 $0x380, s30;
	s18 =	sshrl.u32 s17, $0x3  }
0x10: {  	v8 =	vsel vm5, $0x1092, v8;
	v0 =	vsel vm3, $0x31B9, v0;
	v6 =	vsel vm3, $0x31BA, v6;
	s20 =	sshrl.u32 s9, $0x3;
	s21 =	sshrl.u32 s13, $0x3;
	s12 =	sadd.s32 $0x19000, s17  }
0x11: {  	v7 =	vsel vm3, $0x31BB, v7;
	v8 =	vsel vm3, $0x1093, v8;
	v1 =	vsel vm2, $0x31BC, v0;
	s9 =	sadd.s32 $0x8800, s9;
	s13 =	sadd.s32 $0x13C00, s13;
	s17 =	simm.s32 $0x80  }
0x12: {  	v0 =	vlaneseq.u32;
	v6 =	vsel vm2, $0x31BD, v6;
	v7 =	vsel vm2, $0x31BE, v7;
	s19 =	sadd.s32 s7, s18;
	s22 =	sadd.s32 s6, s20;
	s23 =	sadd.s32 s0, s21  }
0x13: {  	v8 =	vsel vm2, $0x1094, v8;
	v2 =	vsel vm0, $0x31BF, v1;
	v1 =	vmul.u32 $0x3, v0;
	s12 =	sshrl.u32 s12, $0x3;
	s9 =	sshrl.u32 s9, $0x3;
	[dreg:$0x5] =	wrdreg s19  }
0x14: {  	v6 =	vsel vm0, $0x31C0, v6;
	v7 =	vsel vm0, $0x31C1, v7;
	v8 =	vsel vm0, $0x1095, v8;
	s25 =	sshrl.u32 s13, $0x3;
	s18 =	simm.s32 $0x400;
	[dreg:$0x6] =	wrdreg s22  }
0x15: {  	v3 =	vsel vm1, $0x31C2, v2;
	v2 =	vimm.f32 $0.0e+00;
	v6 =	vsel vm1, $0x31C3, v6;
	s20 =	simm.s32 $0xB300;
	s21 =	simm.s32 $0x3;
	[dreg:$0x7] =	wrdreg s23  }
0x16: {  	v7 =	vsel vm1, $0x31C4, v7;
	v8 =	vsel vm1, $0x1096, v8;
	v5 =	vsel vm4, $0x31C5, v3;
	s24 =	sadd.s32 s7, s12;
	s26 =	sadd.s32 s6, s9;
	s0 =	sadd.s32 s0, s25  }
0x17: {  	v3 =	vadd.s32 $0x1, v1;
	v4 =	vadd.s32 $0x2, v1;
	v6 =	vsel vm4, $0x31C6, v6;
	s19 =	simm.s32 $0x4F00;
	s22 =	simm.s32 $0x1;
	[dreg:$0x8] =	wrdreg s24  }
0x18: {  	v7 =	vsel vm4, $0x31C7, v7;
	v8 =	vsel vm4, $0x1097, v8;
	v5 =	vsel vm6, $0x31C8, v5;
	s23 =	simm.s32 $0x2780;
	s25 =	simm.s32 $0x8100;
	[dreg:$0x9] =	wrdreg s26  }
0x19: {  	v6 =	vsel vm6, $0x31C9, v6;
	v7 =	vsel vm6, $0x31CA, v7;
	v8 =	vsel vm6, $0x1098, v8;
	[dreg:$0xa] =	wrdreg s0;
	s24 =	simm.s32 $0x4;
	s26 =	simm.s32 $0xC400  }
.LBB2_1:
0x1a: {  	s0 =	rddreg [dreg:$0x4]  }
0x1b: {  	[tilespmem:s4], [sflag:$0x3] =	stream.strided.gather [hbm4b:s0+s17], $0x2780, s18, s17, $0x38;
	[tilespmem:$0xD500] =	vst v63  }
0x1c: {  	s30 =	rddreg [dreg:$0x5]  }
0x1d: {  	[tilespmem:s19], [sflag:$0x1] =	stream.strided.gather [hbm4b:s30+s17], $0x3200, s18, s17, $0x38;
	[tilespmem:$0xD500] =	vst v63  }
0x1e: {  	s31 =	rddreg [dreg:$0x6];
	s0 =	simm.s32 $0x27C0  }
0x1f: {  	[tilespmem:s20], [sflag:$0x1] =	stream.strided.gather [hbm4b:s31+s17], $0x1100, s18, s17, $0x38;
	[tilespmem:$0xD500] =	vst v63  }
0x20: {  	[tilespmem:s0+$0xFFFFFFC0] =	vst v2  }
0x21: {  	[tilespmem:s0+$0x30] =	vst v2  }
0x22: {  	[tilespmem:s0+$0x20] =	vst v2  }
0x23: {  	[tilespmem:s0+$0x10] =	vst v2  }
0x24: {  	[tilespmem:s0+$0x0] =	vst v2  }
0x25: {  	[tilespmem:s0+$0xFFFFFFF0] =	vst v2  }
0x26: {  	s2 =	simm.s32 $0x0;
	[tilespmem:s0+$0xFFFFFFE0] =	vst v2  }
.LBB2_2:
0x27: {  	s2 =	sadd.s32 $0x8, s2;
	[tilespmem:s0+$0xFFFFFFD0] =	vst v2;
	s0 =	sadd.s32 $0x80, s0  }
0x28: {  	[tilespmem:s0+$0xFFFFFFC0] =	vst v2;
	p1 =	slt.u32 s2, $0x268  }
0x29: {  	[tilespmem:s0+$0x30] =	vst v2  }
.Ltmp0:
0x2a: {  	[tilespmem:s0+$0x20] =	vst v2;
	(pc) =	sbr.rel @p1 .LBB2_2-.Ltmp0, $4  }
0x2b: {  	[tilespmem:s0+$0x10] =	vst v2  }
0x2c: {  	[tilespmem:s0+$0x0] =	vst v2  }
0x2d: {  	[tilespmem:s0+$0xFFFFFFF0] =	vst v2  }
0x2e: {  	[tilespmem:s0+$0xFFFFFFE0] =	vst v2  }
0x2f: {  	[tilespmem:s0+$0xFFFFFFD0] =	vst v2  }
0x30: {  	[tilespmem:$0x4E80] =	vst v2  }
0x31: {  	s31 =	simm.s32 $0x0;
	_ =	swait.ge [sflag:s21], $0x2780  }
0x32: {  	v9 =	vmov s31;
	[sflag:s21] =	ssyncset.done $0x0  }
0x33: {  	v9 =	vmul.u32 $0x3, v9;
	[sflag:s21] =	ssyncadd.s32 $0xFFFFD880  }
0x34: {  	_ =	swait.ge [sflag:s22], $0x3200  }
0x35: {  	v10 =	vadd.s32 v1, v9;
	[sflag:s22] =	ssyncset.done $0x0  }
0x36: {  	v11 =	vadd.s32 v3, v9;
	[sflag:s22] =	ssyncadd.s32 $0xFFFFCE00  }
0x37: {  	v9 =	vadd.s32 v4, v9;
	_ =	swait.ge [sflag:s22], $0x1100  }
0x38: {  	[sflag:s22] =	ssyncset.done $0x0  }
0x39: {  	[sflag:s22] =	ssyncadd.s32 $0xFFFFEF00  }
0x3a: {  	v12 =	vld.idx.msk [tilespmem:v10+s19+$0x0], $0xffff  }
0x3b: {  	v13 =	vld.idx.msk [tilespmem:v11+s19+$0x0], $0xffff  }
0x3c: {  	v14 =	vld.idx.msk [tilespmem:v9+s19+$0x0], $0xffff;
	_ =	sdelay $0x1  }
0x3d: {  	s2 =	simm.s32 $0x10;
	v15 =	vor.u32 s31, v0  }
0x3e: {  	v9 =	vmov s2;
	v10 =	vand.u32 $0x7FFFFFFF, v12  }
0x3f: {  	v16 =	vmul.u32 $0x3, v9;
	v11 =	vand.u32 $0x7FFFFFFF, v13  }
0x40: {  	v9 =	vand.u32 $0x7FFFFFFF, v14  }
0x41: {  	v18 =	vadd.s32 v1, v16  }
0x42: {  	v19 =	vld.idx.msk [tilespmem:v15+s20+$0x0], $0xffff;
	v17 =	vadd.s32 v4, v16  }
0x43: {  	s0 =	simm.s32 $0x20;
	v15 =	vadd.s32 v3, v16;
	v21 =	vld.idx.msk [tilespmem:v10+s4+$0x0], $0xffff  }
0x44: {  	v16 =	vmov s0;
	v24 =	vld.idx.msk [tilespmem:v11+s4+$0x0], $0xffff  }
0x45: {  	v27 =	vmul.u32 $0x3, v16;
	v25 =	vld.idx.msk [tilespmem:v9+s4+$0x0], $0xffff  }
0x46: {  	v22 =	vld.idx.msk [tilespmem:v18+s19+$0x0], $0xffff  }
0x47: {  	v20 =	vand.u32 $0x80000000, v12;
	v30 =	vadd.s32 v4, v27;
	v16 =	vld.idx.msk [tilespmem:v17+s19+$0x0], $0xffff  }
0x48: {  	v33 =	vadd.s32 v1, v27;
	v18 =	vor.u32 s2, v0;
	v23 =	vld.idx.msk [tilespmem:v15+s19+$0x0], $0xffff;
	v17 =	vand.u32 $0x80000000, v13  }
0x49: {  	v15 =	vand.u32 $0x80000000, v14;
	v12 =	vxor.u32 v21, v20;
	v13 =	vxor.u32 v24, v17  }
0x4a: {  	v35 =	vsub.f32 $1.000000000e+00, v12;
	v26 =	vsub.f32 $1.000000000e+00, v13;
	v12 =	vxor.u32 v25, v15  }
0x4b: {  	v14 =	vand.u32 $0x7FFFFFFF, v22;
	v24 =	vadd.s32 v3, v27;
	v25 =	vsub.f32 $1.000000000e+00, v12  }
0x4c: {  	v27 =	vand.u32 $0xFFFF0000, v19;
	v21 =	vshll.u32 v19, $0x10;
	v28 =	vmin.f32 v35, v26  }
0x4d: {  	v13 =	vand.u32 $0x7FFFFFFF, v23;
	v12 =	vand.u32 $0x7FFFFFFF, v16;
	v19 =	vmin.f32 v28, v25  }
0x4e: {  	v18 =	vld.idx.msk [tilespmem:v18+s20+$0x0], $0xffff;
	v32 =	vmul.f32 v21, v35;
	v31 =	vmul.f32 v21, v26;
	v29 =	vadd.f32 $9.999999960e-13, v19  }
0x4f: {  	v36 =	vmin.f32 v35, v25;
	v34 =	vmin.f32 v26, v25;
	v19 =	vld.idx.msk [tilespmem:v30+s19+$0x0], $0xffff;
	v30 =	vmul.f32 v21, v25  }
0x50: {  	s2 =	simm.s32 $0x30;
	v21 =	vld.idx.msk [tilespmem:v33+s19+$0x0], $0xffff;
	v34 =	vmul.f32 v27, v34;
	v33 =	vmul.f32 v27, v36;
	vm0 =	vle.f32 v35, v29  }
.LBB2_4:
0x51: {  	p1 =	sne.s32 s2, $0x1080;
	v35 =	vld.idx.msk [tilespmem:v14+s4+$0x0], $0xffff;
	v32 =	vnsel vm0, $0x0, v32;
	vm0 =	vle.f32 v26, v29;
	v26 =	vmul.f32 v27, v28  }
0x52: {  	v27 =	vld.idx.msk [tilespmem:v13+s4+$0x0], $0xffff;
	v28 =	vadd.f32 v32, v34;
	v31 =	vnsel vm0, $0x0, v31;
	vm0 =	vle.f32 v25, v29  }
0x53: {  	v25 =	vmov s2;
	v29 =	vld.idx.msk [tilespmem:v12+s4+$0x0], $0xffff;
	v31 =	vadd.f32 v31, v33;
	v30 =	vnsel vm0, $0x0, v30  }
0x54: {  	v25 =	vmul.u32 $0x3, v25;
	v32 =	vld.idx.msk [tilespmem:v24+s19+$0x0], $0xffff;
	v20 =	vxor.u32 v28, v20;
	v24 =	vadd.f32 v30, v26  }
0x55: {  	v17 =	vxor.u32 v31, v17;
	[tilespmem:v10+s23+$0x0] =	vst.idx.add.f32.msk $0xffff, v20;
	v10 =	vmov v14  }
0x56: {  	v30 =	vadd.s32 v4, v25;
	v31 =	vor.u32 s0, v0;
	s0 =	smov.u32 s2;
	v14 =	vxor.u32 v24, v15;
	[tilespmem:v11+s23+$0x0] =	vst.idx.add.f32.msk $0xffff, v17  }
0x57: {  	v33 =	vadd.s32 v1, v25;
	v20 =	vand.u32 $0x80000000, v22;
	v17 =	vand.u32 $0x80000000, v23;
	v11 =	vmovc v13;
	[tilespmem:v9+s23+$0x0] =	vst.idx.add.f32.msk $0xffff, v14  }
0x58: {  	v15 =	vand.u32 $0x80000000, v16;
	v13 =	vxor.u32 v35, v20;
	v16 =	vmovc v19;
	v14 =	vxor.u32 v27, v17;
	v9 =	vmovc v12  }
0x59: {  	v22 =	vmovc v21;
	v35 =	vsub.f32 $1.000000000e+00, v13;
	v26 =	vsub.f32 $1.000000000e+00, v14;
	v12 =	vxor.u32 v29, v15  }
0x5a: {  	v24 =	vadd.s32 v3, v25;
	v27 =	vand.u32 $0xFFFF0000, v18;
	v25 =	vsub.f32 $1.000000000e+00, v12;
	v23 =	vmovc v32  }
.Ltmp1:
0x5b: {  	v21 =	vshll.u32 v18, $0x10;
	v14 =	vand.u32 $0x7FFFFFFF, v22;
	v28 =	vmin.f32 v35, v26;
	(pc) =	sbr.rel @p1 .LBB2_4-.Ltmp1, $4  }
0x5c: {  	v12 =	vand.u32 $0x7FFFFFFF, v16;
	v13 =	vand.u32 $0x7FFFFFFF, v23;
	v19 =	vmin.f32 v28, v25  }
0x5d: {  	v32 =	vmul.f32 v21, v35;
	v36 =	vmin.f32 v35, v25;
	v29 =	vadd.f32 $9.999999960e-13, v19;
	v18 =	vld.idx.msk [tilespmem:v31+s20+$0x0], $0xffff  }
0x5e: {  	v34 =	vmin.f32 v26, v25;
	v31 =	vmul.f32 v21, v26;
	v19 =	vld.idx.msk [tilespmem:v30+s19+$0x0], $0xffff;
	v30 =	vmul.f32 v21, v25  }
0x5f: {  	s2 =	sadd.s32 $0x10, s2;
	v34 =	vmul.f32 v27, v34;
	vm0 =	vle.f32 v35, v29;
	v21 =	vld.idx.msk [tilespmem:v33+s19+$0x0], $0xffff;
	v33 =	vmul.f32 v27, v36  }
0x60: {  	_ =	sdelay $0x3  }
0x61: {  	v35 =	vld.idx.msk [tilespmem:v14+s4+$0x0], $0xffff  }
0x62: {  	v36 =	vld.idx.msk [tilespmem:v13+s4+$0x0], $0xffff;
	v32 =	vnsel vm0, $0x0, v32;
	vm5 =	vle.f32 v26, v29  }
0x63: {  	v27 =	vmul.f32 v27, v28;
	v24 =	vld.idx.msk [tilespmem:v24+s19+$0x0], $0xffff;
	vm6 =	vle.f32 v25, v29;
	v22 =	vand.u32 $0x80000000, v22  }
0x64: {  	v45 =	vld.idx.msk [tilespmem:v12+s4+$0x0], $0xffff;
	v23 =	vand.u32 $0x80000000, v23;
	v16 =	vand.u32 $0x80000000, v16;
	v52 =	vor.u32 s0, v0  }
0x65: {  	v46 =	vadd.f32 v32, v34;
	v31 =	vnsel vm5, $0x0, v31;
	v29 =	vnsel vm6, $0x0, v30  }
0x66: {  	v47 =	vadd.f32 v31, v33;
	v27 =	vadd.f32 v29, v27;
	v54 =	vshll.u32 v18, $0x10  }
0x67: {  	v55 =	vand.u32 $0xFFFF0000, v18;
	v51 =	vand.u32 $0x7FFFFFFF, v19;
	v32 =	vand.u32 $0x7FFFFFFF, v21  }
0x68: {  	v48 =	vxor.u32 v35, v22;
	v49 =	vxor.u32 v36, v23;
	v28 =	vand.u32 $0x7FFFFFFF, v24  }
0x69: {  	v26 =	vxor.u32 v45, v16;
	v30 =	vsub.f32 $1.000000000e+00, v48;
	v31 =	vsub.f32 $1.000000000e+00, v49  }
0x6a: {  	v20 =	vxor.u32 v46, v20;
	v17 =	vxor.u32 v47, v17;
	v25 =	vld.idx.msk [tilespmem:v52+s20+$0x0], $0xffff;
	v26 =	vsub.f32 $1.000000000e+00, v26  }
0x6b: {  	v15 =	vxor.u32 v27, v15;
	v63 =	vand.u32 $0x80000000, v21;
	v50 =	vmin.f32 v30, v31  }
0x6c: {  	v56 =	vmin.f32 v30, v26;
	v57 =	vmul.f32 v54, v30;
	v53 =	vmin.f32 v50, v26;
	v37 =	vld.idx.msk [tilespmem:v32+s4+$0x0], $0xffff  }
0x6d: {  	v38 =	vmin.f32 v31, v26;
	v39 =	vmul.f32 v54, v31;
	v34 =	vadd.f32 $9.999999960e-13, v53;
	v58 =	vld.idx.msk [tilespmem:v28+s4+$0x0], $0xffff  }
0x6e: {  	v24 =	vand.u32 $0x80000000, v24;
	v59 =	vld.idx.msk [tilespmem:v51+s4+$0x0], $0xffff;
	v38 =	vmul.f32 v55, v38;
	v60 =	vmul.f32 v55, v56  }
0x6f: {  	[tilespmem:v10+s23+$0x0] =	vst.idx.add.f32.msk $0xffff, v20;
	v18 =	vmul.f32 v55, v50;
	v10 =	vand.u32 $0xFFFF0000, v25;
	vm7 =	vle.f32 v30, v34  }
0x70: {  	vm8 =	vle.f32 v31, v34;
	vm9 =	vle.f32 v26, v34;
	v36 =	vnsel vm7, $0x0, v57  }
0x71: {  	v26 =	vmul.f32 v54, v26;
	v39 =	vnsel vm8, $0x0, v39;
	v61 =	vadd.f32 v36, v38  }
0x72: {  	v36 =	vand.u32 $0x80000000, v19;
	v38 =	vxor.u32 v37, v63;
	v30 =	vxor.u32 v58, v24  }
0x73: {  	v34 =	vsub.f32 $1.000000000e+00, v38;
	v31 =	vxor.u32 v59, v36;
	v30 =	vsub.f32 $1.000000000e+00, v30  }
0x74: {  	v62 =	vadd.f32 v39, v60;
	v26 =	vnsel vm9, $0x0, v26;
	v39 =	vsub.f32 $1.000000000e+00, v31  }
0x75: {  	v41 =	vshll.u32 v25, $0x10;
	v18 =	vadd.f32 v26, v18;
	v40 =	vmin.f32 v34, v30  }
0x76: {  	v22 =	vxor.u32 v61, v22;
	v23 =	vxor.u32 v62, v23;
	v42 =	vmin.f32 v40, v39  }
0x77: {  	[tilespmem:v11+s23+$0x0] =	vst.idx.add.f32.msk $0xffff, v17;
	v44 =	vmul.f32 v41, v34;
	v11 =	vmin.f32 v34, v39;
	v43 =	vadd.f32 $9.999999960e-13, v42  }
0x78: {  	v45 =	vmin.f32 v30, v39;
	v46 =	vmul.f32 v41, v30;
	v20 =	vmul.f32 v41, v39  }
0x79: {  	v29 =	vmul.f32 v10, v45;
	v11 =	vmul.f32 v10, v11;
	vm10 =	vle.f32 v34, v43  }
0x7a: {  	[tilespmem:v9+s23+$0x0] =	vst.idx.add.f32.msk $0xffff, v15;
	v10 =	vmul.f32 v10, v40;
	vm11 =	vle.f32 v30, v43;
	v9 =	vnsel vm10, $0x0, v44  }
0x7b: {  	[tilespmem:v14+s23+$0x0] =	vst.idx.add.f32.msk $0xffff, v22;
	vm12 =	vle.f32 v39, v43;
	v47 =	vnsel vm11, $0x0, v46;
	v9 =	vadd.f32 v9, v29  }
0x7c: {  	v48 =	vxor.u32 v18, v16;
	[tilespmem:v13+s23+$0x0] =	vst.idx.add.f32.msk $0xffff, v23;
	v49 =	vnsel vm12, $0x0, v20;
	v11 =	vadd.f32 v47, v11  }
0x7d: {  	[tilespmem:v12+s23+$0x0] =	vst.idx.add.f32.msk $0xffff, v48;
	v10 =	vadd.f32 v49, v10;
	v9 =	vxor.u32 v9, v63  }
0x7e: {  	v11 =	vxor.u32 v11, v24;
	[tilespmem:v32+s23+$0x0] =	vst.idx.add.f32.msk $0xffff, v9  }
0x7f: {  	v9 =	vxor.u32 v10, v36;
	[tilespmem:v28+s23+$0x0] =	vst.idx.add.f32.msk $0xffff, v11  }
0x80: {  	[tilespmem:v51+s23+$0x0] =	vst.idx.add.f32.msk $0xffff, v9  }
0x81: {  	v9 =	vld.idx.msk [tilespmem:v5+s19+$0x0], $0xffff  }
0x82: {  	v10 =	vld.idx.msk [tilespmem:v6+s19+$0x0], $0xffff  }
0x83: {  	v11 =	vld.idx.msk [tilespmem:v7+s19+$0x0], $0xffff;
	_ =	sdelay $0x2  }
0x84: {  	v50 =	vand.u32 $0x7FFFFFFF, v9  }
0x85: {  	v51 =	vand.u32 $0x7FFFFFFF, v10  }
0x86: {  	v52 =	vand.u32 $0x7FFFFFFF, v11;
	_ =	sdelay $0x2  }
0x87: {  	v15 =	vld.idx.msk [tilespmem:v50+s4+$0x0], $0xffff  }
0x88: {  	v53 =	vld.idx.msk [tilespmem:v51+s4+$0x0], $0xffff  }
0x89: {  	v54 =	vld.idx.msk [tilespmem:v52+s4+$0x0], $0xffff;
	_ =	sdelay $0x1  }
0x8a: {  	v55 =	vld.idx.msk [tilespmem:v8+s20+$0x0], $0xffff  }
0x8b: {  	v9 =	vand.u32 $0x80000000, v9;
	v10 =	vand.u32 $0x80000000, v10  }
0x8c: {  	v11 =	vand.u32 $0x80000000, v11;
	v15 =	vxor.u32 v15, v9;
	v16 =	vxor.u32 v53, v10  }
0x8d: {  	v17 =	vxor.u32 v54, v11;
	v15 =	vsub.f32 $1.000000000e+00, v15;
	v16 =	vsub.f32 $1.000000000e+00, v16  }
0x8e: {  	v17 =	vsub.f32 $1.000000000e+00, v17  }
0x8f: {  	v58 =	vshll.u32 v55, $0x10;
	v56 =	vmin.f32 v15, v16  }
0x90: {  	v18 =	vand.u32 $0xFFFF0000, v55;
	v59 =	vmin.f32 v16, v17;
	v57 =	vmin.f32 v56, v17  }
0x91: {  	v60 =	vmul.f32 v58, v15;
	v61 =	vmul.f32 v58, v16;
	v20 =	vadd.f32 $9.999999960e-13, v57  }
0x92: {  	v62 =	vmul.f32 v58, v17;
	v22 =	vmul.f32 v18, v59  }
0x93: {  	vm13 =	vle.f32 v15, v20;
	v15 =	vmin.f32 v15, v17;
	vm14 =	vle.f32 v16, v20  }
0x94: {  	vm15 =	vle.f32 v17, v20;
	v23 =	vnsel vm13, $0x0, v60;
	v15 =	vmul.f32 v18, v15  }
0x95: {  	v63 =	vnsel vm14, $0x0, v61;
	v18 =	vmul.f32 v18, v56;
	v22 =	vadd.f32 v23, v22  }
0x96: {  	v16 =	vnsel vm15, $0x0, v62;
	v15 =	vadd.f32 v63, v15  }
0x97: {  	v16 =	vadd.f32 v16, v18;
	v9 =	vxor.u32 v22, v9  }
0x98: {  	v10 =	vxor.u32 v15, v10;
	[tilespmem:v50+s23+$0x0] =	vst.idx.add.f32.msk $0x3ff, v9  }
0x99: {  	v9 =	vxor.u32 v16, v11;
	[tilespmem:v51+s23+$0x0] =	vst.idx.add.f32.msk $0x3ff, v10  }
.Ltmp2:
0x9a: {  	s31 =	rddreg [dreg:$0x7];
	[tilespmem:v52+s23+$0x0] =	vst.idx.add.f32.msk $0x3ff, v9;
	(pc) =	sbr.rel @p0 .LBB2_11-.Ltmp2, $4  }
0x9b: {  	[hbm4b:s31+s17] =	stream.strided.scatter [tilespmem:s23], [sflag:$0x4], $0x2780, s18, s17, $0x38;
	[tilespmem:$0xD500] =	vst v63  }
0x9c: {  	_ =	swait.ge [sflag:s24], $0x2780  }
0x9d: {  	[sflag:s24] =	ssyncset.done $0x0  }
0x9e: {  	[sflag:s24] =	ssyncadd.s32 $0xFFFFD880  }
0x9f: {  	s0 =	rddreg [dreg:$0x4]  }
0xa0: {  	[tilespmem:s4], [sflag:$0x3] =	stream.strided.gather [hbm4b:s0+s17], $0x2780, s18, s17, $0x38;
	[tilespmem:$0xD500] =	vst v63  }
0xa1: {  	s30 =	rddreg [dreg:$0x8]  }
0xa2: {  	[tilespmem:s25], [sflag:$0x2] =	stream.strided.gather [hbm4b:s30+s17], $0x3200, s18, s17, $0x38;
	[tilespmem:$0xD500] =	vst v63  }
0xa3: {  	s31 =	rddreg [dreg:$0x9];
	s0 =	simm.s32 $0x27C0  }
0xa4: {  	[tilespmem:s26], [sflag:$0x2] =	stream.strided.gather [hbm4b:s31+s17], $0x1100, s18, s17, $0x38;
	[tilespmem:$0xD500] =	vst v63  }
0xa5: {  	[tilespmem:s0+$0xFFFFFFC0] =	vst v2  }
0xa6: {  	[tilespmem:s0+$0x30] =	vst v2  }
0xa7: {  	[tilespmem:s0+$0x20] =	vst v2  }
0xa8: {  	[tilespmem:s0+$0x10] =	vst v2  }
0xa9: {  	[tilespmem:s0+$0x0] =	vst v2  }
0xaa: {  	[tilespmem:s0+$0xFFFFFFF0] =	vst v2  }
0xab: {  	s2 =	simm.s32 $0x0;
	[tilespmem:s0+$0xFFFFFFE0] =	vst v2  }
.LBB2_7:
0xac: {  	s2 =	sadd.s32 $0x8, s2;
	[tilespmem:s0+$0xFFFFFFD0] =	vst v2;
	s0 =	sadd.s32 $0x80, s0  }
0xad: {  	[tilespmem:s0+$0xFFFFFFC0] =	vst v2;
	p1 =	slt.u32 s2, $0x268  }
0xae: {  	[tilespmem:s0+$0x30] =	vst v2  }
.Ltmp3:
0xaf: {  	[tilespmem:s0+$0x20] =	vst v2;
	(pc) =	sbr.rel @p1 .LBB2_7-.Ltmp3, $4  }
0xb0: {  	[tilespmem:s0+$0x10] =	vst v2  }
0xb1: {  	[tilespmem:s0+$0x0] =	vst v2  }
0xb2: {  	[tilespmem:s0+$0xFFFFFFF0] =	vst v2  }
0xb3: {  	[tilespmem:s0+$0xFFFFFFE0] =	vst v2  }
0xb4: {  	[tilespmem:s0+$0xFFFFFFD0] =	vst v2  }
0xb5: {  	[tilespmem:$0x4E80] =	vst v2  }
0xb6: {  	s31 =	simm.s32 $0x0;
	_ =	swait.ge [sflag:s21], $0x2780  }
0xb7: {  	v9 =	vmov s31;
	[sflag:s21] =	ssyncset.done $0x0  }
0xb8: {  	v9 =	vmul.u32 $0x3, v9;
	[sflag:s21] =	ssyncadd.s32 $0xFFFFD880  }
0xb9: {  	_ =	swait.ge [sflag:s28], $0x3200  }
0xba: {  	v10 =	vadd.s32 v1, v9;
	[sflag:s28] =	ssyncset.done $0x0  }
0xbb: {  	v11 =	vadd.s32 v3, v9;
	[sflag:s28] =	ssyncadd.s32 $0xFFFFCE00  }
0xbc: {  	v9 =	vadd.s32 v4, v9;
	_ =	swait.ge [sflag:s28], $0x1100  }
0xbd: {  	[sflag:s28] =	ssyncset.done $0x0  }
0xbe: {  	[sflag:s28] =	ssyncadd.s32 $0xFFFFEF00  }
0xbf: {  	v12 =	vld.idx.msk [tilespmem:v10+s25+$0x0], $0xffff  }
0xc0: {  	v13 =	vld.idx.msk [tilespmem:v11+s25+$0x0], $0xffff  }
0xc1: {  	v14 =	vld.idx.msk [tilespmem:v9+s25+$0x0], $0xffff;
	_ =	sdelay $0x1  }
0xc2: {  	s2 =	simm.s32 $0x10;
	v15 =	vor.u32 s31, v0  }
0xc3: {  	v9 =	vmov s2;
	v10 =	vand.u32 $0x7FFFFFFF, v12  }
0xc4: {  	v16 =	vmul.u32 $0x3, v9;
	v11 =	vand.u32 $0x7FFFFFFF, v13  }
0xc5: {  	v9 =	vand.u32 $0x7FFFFFFF, v14  }
0xc6: {  	v18 =	vadd.s32 v1, v16  }
0xc7: {  	v19 =	vld.idx.msk [tilespmem:v15+s26+$0x0], $0xffff;
	v17 =	vadd.s32 v4, v16  }
0xc8: {  	s0 =	simm.s32 $0x20;
	v15 =	vadd.s32 v3, v16;
	v21 =	vld.idx.msk [tilespmem:v10+s4+$0x0], $0xffff  }
0xc9: {  	v16 =	vmov s0;
	v24 =	vld.idx.msk [tilespmem:v11+s4+$0x0], $0xffff  }
0xca: {  	v27 =	vmul.u32 $0x3, v16;
	v25 =	vld.idx.msk [tilespmem:v9+s4+$0x0], $0xffff  }
0xcb: {  	v22 =	vld.idx.msk [tilespmem:v18+s25+$0x0], $0xffff  }
0xcc: {  	v20 =	vand.u32 $0x80000000, v12;
	v30 =	vadd.s32 v4, v27;
	v16 =	vld.idx.msk [tilespmem:v17+s25+$0x0], $0xffff  }
0xcd: {  	v33 =	vadd.s32 v1, v27;
	v18 =	vor.u32 s2, v0;
	v23 =	vld.idx.msk [tilespmem:v15+s25+$0x0], $0xffff;
	v17 =	vand.u32 $0x80000000, v13  }
0xce: {  	v15 =	vand.u32 $0x80000000, v14;
	v12 =	vxor.u32 v21, v20;
	v13 =	vxor.u32 v24, v17  }
0xcf: {  	v35 =	vsub.f32 $1.000000000e+00, v12;
	v26 =	vsub.f32 $1.000000000e+00, v13;
	v12 =	vxor.u32 v25, v15  }
0xd0: {  	v14 =	vand.u32 $0x7FFFFFFF, v22;
	v24 =	vadd.s32 v3, v27;
	v25 =	vsub.f32 $1.000000000e+00, v12  }
0xd1: {  	v27 =	vand.u32 $0xFFFF0000, v19;
	v21 =	vshll.u32 v19, $0x10;
	v28 =	vmin.f32 v35, v26  }
0xd2: {  	v13 =	vand.u32 $0x7FFFFFFF, v23;
	v12 =	vand.u32 $0x7FFFFFFF, v16;
	v19 =	vmin.f32 v28, v25  }
0xd3: {  	v18 =	vld.idx.msk [tilespmem:v18+s26+$0x0], $0xffff;
	v32 =	vmul.f32 v21, v35;
	v31 =	vmul.f32 v21, v26;
	v29 =	vadd.f32 $9.999999960e-13, v19  }
0xd4: {  	v36 =	vmin.f32 v35, v25;
	v34 =	vmin.f32 v26, v25;
	v19 =	vld.idx.msk [tilespmem:v30+s25+$0x0], $0xffff;
	v30 =	vmul.f32 v21, v25  }
0xd5: {  	s2 =	simm.s32 $0x30;
	v21 =	vld.idx.msk [tilespmem:v33+s25+$0x0], $0xffff;
	v34 =	vmul.f32 v27, v34;
	v33 =	vmul.f32 v27, v36;
	vm0 =	vle.f32 v35, v29  }
.LBB2_9:
0xd6: {  	p1 =	sne.s32 s2, $0x1080;
	v35 =	vld.idx.msk [tilespmem:v14+s4+$0x0], $0xffff;
	v32 =	vnsel vm0, $0x0, v32;
	vm0 =	vle.f32 v26, v29;
	v26 =	vmul.f32 v27, v28  }
0xd7: {  	v27 =	vld.idx.msk [tilespmem:v13+s4+$0x0], $0xffff;
	v28 =	vadd.f32 v32, v34;
	v31 =	vnsel vm0, $0x0, v31;
	vm0 =	vle.f32 v25, v29  }
0xd8: {  	v25 =	vmov s2;
	v29 =	vld.idx.msk [tilespmem:v12+s4+$0x0], $0xffff;
	v31 =	vadd.f32 v31, v33;
	v30 =	vnsel vm0, $0x0, v30  }
0xd9: {  	v25 =	vmul.u32 $0x3, v25;
	v32 =	vld.idx.msk [tilespmem:v24+s25+$0x0], $0xffff;
	v20 =	vxor.u32 v28, v20;
	v24 =	vadd.f32 v30, v26  }
0xda: {  	v17 =	vxor.u32 v31, v17;
	[tilespmem:v10+s23+$0x0] =	vst.idx.add.f32.msk $0xffff, v20;
	v10 =	vmov v14  }
0xdb: {  	v30 =	vadd.s32 v4, v25;
	v31 =	vor.u32 s0, v0;
	s0 =	smov.u32 s2;
	v14 =	vxor.u32 v24, v15;
	[tilespmem:v11+s23+$0x0] =	vst.idx.add.f32.msk $0xffff, v17  }
0xdc: {  	v33 =	vadd.s32 v1, v25;
	v20 =	vand.u32 $0x80000000, v22;
	v17 =	vand.u32 $0x80000000, v23;
	v11 =	vmovc v13;
	[tilespmem:v9+s23+$0x0] =	vst.idx.add.f32.msk $0xffff, v14  }
0xdd: {  	v15 =	vand.u32 $0x80000000, v16;
	v13 =	vxor.u32 v35, v20;
	v16 =	vmovc v19;
	v14 =	vxor.u32 v27, v17;
	v9 =	vmovc v12  }
0xde: {  	v22 =	vmovc v21;
	v35 =	vsub.f32 $1.000000000e+00, v13;
	v26 =	vsub.f32 $1.000000000e+00, v14;
	v12 =	vxor.u32 v29, v15  }
0xdf: {  	v24 =	vadd.s32 v3, v25;
	v27 =	vand.u32 $0xFFFF0000, v18;
	v25 =	vsub.f32 $1.000000000e+00, v12;
	v23 =	vmovc v32  }
.Ltmp4:
0xe0: {  	v21 =	vshll.u32 v18, $0x10;
	v14 =	vand.u32 $0x7FFFFFFF, v22;
	v28 =	vmin.f32 v35, v26;
	(pc) =	sbr.rel @p1 .LBB2_9-.Ltmp4, $4  }
0xe1: {  	v12 =	vand.u32 $0x7FFFFFFF, v16;
	v13 =	vand.u32 $0x7FFFFFFF, v23;
	v19 =	vmin.f32 v28, v25  }
0xe2: {  	v32 =	vmul.f32 v21, v35;
	v36 =	vmin.f32 v35, v25;
	v29 =	vadd.f32 $9.999999960e-13, v19;
	v18 =	vld.idx.msk [tilespmem:v31+s26+$0x0], $0xffff  }
0xe3: {  	v34 =	vmin.f32 v26, v25;
	v31 =	vmul.f32 v21, v26;
	v19 =	vld.idx.msk [tilespmem:v30+s25+$0x0], $0xffff;
	v30 =	vmul.f32 v21, v25  }
0xe4: {  	s2 =	sadd.s32 $0x10, s2;
	v34 =	vmul.f32 v27, v34;
	vm0 =	vle.f32 v35, v29;
	v21 =	vld.idx.msk [tilespmem:v33+s25+$0x0], $0xffff;
	v33 =	vmul.f32 v27, v36  }
0xe5: {  	_ =	sdelay $0x3  }
0xe6: {  	v35 =	vld.idx.msk [tilespmem:v14+s4+$0x0], $0xffff  }
0xe7: {  	v36 =	vld.idx.msk [tilespmem:v13+s4+$0x0], $0xffff;
	v32 =	vnsel vm0, $0x0, v32;
	vm5 =	vle.f32 v26, v29  }
0xe8: {  	v27 =	vmul.f32 v27, v28;
	v24 =	vld.idx.msk [tilespmem:v24+s25+$0x0], $0xffff;
	vm6 =	vle.f32 v25, v29;
	v22 =	vand.u32 $0x80000000, v22  }
0xe9: {  	v45 =	vld.idx.msk [tilespmem:v12+s4+$0x0], $0xffff;
	v23 =	vand.u32 $0x80000000, v23;
	v16 =	vand.u32 $0x80000000, v16;
	v52 =	vor.u32 s0, v0  }
0xea: {  	v46 =	vadd.f32 v32, v34;
	v31 =	vnsel vm5, $0x0, v31;
	v29 =	vnsel vm6, $0x0, v30  }
0xeb: {  	v47 =	vadd.f32 v31, v33;
	v27 =	vadd.f32 v29, v27;
	v54 =	vshll.u32 v18, $0x10  }
0xec: {  	v55 =	vand.u32 $0xFFFF0000, v18;
	v51 =	vand.u32 $0x7FFFFFFF, v19;
	v32 =	vand.u32 $0x7FFFFFFF, v21  }
0xed: {  	v48 =	vxor.u32 v35, v22;
	v49 =	vxor.u32 v36, v23;
	v28 =	vand.u32 $0x7FFFFFFF, v24  }
0xee: {  	v26 =	vxor.u32 v45, v16;
	v30 =	vsub.f32 $1.000000000e+00, v48;
	v31 =	vsub.f32 $1.000000000e+00, v49  }
0xef: {  	v20 =	vxor.u32 v46, v20;
	v17 =	vxor.u32 v47, v17;
	v25 =	vld.idx.msk [tilespmem:v52+s26+$0x0], $0xffff;
	v26 =	vsub.f32 $1.000000000e+00, v26  }
0xf0: {  	v15 =	vxor.u32 v27, v15;
	v63 =	vand.u32 $0x80000000, v21;
	v50 =	vmin.f32 v30, v31  }
0xf1: {  	v56 =	vmin.f32 v30, v26;
	v57 =	vmul.f32 v54, v30;
	v53 =	vmin.f32 v50, v26;
	v37 =	vld.idx.msk [tilespmem:v32+s4+$0x0], $0xffff  }
0xf2: {  	v38 =	vmin.f32 v31, v26;
	v39 =	vmul.f32 v54, v31;
	v34 =	vadd.f32 $9.999999960e-13, v53;
	v58 =	vld.idx.msk [tilespmem:v28+s4+$0x0], $0xffff  }
0xf3: {  	v24 =	vand.u32 $0x80000000, v24;
	v59 =	vld.idx.msk [tilespmem:v51+s4+$0x0], $0xffff;
	v38 =	vmul.f32 v55, v38;
	v60 =	vmul.f32 v55, v56  }
0xf4: {  	[tilespmem:v10+s23+$0x0] =	vst.idx.add.f32.msk $0xffff, v20;
	v18 =	vmul.f32 v55, v50;
	v10 =	vand.u32 $0xFFFF0000, v25;
	vm7 =	vle.f32 v30, v34  }
0xf5: {  	vm8 =	vle.f32 v31, v34;
	vm9 =	vle.f32 v26, v34;
	v36 =	vnsel vm7, $0x0, v57  }
0xf6: {  	v26 =	vmul.f32 v54, v26;
	v39 =	vnsel vm8, $0x0, v39;
	v61 =	vadd.f32 v36, v38  }
0xf7: {  	v36 =	vand.u32 $0x80000000, v19;
	v38 =	vxor.u32 v37, v63;
	v30 =	vxor.u32 v58, v24  }
0xf8: {  	v34 =	vsub.f32 $1.000000000e+00, v38;
	v31 =	vxor.u32 v59, v36;
	v30 =	vsub.f32 $1.000000000e+00, v30  }
0xf9: {  	v62 =	vadd.f32 v39, v60;
	v26 =	vnsel vm9, $0x0, v26;
	v39 =	vsub.f32 $1.000000000e+00, v31  }
0xfa: {  	v41 =	vshll.u32 v25, $0x10;
	v18 =	vadd.f32 v26, v18;
	v40 =	vmin.f32 v34, v30  }
0xfb: {  	v22 =	vxor.u32 v61, v22;
	v23 =	vxor.u32 v62, v23;
	v42 =	vmin.f32 v40, v39  }
0xfc: {  	[tilespmem:v11+s23+$0x0] =	vst.idx.add.f32.msk $0xffff, v17;
	v44 =	vmul.f32 v41, v34;
	v11 =	vmin.f32 v34, v39;
	v43 =	vadd.f32 $9.999999960e-13, v42  }
0xfd: {  	v45 =	vmin.f32 v30, v39;
	v46 =	vmul.f32 v41, v30;
	v20 =	vmul.f32 v41, v39  }
0xfe: {  	v29 =	vmul.f32 v10, v45;
	v11 =	vmul.f32 v10, v11;
	vm10 =	vle.f32 v34, v43  }
0xff: {  	[tilespmem:v9+s23+$0x0] =	vst.idx.add.f32.msk $0xffff, v15;
	v10 =	vmul.f32 v10, v40;
	vm11 =	vle.f32 v30, v43;
	v9 =	vnsel vm10, $0x0, v44  }
0x100: {  	[tilespmem:v14+s23+$0x0] =	vst.idx.add.f32.msk $0xffff, v22;
	vm12 =	vle.f32 v39, v43;
	v47 =	vnsel vm11, $0x0, v46;
	v9 =	vadd.f32 v9, v29  }
0x101: {  	v48 =	vxor.u32 v18, v16;
	[tilespmem:v13+s23+$0x0] =	vst.idx.add.f32.msk $0xffff, v23;
	v49 =	vnsel vm12, $0x0, v20;
	v11 =	vadd.f32 v47, v11  }
0x102: {  	[tilespmem:v12+s23+$0x0] =	vst.idx.add.f32.msk $0xffff, v48;
	v10 =	vadd.f32 v49, v10;
	v9 =	vxor.u32 v9, v63  }
0x103: {  	v11 =	vxor.u32 v11, v24;
	[tilespmem:v32+s23+$0x0] =	vst.idx.add.f32.msk $0xffff, v9  }
0x104: {  	v9 =	vxor.u32 v10, v36;
	[tilespmem:v28+s23+$0x0] =	vst.idx.add.f32.msk $0xffff, v11  }
0x105: {  	[tilespmem:v51+s23+$0x0] =	vst.idx.add.f32.msk $0xffff, v9  }
0x106: {  	v9 =	vld.idx.msk [tilespmem:v5+s25+$0x0], $0xffff  }
0x107: {  	v10 =	vld.idx.msk [tilespmem:v6+s25+$0x0], $0xffff  }
0x108: {  	v11 =	vld.idx.msk [tilespmem:v7+s25+$0x0], $0xffff;
	_ =	sdelay $0x2  }
0x109: {  	v50 =	vand.u32 $0x7FFFFFFF, v9  }
0x10a: {  	v51 =	vand.u32 $0x7FFFFFFF, v10  }
0x10b: {  	v52 =	vand.u32 $0x7FFFFFFF, v11;
	_ =	sdelay $0x2  }
0x10c: {  	v15 =	vld.idx.msk [tilespmem:v50+s4+$0x0], $0xffff  }
0x10d: {  	v53 =	vld.idx.msk [tilespmem:v51+s4+$0x0], $0xffff  }
0x10e: {  	v54 =	vld.idx.msk [tilespmem:v52+s4+$0x0], $0xffff;
	_ =	sdelay $0x1  }
0x10f: {  	v55 =	vld.idx.msk [tilespmem:v8+s26+$0x0], $0xffff  }
0x110: {  	v9 =	vand.u32 $0x80000000, v9;
	v10 =	vand.u32 $0x80000000, v10  }
0x111: {  	v11 =	vand.u32 $0x80000000, v11;
	v15 =	vxor.u32 v15, v9;
	v16 =	vxor.u32 v53, v10  }
0x112: {  	v17 =	vxor.u32 v54, v11;
	v15 =	vsub.f32 $1.000000000e+00, v15;
	v16 =	vsub.f32 $1.000000000e+00, v16  }
0x113: {  	v17 =	vsub.f32 $1.000000000e+00, v17  }
0x114: {  	v58 =	vshll.u32 v55, $0x10;
	v56 =	vmin.f32 v15, v16  }
0x115: {  	v18 =	vand.u32 $0xFFFF0000, v55;
	v59 =	vmin.f32 v16, v17;
	v57 =	vmin.f32 v56, v17  }
0x116: {  	v60 =	vmul.f32 v58, v15;
	v61 =	vmul.f32 v58, v16;
	v20 =	vadd.f32 $9.999999960e-13, v57  }
0x117: {  	v62 =	vmul.f32 v58, v17;
	v22 =	vmul.f32 v18, v59  }
0x118: {  	vm13 =	vle.f32 v15, v20;
	v15 =	vmin.f32 v15, v17;
	vm14 =	vle.f32 v16, v20  }
0x119: {  	vm15 =	vle.f32 v17, v20;
	v23 =	vnsel vm13, $0x0, v60;
	v15 =	vmul.f32 v18, v15  }
0x11a: {  	v63 =	vnsel vm14, $0x0, v61;
	v18 =	vmul.f32 v18, v56;
	v22 =	vadd.f32 v23, v22  }
0x11b: {  	v16 =	vnsel vm15, $0x0, v62;
	v15 =	vadd.f32 v63, v15  }
0x11c: {  	v16 =	vadd.f32 v16, v18;
	v9 =	vxor.u32 v22, v9  }
0x11d: {  	v10 =	vxor.u32 v15, v10;
	[tilespmem:v50+s23+$0x0] =	vst.idx.add.f32.msk $0x3ff, v9  }
0x11e: {  	v9 =	vxor.u32 v16, v11;
	[tilespmem:v51+s23+$0x0] =	vst.idx.add.f32.msk $0x3ff, v10  }
0x11f: {  	s31 =	rddreg [dreg:$0xa];
	[tilespmem:v52+s23+$0x0] =	vst.idx.add.f32.msk $0x3ff, v9  }
0x120: {  	[hbm4b:s31+s17] =	stream.strided.scatter [tilespmem:s23], [sflag:$0x4], $0x2780, s18, s17, $0x38;
	[tilespmem:$0xD500] =	vst v63  }
0x121: {  	_ =	swait.ge [sflag:s24], $0x2780  }
0x122: {  	[sflag:s24] =	ssyncset.done $0x0  }
0x123: {  	[sflag:s24] =	ssyncadd.s32 $0xFFFFD880  }
.LBB2_11:
0x124: {  	s30 =	simm.s32 $0x0  }
.LBB2_12:
0x125: {  	s0 =	sshll.u32 s30, $0x5  }
0x126: {  	s2 =	sor.u32 s5, s0  }
0x127: {  	s0 =	sshrl.u32 s2, $0x3  }
0x128: {  	s0 =	smul.u32 $0x13C00, s0;
	_ =	sdelay $0x1  }
0x129: {  	s0 =	sor.u32 s15, s0  }
0x12a: {  	s31 =	sshrl.u32 s0, $0x3;
	s0 =	smul.u32 $0x32000, s2  }
0x12b: {  	s2 =	smul.u32 $0x11000, s2;
	s9 =	sadd.s32 s1, s31  }
0x12c: {  	[tilespmem:s4], [sflag:$0x3] =	stream.strided.gather [hbm4b:s9+s17], $0x2780, s18, s17, $0x38;
	[tilespmem:$0xD500] =	vst v63  }
0x12d: {  	s14 =	sshrl.u32 s0, $0x3  }
0x12e: {  	s16 =	sshrl.u32 s2, $0x3;
	s9 =	sadd.s32 s7, s14  }
0x12f: {  	[tilespmem:s19], [sflag:$0x1] =	stream.strided.gather [hbm4b:s9+s17], $0x3200, s18, s17, $0x38;
	[tilespmem:$0xD500] =	vst v63  }
0x130: {  	s9 =	sadd.s32 s6, s16  }
0x131: {  	[tilespmem:s20], [sflag:$0x1] =	stream.strided.gather [hbm4b:s9+s17], $0x1100, s18, s17, $0x38;
	[tilespmem:$0xD500] =	vst v63  }
0x132: {  	s9 =	simm.s32 $0x27C0  }
0x133: {  	[tilespmem:s9+$0xFFFFFFC0] =	vst v2  }
0x134: {  	[tilespmem:s9+$0x30] =	vst v2  }
0x135: {  	[tilespmem:s9+$0x20] =	vst v2  }
0x136: {  	[tilespmem:s9+$0x10] =	vst v2  }
0x137: {  	[tilespmem:s9+$0x0] =	vst v2  }
0x138: {  	[tilespmem:s9+$0xFFFFFFF0] =	vst v2  }
0x139: {  	s12 =	simm.s32 $0x0;
	[tilespmem:s9+$0xFFFFFFE0] =	vst v2  }
.LBB2_13:
0x13a: {  	s12 =	sadd.s32 $0x8, s12;
	[tilespmem:s9+$0xFFFFFFD0] =	vst v2;
	s9 =	sadd.s32 $0x80, s9  }
0x13b: {  	[tilespmem:s9+$0xFFFFFFC0] =	vst v2;
	p1 =	slt.u32 s12, $0x268  }
0x13c: {  	[tilespmem:s9+$0x30] =	vst v2  }
.Ltmp5:
0x13d: {  	[tilespmem:s9+$0x20] =	vst v2;
	(pc) =	sbr.rel @p1 .LBB2_13-.Ltmp5, $4  }
0x13e: {  	[tilespmem:s9+$0x10] =	vst v2  }
0x13f: {  	[tilespmem:s9+$0x0] =	vst v2  }
0x140: {  	[tilespmem:s9+$0xFFFFFFF0] =	vst v2  }
0x141: {  	[tilespmem:s9+$0xFFFFFFE0] =	vst v2  }
0x142: {  	[tilespmem:s9+$0xFFFFFFD0] =	vst v2  }
0x143: {  	[tilespmem:$0x4E80] =	vst v2  }
0x144: {  	_ =	swait.ge [sflag:s21], $0x2780  }
0x145: {  	[sflag:s21] =	ssyncset.done $0x0  }
0x146: {  	s12 =	simm.s32 $0x0;
	s13 =	simm.s32 $0x0;
	[sflag:s21] =	ssyncadd.s32 $0xFFFFD880  }
.LBB2_15:
0x147: {  	s9 =	sshrl.u32 s13, $0x2  }
0x148: {  	s10 =	sshll.u32 s13, $0x8;
	s14 =	smul.u32 $0x19000, s9  }
0x149: {  	s10 =	sand.u32 $0x300, s10;
	s9 =	smul.u32 $0x8800, s9  }
0x14a: {  	s10 =	sor.u32 $0x80, s10;
	s14 =	sadd.s32 s0, s14  }
0x14b: {  	s9 =	sadd.s32 s2, s9;
	s14 =	sor.u32 s10, s14  }
0x14c: {  	s9 =	sor.u32 s10, s9;
	s14 =	sshrl.u32 s14, $0x3  }
0x14d: {  	s9 =	sshrl.u32 s9, $0x3;
	s14 =	sadd.s32 s7, s14  }
0x14e: {  	[tilespmem:s25], [sflag:$0x2] =	stream.strided.gather [hbm4b:s14+s17], $0x3200, s18, s17, $0x38;
	[tilespmem:$0xD500] =	vst v63  }
0x14f: {  	v9 =	vmov s12;
	s9 =	sadd.s32 s6, s9  }
0x150: {  	v9 =	vmul.u32 $0x3, v9;
	[tilespmem:s26], [sflag:$0x2] =	stream.strided.gather [hbm4b:s9+s17], $0x1100, s18, s17, $0x38;
	[tilespmem:$0xD500] =	vst v63  }
0x151: {  	_ =	swait.ge [sflag:s22], $0x3200  }
0x152: {  	v10 =	vadd.s32 v1, v9;
	[sflag:s22] =	ssyncset.done $0x0  }
0x153: {  	v11 =	vadd.s32 v3, v9;
	[sflag:s22] =	ssyncadd.s32 $0xFFFFCE00  }
0x154: {  	v9 =	vadd.s32 v4, v9;
	_ =	swait.ge [sflag:s22], $0x1100  }
0x155: {  	[sflag:s22] =	ssyncset.done $0x0  }
0x156: {  	[sflag:s22] =	ssyncadd.s32 $0xFFFFEF00  }
0x157: {  	v12 =	vld.idx.msk [tilespmem:v10+s19+$0x0], $0xffff  }
0x158: {  	v13 =	vld.idx.msk [tilespmem:v11+s19+$0x0], $0xffff  }
0x159: {  	v14 =	vld.idx.msk [tilespmem:v9+s19+$0x0], $0xffff;
	_ =	sdelay $0x1  }
0x15a: {  	s16 =	simm.s32 $0x10;
	v15 =	vor.u32 s12, v0  }
0x15b: {  	v9 =	vmov s16;
	v10 =	vand.u32 $0x7FFFFFFF, v12  }
0x15c: {  	v16 =	vmul.u32 $0x3, v9;
	v11 =	vand.u32 $0x7FFFFFFF, v13  }
0x15d: {  	v9 =	vand.u32 $0x7FFFFFFF, v14  }
0x15e: {  	v18 =	vadd.s32 v1, v16  }
0x15f: {  	v19 =	vld.idx.msk [tilespmem:v15+s20+$0x0], $0xffff;
	v17 =	vadd.s32 v4, v16  }
0x160: {  	s14 =	simm.s32 $0x20;
	v15 =	vadd.s32 v3, v16;
	v21 =	vld.idx.msk [tilespmem:v10+s4+$0x0], $0xffff  }
0x161: {  	v16 =	vmov s14;
	v24 =	vld.idx.msk [tilespmem:v11+s4+$0x0], $0xffff  }
0x162: {  	v27 =	vmul.u32 $0x3, v16;
	v25 =	vld.idx.msk [tilespmem:v9+s4+$0x0], $0xffff  }
0x163: {  	v22 =	vld.idx.msk [tilespmem:v18+s19+$0x0], $0xffff  }
0x164: {  	v20 =	vand.u32 $0x80000000, v12;
	v30 =	vadd.s32 v4, v27;
	v16 =	vld.idx.msk [tilespmem:v17+s19+$0x0], $0xffff  }
0x165: {  	v33 =	vadd.s32 v1, v27;
	v18 =	vor.u32 s16, v0;
	v23 =	vld.idx.msk [tilespmem:v15+s19+$0x0], $0xffff;
	v17 =	vand.u32 $0x80000000, v13  }
0x166: {  	v15 =	vand.u32 $0x80000000, v14;
	v12 =	vxor.u32 v21, v20;
	v13 =	vxor.u32 v24, v17  }
0x167: {  	v35 =	vsub.f32 $1.000000000e+00, v12;
	v26 =	vsub.f32 $1.000000000e+00, v13;
	v12 =	vxor.u32 v25, v15  }
0x168: {  	v14 =	vand.u32 $0x7FFFFFFF, v22;
	v24 =	vadd.s32 v3, v27;
	v25 =	vsub.f32 $1.000000000e+00, v12  }
0x169: {  	v27 =	vand.u32 $0xFFFF0000, v19;
	v21 =	vshll.u32 v19, $0x10;
	v28 =	vmin.f32 v35, v26  }
0x16a: {  	v13 =	vand.u32 $0x7FFFFFFF, v23;
	v12 =	vand.u32 $0x7FFFFFFF, v16;
	v19 =	vmin.f32 v28, v25  }
0x16b: {  	v18 =	vld.idx.msk [tilespmem:v18+s20+$0x0], $0xffff;
	v32 =	vmul.f32 v21, v35;
	v31 =	vmul.f32 v21, v26;
	v29 =	vadd.f32 $9.999999960e-13, v19  }
0x16c: {  	v36 =	vmin.f32 v35, v25;
	v34 =	vmin.f32 v26, v25;
	v19 =	vld.idx.msk [tilespmem:v30+s19+$0x0], $0xffff;
	v30 =	vmul.f32 v21, v25  }
0x16d: {  	s9 =	simm.s32 $0x30;
	v21 =	vld.idx.msk [tilespmem:v33+s19+$0x0], $0xffff;
	v34 =	vmul.f32 v27, v34;
	v33 =	vmul.f32 v27, v36;
	vm0 =	vle.f32 v35, v29  }
.LBB2_16:
0x16e: {  	p1 =	sne.s32 s9, $0x1080;
	v35 =	vld.idx.msk [tilespmem:v14+s4+$0x0], $0xffff;
	v32 =	vnsel vm0, $0x0, v32;
	vm0 =	vle.f32 v26, v29;
	v26 =	vmul.f32 v27, v28  }
0x16f: {  	v27 =	vld.idx.msk [tilespmem:v13+s4+$0x0], $0xffff;
	v28 =	vadd.f32 v32, v34;
	v31 =	vnsel vm0, $0x0, v31;
	vm0 =	vle.f32 v25, v29  }
0x170: {  	v25 =	vmov s9;
	v29 =	vld.idx.msk [tilespmem:v12+s4+$0x0], $0xffff;
	v31 =	vadd.f32 v31, v33;
	v30 =	vnsel vm0, $0x0, v30  }
0x171: {  	v25 =	vmul.u32 $0x3, v25;
	v32 =	vld.idx.msk [tilespmem:v24+s19+$0x0], $0xffff;
	v20 =	vxor.u32 v28, v20;
	v24 =	vadd.f32 v30, v26  }
0x172: {  	v17 =	vxor.u32 v31, v17;
	[tilespmem:v10+s23+$0x0] =	vst.idx.add.f32.msk $0xffff, v20;
	v10 =	vmov v14  }
0x173: {  	v30 =	vadd.s32 v4, v25;
	v31 =	vor.u32 s14, v0;
	s14 =	smov.u32 s9;
	v14 =	vxor.u32 v24, v15;
	[tilespmem:v11+s23+$0x0] =	vst.idx.add.f32.msk $0xffff, v17  }
0x174: {  	v33 =	vadd.s32 v1, v25;
	v20 =	vand.u32 $0x80000000, v22;
	v17 =	vand.u32 $0x80000000, v23;
	v11 =	vmovc v13;
	[tilespmem:v9+s23+$0x0] =	vst.idx.add.f32.msk $0xffff, v14  }
0x175: {  	v15 =	vand.u32 $0x80000000, v16;
	v13 =	vxor.u32 v35, v20;
	v16 =	vmovc v19;
	v14 =	vxor.u32 v27, v17;
	v9 =	vmovc v12  }
0x176: {  	v22 =	vmovc v21;
	v35 =	vsub.f32 $1.000000000e+00, v13;
	v26 =	vsub.f32 $1.000000000e+00, v14;
	v12 =	vxor.u32 v29, v15  }
0x177: {  	v24 =	vadd.s32 v3, v25;
	v27 =	vand.u32 $0xFFFF0000, v18;
	v25 =	vsub.f32 $1.000000000e+00, v12;
	v23 =	vmovc v32  }
.Ltmp6:
0x178: {  	v21 =	vshll.u32 v18, $0x10;
	v14 =	vand.u32 $0x7FFFFFFF, v22;
	v28 =	vmin.f32 v35, v26;
	(pc) =	sbr.rel @p1 .LBB2_16-.Ltmp6, $4  }
0x179: {  	v12 =	vand.u32 $0x7FFFFFFF, v16;
	v13 =	vand.u32 $0x7FFFFFFF, v23;
	v19 =	vmin.f32 v28, v25  }
0x17a: {  	v32 =	vmul.f32 v21, v35;
	v36 =	vmin.f32 v35, v25;
	v29 =	vadd.f32 $9.999999960e-13, v19;
	v18 =	vld.idx.msk [tilespmem:v31+s20+$0x0], $0xffff  }
0x17b: {  	v34 =	vmin.f32 v26, v25;
	v31 =	vmul.f32 v21, v26;
	v19 =	vld.idx.msk [tilespmem:v30+s19+$0x0], $0xffff;
	v30 =	vmul.f32 v21, v25  }
0x17c: {  	s9 =	sadd.s32 $0x10, s9;
	v34 =	vmul.f32 v27, v34;
	vm0 =	vle.f32 v35, v29;
	v21 =	vld.idx.msk [tilespmem:v33+s19+$0x0], $0xffff;
	v33 =	vmul.f32 v27, v36  }
0x17d: {  	_ =	sdelay $0x3  }
0x17e: {  	v35 =	vld.idx.msk [tilespmem:v14+s4+$0x0], $0xffff  }
0x17f: {  	v36 =	vld.idx.msk [tilespmem:v13+s4+$0x0], $0xffff  }
0x180: {  	v32 =	vnsel vm0, $0x0, v32;
	vm0 =	vle.f32 v26, v29;
	v26 =	vld.idx.msk [tilespmem:v12+s4+$0x0], $0xffff  }
0x181: {  	v27 =	vmul.f32 v27, v28;
	v24 =	vld.idx.msk [tilespmem:v24+s19+$0x0], $0xffff;
	v22 =	vand.u32 $0x80000000, v22;
	v23 =	vand.u32 $0x80000000, v23  }
0x182: {  	v16 =	vand.u32 $0x80000000, v16;
	v31 =	vnsel vm0, $0x0, v31;
	vm0 =	vle.f32 v25, v29  }
0x183: {  	v28 =	vadd.f32 v32, v34;
	v25 =	vadd.f32 v31, v33;
	v29 =	vnsel vm0, $0x0, v30  }
0x184: {  	v53 =	vand.u32 $0x7FFFFFFF, v21;
	v30 =	vxor.u32 v35, v22;
	v31 =	vxor.u32 v36, v23  }
0x185: {  	v26 =	vxor.u32 v26, v16;
	v30 =	vsub.f32 $1.000000000e+00, v30;
	v31 =	vsub.f32 $1.000000000e+00, v31  }
0x186: {  	v20 =	vxor.u32 v28, v20;
	v28 =	vand.u32 $0x7FFFFFFF, v24;
	v26 =	vsub.f32 $1.000000000e+00, v26  }
0x187: {  	v27 =	vadd.f32 v29, v27;
	v54 =	vand.u32 $0x7FFFFFFF, v19;
	v29 =	vmin.f32 v30, v31  }
0x188: {  	v17 =	vxor.u32 v25, v17;
	v25 =	vor.u32 s14, v0;
	v55 =	vmin.f32 v29, v26  }
0x189: {  	v15 =	vxor.u32 v27, v15;
	v27 =	vshll.u32 v18, $0x10;
	v34 =	vadd.f32 $9.999999960e-13, v55  }
0x18a: {  	v19 =	vand.u32 $0x80000000, v19;
	v18 =	vand.u32 $0xFFFF0000, v18;
	v57 =	vmul.f32 v27, v30;
	v37 =	vld.idx.msk [tilespmem:v53+s4+$0x0], $0xffff  }
0x18b: {  	v56 =	vmin.f32 v30, v26;
	v38 =	vmin.f32 v31, v26;
	vm0 =	vle.f32 v30, v34;
	v30 =	vld.idx.msk [tilespmem:v28+s4+$0x0], $0xffff  }
0x18c: {  	v39 =	vmul.f32 v27, v31;
	v36 =	vnsel vm0, $0x0, v57;
	vm0 =	vle.f32 v31, v34;
	v31 =	vld.idx.msk [tilespmem:v54+s4+$0x0], $0xffff  }
0x18d: {  	v21 =	vand.u32 $0x80000000, v21;
	v24 =	vand.u32 $0x80000000, v24;
	v38 =	vmul.f32 v18, v38  }
0x18e: {  	v58 =	vmul.f32 v18, v56;
	v18 =	vmul.f32 v18, v29;
	v25 =	vld.idx.msk [tilespmem:v25+s20+$0x0], $0xffff;
	v39 =	vnsel vm0, $0x0, v39  }
0x18f: {  	vm0 =	vle.f32 v26, v34;
	v26 =	vmul.f32 v27, v26;
	v27 =	vadd.f32 v36, v38  }
0x190: {  	v59 =	vxor.u32 v37, v21;
	v29 =	vadd.f32 v39, v58;
	v30 =	vxor.u32 v30, v24  }
0x191: {  	v34 =	vsub.f32 $1.000000000e+00, v59;
	v30 =	vsub.f32 $1.000000000e+00, v30;
	v31 =	vxor.u32 v31, v19  }
0x192: {  	v26 =	vnsel vm0, $0x0, v26;
	v22 =	vxor.u32 v27, v22;
	v27 =	vsub.f32 $1.000000000e+00, v31  }
0x193: {  	[tilespmem:v10+s23+$0x0] =	vst.idx.add.f32.msk $0xffff, v20;
	v10 =	vand.u32 $0xFFFF0000, v25;
	v18 =	vadd.f32 v26, v18;
	v26 =	vmin.f32 v34, v30  }
0x194: {  	v20 =	vshll.u32 v25, $0x10;
	v23 =	vxor.u32 v29, v23;
	v25 =	vmin.f32 v26, v27  }
0x195: {  	[tilespmem:v11+s23+$0x0] =	vst.idx.add.f32.msk $0xffff, v17;
	v31 =	vmul.f32 v20, v30;
	v11 =	vmin.f32 v34, v27;
	v17 =	vadd.f32 $9.999999960e-13, v25  }
0x196: {  	v29 =	vmin.f32 v30, v27;
	v25 =	vmul.f32 v20, v34;
	v20 =	vmul.f32 v20, v27  }
0x197: {  	v29 =	vmul.f32 v10, v29;
	v11 =	vmul.f32 v10, v11;
	vm0 =	vle.f32 v34, v17  }
0x198: {  	[tilespmem:v9+s23+$0x0] =	vst.idx.add.f32.msk $0xffff, v15;
	v10 =	vmul.f32 v10, v26;
	v9 =	vnsel vm0, $0x0, v25;
	vm0 =	vle.f32 v30, v17  }
0x199: {  	[tilespmem:v14+s23+$0x0] =	vst.idx.add.f32.msk $0xffff, v22;
	v9 =	vadd.f32 v9, v29;
	v14 =	vnsel vm0, $0x0, v31;
	vm0 =	vle.f32 v27, v17  }
0x19a: {  	[tilespmem:v13+s23+$0x0] =	vst.idx.add.f32.msk $0xffff, v23;
	v15 =	vxor.u32 v18, v16;
	v11 =	vadd.f32 v14, v11;
	v13 =	vnsel vm0, $0x0, v20  }
0x19b: {  	[tilespmem:v12+s23+$0x0] =	vst.idx.add.f32.msk $0xffff, v15;
	v9 =	vxor.u32 v9, v21;
	v10 =	vadd.f32 v13, v10  }
0x19c: {  	v11 =	vxor.u32 v11, v24;
	[tilespmem:v53+s23+$0x0] =	vst.idx.add.f32.msk $0xffff, v9  }
0x19d: {  	v9 =	vxor.u32 v10, v19;
	[tilespmem:v28+s23+$0x0] =	vst.idx.add.f32.msk $0xffff, v11  }
0x19e: {  	[tilespmem:v54+s23+$0x0] =	vst.idx.add.f32.msk $0xffff, v9  }
0x19f: {  	v9 =	vld.idx.msk [tilespmem:v5+s19+$0x0], $0xffff  }
0x1a0: {  	v10 =	vld.idx.msk [tilespmem:v6+s19+$0x0], $0xffff  }
0x1a1: {  	v11 =	vld.idx.msk [tilespmem:v7+s19+$0x0], $0xffff;
	_ =	sdelay $0x2  }
0x1a2: {  	v12 =	vand.u32 $0x7FFFFFFF, v9  }
0x1a3: {  	v13 =	vand.u32 $0x7FFFFFFF, v10  }
0x1a4: {  	v14 =	vand.u32 $0x7FFFFFFF, v11;
	_ =	sdelay $0x2  }
0x1a5: {  	v15 =	vld.idx.msk [tilespmem:v12+s4+$0x0], $0xffff  }
0x1a6: {  	v16 =	vld.idx.msk [tilespmem:v13+s4+$0x0], $0xffff  }
0x1a7: {  	v17 =	vld.idx.msk [tilespmem:v14+s4+$0x0], $0xffff;
	_ =	sdelay $0x2  }
0x1a8: {  	v9 =	vand.u32 $0x80000000, v9;
	v10 =	vand.u32 $0x80000000, v10  }
0x1a9: {  	v18 =	vld.idx.msk [tilespmem:v8+s20+$0x0], $0xffff;
	v11 =	vand.u32 $0x80000000, v11;
	v15 =	vxor.u32 v15, v9;
	v16 =	vxor.u32 v16, v10  }
0x1aa: {  	v17 =	vxor.u32 v17, v11;
	v15 =	vsub.f32 $1.000000000e+00, v15;
	v16 =	vsub.f32 $1.000000000e+00, v16  }
0x1ab: {  	v17 =	vsub.f32 $1.000000000e+00, v17  }
0x1ac: {  	v19 =	vmin.f32 v15, v16  }
0x1ad: {  	v20 =	vmin.f32 v19, v17  }
0x1ae: {  	v21 =	vshll.u32 v18, $0x10;
	v20 =	vadd.f32 $9.999999960e-13, v20  }
0x1af: {  	v18 =	vand.u32 $0xFFFF0000, v18;
	v22 =	vmin.f32 v16, v17;
	v23 =	vmul.f32 v21, v15  }
0x1b0: {  	p1 =	seq.s32 s13, $0x4;
	v22 =	vmul.f32 v18, v22;
	vm0 =	vle.f32 v15, v20  }
0x1b1: {  	s9 =	sshll.u32 @!p1 s13, $0x1;
	v23 =	vnsel vm0, $0x0, v23  }
0x1b2: {  	s9 =	sadd.s32 @!p1 $0x2, s9;
	v15 =	vmin.f32 v15, v17;
	v22 =	vadd.f32 v23, v22;
	v23 =	vmul.f32 v21, v16  }
0x1b3: {  	s10 =	sshrl.u32 @!p1 s9, $0x3;
	v15 =	vmul.f32 v18, v15;
	vm0 =	vle.f32 v16, v20;
	v16 =	vmul.f32 v21, v17  }
0x1b4: {  	s14 =	smul.u32 @!p1 $0x19000, s10;
	v18 =	vmul.f32 v18, v19;
	v21 =	vnsel vm0, $0x0, v23;
	vm0 =	vle.f32 v17, v20  }
0x1b5: {  	s9 =	sshll.u32 @!p1 s9, $0x7;
	v15 =	vadd.f32 v21, v15;
	v16 =	vnsel vm0, $0x0, v16  }
0x1b6: {  	s9 =	sand.u32 @!p1 $0x300, s9;
	s14 =	sadd.s32 @!p1 s0, s14;
	v9 =	vxor.u32 v22, v9;
	v16 =	vadd.f32 v16, v18  }
0x1b7: {  	s14 =	sor.u32 @!p1 s9, s14;
	[tilespmem:v12+s23+$0x0] =	vst.idx.add.f32.msk $0x3ff, v9;
	v10 =	vxor.u32 v15, v10  }
0x1b8: {  	s11 =	simm.s32 @!p1 $0x80;
	s16 =	simm.s32 @!p1 $0x400;
	s14 =	sshrl.u32 @!p1 s14, $0x3;
	v9 =	vxor.u32 v16, v11;
	[tilespmem:v13+s23+$0x0] =	vst.idx.add.f32.msk $0x3ff, v10  }
0x1b9: {  	s8 =	simm.s32 @!p1 $0x4F00;
	s10 =	smul.u32 @!p1 $0x8800, s10;
	s14 =	sadd.s32 @!p1 s7, s14;
	[tilespmem:v14+s23+$0x0] =	vst.idx.add.f32.msk $0x3ff, v9  }
0x1ba: {  	[tilespmem:s8], [sflag:$0x1] =	stream.strided.gather @!p1 [hbm4b:s14+s11], $0x3200, s16, s11, $0x38;
	[tilespmem:$0xD500] =	vst v63  }
0x1bb: {  	s8 =	sadd.s32 @!p1 s2, s10  }
0x1bc: {  	s8 =	sor.u32 @!p1 s9, s8  }
0x1bd: {  	s14 =	simm.s32 $0x0;
	s8 =	sshrl.u32 @!p1 s8, $0x3  }
0x1be: {  	s10 =	simm.s32 @!p1 $0xB300;
	v9 =	vmov s14;
	s8 =	sadd.s32 @!p1 s6, s8  }
0x1bf: {  	v9 =	vmul.u32 $0x3, v9;
	[tilespmem:s10], [sflag:$0x1] =	stream.strided.gather @!p1 [hbm4b:s8+s11], $0x1100, s16, s11, $0x38;
	[tilespmem:$0xD500] =	vst v63  }
0x1c0: {  	_ =	swait.ge [sflag:s28], $0x3200  }
0x1c1: {  	v10 =	vadd.s32 v1, v9;
	[sflag:s28] =	ssyncset.done $0x0  }
0x1c2: {  	v11 =	vadd.s32 v3, v9;
	[sflag:s28] =	ssyncadd.s32 $0xFFFFCE00  }
0x1c3: {  	v9 =	vadd.s32 v4, v9;
	_ =	swait.ge [sflag:s28], $0x1100  }
0x1c4: {  	[sflag:s28] =	ssyncset.done $0x0  }
0x1c5: {  	[sflag:s28] =	ssyncadd.s32 $0xFFFFEF00  }
0x1c6: {  	v12 =	vld.idx.msk [tilespmem:v10+s25+$0x0], $0xffff  }
0x1c7: {  	v13 =	vld.idx.msk [tilespmem:v11+s25+$0x0], $0xffff  }
0x1c8: {  	v14 =	vld.idx.msk [tilespmem:v9+s25+$0x0], $0xffff;
	_ =	sdelay $0x1  }
0x1c9: {  	v15 =	vor.u32 s14, v0;
	s16 =	simm.s32 $0x10  }
0x1ca: {  	v9 =	vmov s16;
	v10 =	vand.u32 $0x7FFFFFFF, v12  }
0x1cb: {  	v16 =	vmul.u32 $0x3, v9;
	v11 =	vand.u32 $0x7FFFFFFF, v13  }
0x1cc: {  	v9 =	vand.u32 $0x7FFFFFFF, v14  }
0x1cd: {  	v18 =	vadd.s32 v1, v16  }
0x1ce: {  	v19 =	vld.idx.msk [tilespmem:v15+s26+$0x0], $0xffff;
	v17 =	vadd.s32 v4, v16  }
0x1cf: {  	s14 =	simm.s32 $0x20;
	v15 =	vadd.s32 v3, v16;
	v21 =	vld.idx.msk [tilespmem:v10+s4+$0x0], $0xffff  }
0x1d0: {  	v16 =	vmov s14;
	v24 =	vld.idx.msk [tilespmem:v11+s4+$0x0], $0xffff  }
0x1d1: {  	v27 =	vmul.u32 $0x3, v16;
	v25 =	vld.idx.msk [tilespmem:v9+s4+$0x0], $0xffff  }
0x1d2: {  	v22 =	vld.idx.msk [tilespmem:v18+s25+$0x0], $0xffff  }
0x1d3: {  	v20 =	vand.u32 $0x80000000, v12;
	v30 =	vadd.s32 v4, v27;
	v16 =	vld.idx.msk [tilespmem:v17+s25+$0x0], $0xffff  }
0x1d4: {  	v60 =	vadd.s32 v1, v27;
	v18 =	vor.u32 s16, v0;
	v23 =	vld.idx.msk [tilespmem:v15+s25+$0x0], $0xffff;
	v17 =	vand.u32 $0x80000000, v13  }
0x1d5: {  	v15 =	vand.u32 $0x80000000, v14;
	v12 =	vxor.u32 v21, v20;
	v13 =	vxor.u32 v24, v17  }
0x1d6: {  	v61 =	vsub.f32 $1.000000000e+00, v12;
	v26 =	vsub.f32 $1.000000000e+00, v13;
	v12 =	vxor.u32 v25, v15  }
0x1d7: {  	v14 =	vand.u32 $0x7FFFFFFF, v22;
	v24 =	vadd.s32 v3, v27;
	v25 =	vsub.f32 $1.000000000e+00, v12  }
0x1d8: {  	v27 =	vand.u32 $0xFFFF0000, v19;
	v21 =	vshll.u32 v19, $0x10;
	v28 =	vmin.f32 v61, v26  }
0x1d9: {  	v13 =	vand.u32 $0x7FFFFFFF, v23;
	v12 =	vand.u32 $0x7FFFFFFF, v16;
	v19 =	vmin.f32 v28, v25  }
0x1da: {  	v18 =	vld.idx.msk [tilespmem:v18+s26+$0x0], $0xffff;
	v32 =	vmul.f32 v21, v61;
	v31 =	vmul.f32 v21, v26;
	v29 =	vadd.f32 $9.999999960e-13, v19  }
0x1db: {  	v62 =	vmin.f32 v61, v25;
	v63 =	vmin.f32 v26, v25;
	v19 =	vld.idx.msk [tilespmem:v30+s25+$0x0], $0xffff;
	v30 =	vmul.f32 v21, v25  }
0x1dc: {  	s9 =	simm.s32 $0x30;
	v21 =	vld.idx.msk [tilespmem:v60+s25+$0x0], $0xffff;
	v34 =	vmul.f32 v27, v63;
	v33 =	vmul.f32 v27, v62;
	vm0 =	vle.f32 v61, v29  }
.LBB2_18:
0x1dd: {  	p1 =	sne.s32 s9, $0x1080;
	v35 =	vld.idx.msk [tilespmem:v14+s4+$0x0], $0xffff;
	v32 =	vnsel vm0, $0x0, v32;
	vm0 =	vle.f32 v26, v29;
	v26 =	vmul.f32 v27, v28  }
0x1de: {  	v27 =	vld.idx.msk [tilespmem:v13+s4+$0x0], $0xffff;
	v28 =	vadd.f32 v32, v34;
	v31 =	vnsel vm0, $0x0, v31;
	vm0 =	vle.f32 v25, v29  }
0x1df: {  	v25 =	vmov s9;
	v29 =	vld.idx.msk [tilespmem:v12+s4+$0x0], $0xffff;
	v31 =	vadd.f32 v31, v33;
	v30 =	vnsel vm0, $0x0, v30  }
0x1e0: {  	v25 =	vmul.u32 $0x3, v25;
	v32 =	vld.idx.msk [tilespmem:v24+s25+$0x0], $0xffff;
	v20 =	vxor.u32 v28, v20;
	v24 =	vadd.f32 v30, v26  }
0x1e1: {  	v17 =	vxor.u32 v31, v17;
	[tilespmem:v10+s23+$0x0] =	vst.idx.add.f32.msk $0xffff, v20;
	v10 =	vmov v14  }
0x1e2: {  	v30 =	vadd.s32 v4, v25;
	v31 =	vor.u32 s14, v0;
	s14 =	smov.u32 s9;
	v14 =	vxor.u32 v24, v15;
	[tilespmem:v11+s23+$0x0] =	vst.idx.add.f32.msk $0xffff, v17  }
0x1e3: {  	v33 =	vadd.s32 v1, v25;
	v20 =	vand.u32 $0x80000000, v22;
	v17 =	vand.u32 $0x80000000, v23;
	v11 =	vmovc v13;
	[tilespmem:v9+s23+$0x0] =	vst.idx.add.f32.msk $0xffff, v14  }
0x1e4: {  	v15 =	vand.u32 $0x80000000, v16;
	v13 =	vxor.u32 v35, v20;
	v16 =	vmovc v19;
	v14 =	vxor.u32 v27, v17;
	v9 =	vmovc v12  }
0x1e5: {  	v22 =	vmovc v21;
	v35 =	vsub.f32 $1.000000000e+00, v13;
	v26 =	vsub.f32 $1.000000000e+00, v14;
	v12 =	vxor.u32 v29, v15  }
0x1e6: {  	v24 =	vadd.s32 v3, v25;
	v27 =	vand.u32 $0xFFFF0000, v18;
	v25 =	vsub.f32 $1.000000000e+00, v12;
	v23 =	vmovc v32  }
.Ltmp7:
0x1e7: {  	v21 =	vshll.u32 v18, $0x10;
	v14 =	vand.u32 $0x7FFFFFFF, v22;
	v28 =	vmin.f32 v35, v26;
	(pc) =	sbr.rel @p1 .LBB2_18-.Ltmp7, $4  }
0x1e8: {  	v12 =	vand.u32 $0x7FFFFFFF, v16;
	v13 =	vand.u32 $0x7FFFFFFF, v23;
	v19 =	vmin.f32 v28, v25  }
0x1e9: {  	v32 =	vmul.f32 v21, v35;
	v36 =	vmin.f32 v35, v25;
	v29 =	vadd.f32 $9.999999960e-13, v19;
	v18 =	vld.idx.msk [tilespmem:v31+s26+$0x0], $0xffff  }
0x1ea: {  	v34 =	vmin.f32 v26, v25;
	v31 =	vmul.f32 v21, v26;
	v19 =	vld.idx.msk [tilespmem:v30+s25+$0x0], $0xffff;
	v30 =	vmul.f32 v21, v25  }
0x1eb: {  	s9 =	sadd.s32 $0x10, s9;
	v34 =	vmul.f32 v27, v34;
	vm0 =	vle.f32 v35, v29;
	v21 =	vld.idx.msk [tilespmem:v33+s25+$0x0], $0xffff;
	v33 =	vmul.f32 v27, v36  }
0x1ec: {  	_ =	sdelay $0x3  }
0x1ed: {  	v35 =	vld.idx.msk [tilespmem:v14+s4+$0x0], $0xffff  }
0x1ee: {  	v36 =	vld.idx.msk [tilespmem:v13+s4+$0x0], $0xffff;
	v32 =	vnsel vm0, $0x0, v32;
	vm5 =	vle.f32 v26, v29  }
0x1ef: {  	v27 =	vmul.f32 v27, v28;
	v24 =	vld.idx.msk [tilespmem:v24+s25+$0x0], $0xffff;
	vm6 =	vle.f32 v25, v29;
	v22 =	vand.u32 $0x80000000, v22  }
0x1f0: {  	v45 =	vld.idx.msk [tilespmem:v12+s4+$0x0], $0xffff;
	v23 =	vand.u32 $0x80000000, v23;
	v16 =	vand.u32 $0x80000000, v16;
	v52 =	vor.u32 s14, v0  }
0x1f1: {  	v46 =	vadd.f32 v32, v34;
	v31 =	vnsel vm5, $0x0, v31;
	v29 =	vnsel vm6, $0x0, v30  }
0x1f2: {  	v47 =	vadd.f32 v31, v33;
	v27 =	vadd.f32 v29, v27;
	v54 =	vshll.u32 v18, $0x10  }
0x1f3: {  	v55 =	vand.u32 $0xFFFF0000, v18;
	v51 =	vand.u32 $0x7FFFFFFF, v19;
	v32 =	vand.u32 $0x7FFFFFFF, v21  }
0x1f4: {  	v48 =	vxor.u32 v35, v22;
	v49 =	vxor.u32 v36, v23;
	v28 =	vand.u32 $0x7FFFFFFF, v24  }
0x1f5: {  	v26 =	vxor.u32 v45, v16;
	v30 =	vsub.f32 $1.000000000e+00, v48;
	v31 =	vsub.f32 $1.000000000e+00, v49  }
0x1f6: {  	v20 =	vxor.u32 v46, v20;
	v17 =	vxor.u32 v47, v17;
	v25 =	vld.idx.msk [tilespmem:v52+s26+$0x0], $0xffff;
	v26 =	vsub.f32 $1.000000000e+00, v26  }
0x1f7: {  	v15 =	vxor.u32 v27, v15;
	v63 =	vand.u32 $0x80000000, v21;
	v50 =	vmin.f32 v30, v31  }
0x1f8: {  	v56 =	vmin.f32 v30, v26;
	v57 =	vmul.f32 v54, v30;
	v53 =	vmin.f32 v50, v26;
	v37 =	vld.idx.msk [tilespmem:v32+s4+$0x0], $0xffff  }
0x1f9: {  	v38 =	vmin.f32 v31, v26;
	v39 =	vmul.f32 v54, v31;
	v34 =	vadd.f32 $9.999999960e-13, v53;
	v58 =	vld.idx.msk [tilespmem:v28+s4+$0x0], $0xffff  }
0x1fa: {  	v24 =	vand.u32 $0x80000000, v24;
	v59 =	vld.idx.msk [tilespmem:v51+s4+$0x0], $0xffff;
	v38 =	vmul.f32 v55, v38;
	v60 =	vmul.f32 v55, v56  }
0x1fb: {  	[tilespmem:v10+s23+$0x0] =	vst.idx.add.f32.msk $0xffff, v20;
	v18 =	vmul.f32 v55, v50;
	v10 =	vand.u32 $0xFFFF0000, v25;
	vm7 =	vle.f32 v30, v34  }
0x1fc: {  	vm8 =	vle.f32 v31, v34;
	vm9 =	vle.f32 v26, v34;
	v36 =	vnsel vm7, $0x0, v57  }
0x1fd: {  	v26 =	vmul.f32 v54, v26;
	v39 =	vnsel vm8, $0x0, v39;
	v61 =	vadd.f32 v36, v38  }
0x1fe: {  	v36 =	vand.u32 $0x80000000, v19;
	v38 =	vxor.u32 v37, v63;
	v30 =	vxor.u32 v58, v24  }
0x1ff: {  	v34 =	vsub.f32 $1.000000000e+00, v38;
	v31 =	vxor.u32 v59, v36;
	v30 =	vsub.f32 $1.000000000e+00, v30  }
0x200: {  	v62 =	vadd.f32 v39, v60;
	v26 =	vnsel vm9, $0x0, v26;
	v39 =	vsub.f32 $1.000000000e+00, v31  }
0x201: {  	v41 =	vshll.u32 v25, $0x10;
	v18 =	vadd.f32 v26, v18;
	v40 =	vmin.f32 v34, v30  }
0x202: {  	v22 =	vxor.u32 v61, v22;
	v23 =	vxor.u32 v62, v23;
	v42 =	vmin.f32 v40, v39  }
0x203: {  	[tilespmem:v11+s23+$0x0] =	vst.idx.add.f32.msk $0xffff, v17;
	v44 =	vmul.f32 v41, v34;
	v11 =	vmin.f32 v34, v39;
	v43 =	vadd.f32 $9.999999960e-13, v42  }
0x204: {  	v45 =	vmin.f32 v30, v39;
	v46 =	vmul.f32 v41, v30;
	v20 =	vmul.f32 v41, v39  }
0x205: {  	v29 =	vmul.f32 v10, v45;
	v11 =	vmul.f32 v10, v11;
	vm10 =	vle.f32 v34, v43  }
0x206: {  	[tilespmem:v9+s23+$0x0] =	vst.idx.add.f32.msk $0xffff, v15;
	v10 =	vmul.f32 v10, v40;
	vm11 =	vle.f32 v30, v43;
	v9 =	vnsel vm10, $0x0, v44  }
0x207: {  	[tilespmem:v14+s23+$0x0] =	vst.idx.add.f32.msk $0xffff, v22;
	vm12 =	vle.f32 v39, v43;
	v47 =	vnsel vm11, $0x0, v46;
	v9 =	vadd.f32 v9, v29  }
0x208: {  	v48 =	vxor.u32 v18, v16;
	[tilespmem:v13+s23+$0x0] =	vst.idx.add.f32.msk $0xffff, v23;
	v49 =	vnsel vm12, $0x0, v20;
	v11 =	vadd.f32 v47, v11  }
0x209: {  	[tilespmem:v12+s23+$0x0] =	vst.idx.add.f32.msk $0xffff, v48;
	v10 =	vadd.f32 v49, v10;
	v9 =	vxor.u32 v9, v63  }
0x20a: {  	v11 =	vxor.u32 v11, v24;
	[tilespmem:v32+s23+$0x0] =	vst.idx.add.f32.msk $0xffff, v9  }
0x20b: {  	v9 =	vxor.u32 v10, v36;
	[tilespmem:v28+s23+$0x0] =	vst.idx.add.f32.msk $0xffff, v11  }
0x20c: {  	[tilespmem:v51+s23+$0x0] =	vst.idx.add.f32.msk $0xffff, v9  }
0x20d: {  	v9 =	vld.idx.msk [tilespmem:v5+s25+$0x0], $0xffff  }
0x20e: {  	v10 =	vld.idx.msk [tilespmem:v6+s25+$0x0], $0xffff  }
0x20f: {  	v11 =	vld.idx.msk [tilespmem:v7+s25+$0x0], $0xffff;
	_ =	sdelay $0x2  }
0x210: {  	v50 =	vand.u32 $0x7FFFFFFF, v9  }
0x211: {  	v51 =	vand.u32 $0x7FFFFFFF, v10  }
0x212: {  	v52 =	vand.u32 $0x7FFFFFFF, v11;
	_ =	sdelay $0x2  }
0x213: {  	v15 =	vld.idx.msk [tilespmem:v50+s4+$0x0], $0xffff  }
0x214: {  	v53 =	vld.idx.msk [tilespmem:v51+s4+$0x0], $0xffff  }
0x215: {  	v54 =	vld.idx.msk [tilespmem:v52+s4+$0x0], $0xffff;
	_ =	sdelay $0x1  }
0x216: {  	v55 =	vld.idx.msk [tilespmem:v8+s26+$0x0], $0xffff  }
0x217: {  	v9 =	vand.u32 $0x80000000, v9;
	v10 =	vand.u32 $0x80000000, v10  }
0x218: {  	v11 =	vand.u32 $0x80000000, v11;
	v15 =	vxor.u32 v15, v9;
	v16 =	vxor.u32 v53, v10  }
0x219: {  	v17 =	vxor.u32 v54, v11;
	v15 =	vsub.f32 $1.000000000e+00, v15;
	v16 =	vsub.f32 $1.000000000e+00, v16  }
0x21a: {  	v17 =	vsub.f32 $1.000000000e+00, v17  }
0x21b: {  	v58 =	vshll.u32 v55, $0x10;
	v56 =	vmin.f32 v15, v16  }
0x21c: {  	v18 =	vand.u32 $0xFFFF0000, v55;
	v59 =	vmin.f32 v16, v17;
	v57 =	vmin.f32 v56, v17  }
0x21d: {  	v60 =	vmul.f32 v58, v15;
	v61 =	vmul.f32 v58, v16;
	v20 =	vadd.f32 $9.999999960e-13, v57  }
0x21e: {  	v62 =	vmul.f32 v58, v17;
	v22 =	vmul.f32 v18, v59  }
0x21f: {  	vm13 =	vle.f32 v15, v20;
	v15 =	vmin.f32 v15, v17;
	vm14 =	vle.f32 v16, v20  }
0x220: {  	s13 =	sadd.s32 $0x1, s13;
	vm15 =	vle.f32 v17, v20;
	v23 =	vnsel vm13, $0x0, v60;
	v15 =	vmul.f32 v18, v15  }
0x221: {  	p1 =	sne.s32 s13, $0x5;
	v63 =	vnsel vm14, $0x0, v61;
	v18 =	vmul.f32 v18, v56;
	v22 =	vadd.f32 v23, v22  }
.Ltmp8:
0x222: {  	v16 =	vnsel vm15, $0x0, v62;
	v15 =	vadd.f32 v63, v15;
	(pc) =	sbr.rel @p1 .LBB2_15-.Ltmp8, $4  }
0x223: {  	v16 =	vadd.f32 v16, v18;
	v9 =	vxor.u32 v22, v9  }
0x224: {  	v10 =	vxor.u32 v15, v10;
	[tilespmem:v50+s23+$0x0] =	vst.idx.add.f32.msk $0x3ff, v9  }
0x225: {  	v9 =	vxor.u32 v16, v11;
	[tilespmem:v51+s23+$0x0] =	vst.idx.add.f32.msk $0x3ff, v10  }
0x226: {  	[tilespmem:v52+s23+$0x0] =	vst.idx.add.f32.msk $0x3ff, v9  }
0x227: {  	s2 =	simm.s32 $0x27C0  }
0x228: {  	v10 =	vld [tilespmem:s2+$0xFFFFFFC0]  }
0x229: {  	v12 =	vld [tilespmem:s2+$0xFFFFFFD0]  }
0x22a: {  	v13 =	vld [tilespmem:s2+$0xFFFFFFE0]  }
0x22b: {  	v11 =	vld [tilespmem:s2+$0xFFFFFFF0]  }
0x22c: {  	v9 =	vld [tilespmem:s2+$0x0]  }
0x22d: {  	v14 =	vimm.f32 $0.0e+00;
	v15 =	vand.u32 $0x7FFFFFFF, v10;
	v10 =	vld [tilespmem:s2+$0x10]  }
0x22e: {  	v14 =	vmax.f32 v14, v15;
	v15 =	vand.u32 $0x7FFFFFFF, v12;
	v12 =	vld [tilespmem:s2+$0x20]  }
0x22f: {  	s0 =	simm.s32 $0x0;
	v14 =	vmax.f32 v14, v15;
	v15 =	vand.u32 $0x7FFFFFFF, v13;
	v13 =	vld [tilespmem:s2+$0x30];
	s2 =	simm.s32 $0x2840  }
.LBB2_21:
0x230: {  	v16 =	vld [tilespmem:s2+$0xFFFFFFC0];
	s0 =	sadd.s32 $0x8, s0;
	v14 =	vmax.f32 v14, v15;
	v11 =	vand.u32 $0x7FFFFFFF, v11  }
0x231: {  	v15 =	vld [tilespmem:s2+$0xFFFFFFD0];
	p1 =	slt.u32 s0, $0x268;
	v11 =	vmax.f32 v14, v11;
	v9 =	vand.u32 $0x7FFFFFFF, v9  }
0x232: {  	v17 =	vld [tilespmem:s2+$0xFFFFFFE0];
	v9 =	vmax.f32 v11, v9;
	v10 =	vand.u32 $0x7FFFFFFF, v10  }
.Ltmp9:
0x233: {  	v11 =	vld [tilespmem:s2+$0xFFFFFFF0];
	v10 =	vmax.f32 v9, v10;
	v12 =	vand.u32 $0x7FFFFFFF, v12;
	(pc) =	sbr.rel @p1 .LBB2_21-.Ltmp9, $4  }
0x234: {  	v9 =	vld [tilespmem:s2+$0x0];
	v12 =	vmax.f32 v10, v12;
	v13 =	vand.u32 $0x7FFFFFFF, v13  }
0x235: {  	v14 =	vand.u32 $0x7FFFFFFF, v16;
	v10 =	vld [tilespmem:s2+$0x10];
	v12 =	vmax.f32 v12, v13  }
0x236: {  	v13 =	vmax.f32 v12, v14;
	v14 =	vand.u32 $0x7FFFFFFF, v15;
	v12 =	vld [tilespmem:s2+$0x20]  }
0x237: {  	v14 =	vmax.f32 v13, v14;
	v15 =	vand.u32 $0x7FFFFFFF, v17;
	v13 =	vld [tilespmem:s2+$0x30];
	s2 =	sadd.s32 $0x80, s2  }
0x238: {  	v14 =	vmax.f32 v14, v15;
	v11 =	vand.u32 $0x7FFFFFFF, v11;
	v15 =	vld [tilespmem:$0x4E80]  }
0x239: {  	v11 =	vmax.f32 v14, v11;
	v9 =	vand.u32 $0x7FFFFFFF, v9  }
0x23a: {  	v9 =	vmax.f32 v11, v9;
	v10 =	vand.u32 $0x7FFFFFFF, v10  }
0x23b: {  	v9 =	vmax.f32 v9, v10;
	v10 =	vand.u32 $0x7FFFFFFF, v12  }
0x23c: {  	v9 =	vmax.f32 v9, v10;
	v10 =	vand.u32 $0x7FFFFFFF, v13  }
0x23d: {  	v9 =	vmax.f32 v9, v10;
	v10 =	vand.u32 $0x7FFFFFFF, v15  }
0x23e: {  	v9 =	vmax.f32 v9, v10  }
0x23f: {  	(xrf0) =	vmax.scan.msk.f32 $0xffff, v9;
	_ =	sdelay $0x5  }
0x240: {  	v9, _, _ =	vpop (xrf0)  }
0x241: {  	(v2sf) =	vpush v9, $0xF;
	_ =	sdelay $0xe  }
0x242: {  	s0 =	spop (v2sf)  }
0x243: {  	s0 =	sadd.f32 $9.999999970e-07, s0;
	_ =	sdelay $0x1  }
0x244: {  	v9 =	vmov s0  }
0x245: {  	v9 =	vsub.s32 $0x7EF311C3, v9  }
0x246: {  	v10 =	vmul.f32 s0, v9;
	_ =	sdelay $0x1  }
0x247: {  	v10 =	vsub.f32 $2.000000000e+00, v10;
	_ =	sdelay $0x1  }
0x248: {  	v9 =	vmul.f32 v9, v10;
	_ =	sdelay $0x1  }
0x249: {  	v10 =	vmul.f32 s0, v9;
	_ =	sdelay $0x1  }
0x24a: {  	v10 =	vsub.f32 $2.000000000e+00, v10;
	_ =	sdelay $0x1  }
0x24b: {  	v9 =	vmul.f32 v10, v9;
	_ =	sdelay $0x1  }
0x24c: {  	v10 =	vmul.f32 s0, v9;
	_ =	sdelay $0x1  }
0x24d: {  	s0 =	simm.s32 $0x27C0;
	v10 =	vsub.f32 $2.000000000e+00, v10  }
0x24e: {  	v12 =	vld [tilespmem:s0+$0x30]  }
0x24f: {  	v14 =	vld [tilespmem:s0+$0xFFFFFFD0];
	v9 =	vmul.f32 v10, v9  }
0x250: {  	v16 =	vld [tilespmem:s0+$0xFFFFFFE0]  }
0x251: {  	v13 =	vld [tilespmem:s0+$0xFFFFFFF0];
	v9 =	vmax.f32 v9, $9.999999740e-06  }
0x252: {  	v11 =	vld [tilespmem:s0+$0x0];
	v9 =	vmin.f32 v9, $1.000000010e-01  }
0x253: {  	v10 =	vld [tilespmem:s0+$0x10];
	v17 =	vmul.f32 v12, v9  }
0x254: {  	v12 =	vld [tilespmem:s0+$0x20];
	v15 =	vmul.f32 v14, v9  }
0x255: {  	s2 =	simm.s32 $0x0;
	s9 =	simm.s32 $0x2840;
	v14 =	vld [tilespmem:s0+$0xFFFFFFC0];
	v16 =	vmul.f32 v16, v9;
	[tilespmem:s0+$0x30] =	vst v17  }
.LBB2_23:
0x256: {  	v17 =	vld [tilespmem:s9+$0x30];
	s2 =	sadd.s32 $0x8, s2;
	[tilespmem:s0+$0xFFFFFFD0] =	vst v15;
	v13 =	vmul.f32 v13, v9  }
0x257: {  	v15 =	vld [tilespmem:s9+$0xFFFFFFD0];
	p1 =	slt.u32 s2, $0x268;
	[tilespmem:s0+$0xFFFFFFE0] =	vst v16;
	v11 =	vmul.f32 v11, v9  }
0x258: {  	v16 =	vld [tilespmem:s9+$0xFFFFFFE0];
	[tilespmem:s0+$0xFFFFFFF0] =	vst v13;
	v10 =	vmul.f32 v10, v9  }
.Ltmp10:
0x259: {  	v13 =	vld [tilespmem:s9+$0xFFFFFFF0];
	[tilespmem:s0+$0x0] =	vst v11;
	v12 =	vmul.f32 v12, v9;
	(pc) =	sbr.rel @p1 .LBB2_23-.Ltmp10, $4  }
0x25a: {  	v11 =	vld [tilespmem:s9+$0x0];
	v14 =	vmul.f32 v14, v9;
	[tilespmem:s0+$0x10] =	vst v10  }
0x25b: {  	v10 =	vld [tilespmem:s9+$0x10];
	v17 =	vmul.f32 v17, v9;
	[tilespmem:s0+$0x20] =	vst v12  }
0x25c: {  	v15 =	vmul.f32 v15, v9;
	v12 =	vld [tilespmem:s9+$0x20];
	[tilespmem:s0+$0xFFFFFFC0] =	vst v14;
	s0 =	smov.u32 s9  }
0x25d: {  	s9 =	sadd.s32 $0x80, s9;
	v14 =	vld [tilespmem:s0+$0xFFFFFFC0];
	v16 =	vmul.f32 v16, v9;
	[tilespmem:s0+$0x30] =	vst v17  }
0x25e: {  	[tilespmem:s0+$0xFFFFFFD0] =	vst v15;
	v13 =	vmul.f32 v13, v9  }
0x25f: {  	[tilespmem:s0+$0xFFFFFFE0] =	vst v16;
	v11 =	vmul.f32 v11, v9  }
0x260: {  	[tilespmem:s0+$0xFFFFFFF0] =	vst v13;
	v10 =	vmul.f32 v10, v9  }
0x261: {  	[tilespmem:s0+$0x0] =	vst v11;
	v11 =	vmul.f32 v12, v9  }
0x262: {  	v63 =	vmul.f32 v14, v9;
	[tilespmem:s0+$0x10] =	vst v10  }
0x263: {  	[tilespmem:s0+$0x20] =	vst v11  }
0x264: {  	[tilespmem:s0+$0xFFFFFFC0] =	vst v63  }
0x265: {  	v10 =	vld [tilespmem:$0x4E80];
	_ =	sdelay $0x4  }
0x266: {  	s30 =	sadd.s32 $0x1, s30;
	v9 =	vmul.f32 v10, v9  }
0x267: {  	p1 =	sne.s32 s30, $0x3  }
.Ltmp11:
0x268: {  	s31 =	sadd.s32 s3, s31;
	[tilespmem:$0x4E80] =	vst v9;
	(pc) =	sbr.rel @p1 .LBB2_12-.Ltmp11, $4  }
0x269: {  	[hbm4b:s31+s17] =	stream.strided.scatter [tilespmem:s23], [sflag:$0x4], $0x2780, s18, s17, $0x38;
	[tilespmem:$0xD500] =	vst v63  }
0x26a: {  	_ =	swait.ge [sflag:s24], $0x2780  }
0x26b: {  	[sflag:s24] =	ssyncset.done $0x0  }
0x26c: {  	[sflag:s24] =	ssyncadd.s32 $0xFFFFD880  }
0x26d: {  	s29 =	sadd.s32 $0x1, s29;
	s0 =	rddreg [dreg:$0xb]  }
0x26e: {  	p1 =	sne.s32 s29, s0  }
.Ltmp12:
0x26f: {  	_ = 	snop;
	(pc) =	sbr.rel @p1 .LBB2_1-.Ltmp12, $1  }
0x270: {  	_ =	sdelay $0x3  }
0x271: {  	_ =	sfence.sel $0x180000  }
0x272: {  	[bflag:$0x0] =	sbarrier.arrive $0xFFFF  }
0x273: {  	_ =	strace $0x9000004A  }
0x274: {  	s0 =	stileid.u32;
	[bflag:$0x2] =	sbarrier.arrive $0xFFFF  }
0x275: {  	p0 =	sne.s32 s0, $0x0;
	s0 =	rddreg [dreg:$0x3]  }
0x276: {  	s0 =	sadd.s32 @!p0 $0x100000, s0  }
0x277: {  	[sflag:s0] =	ssyncadd.tile.s32 @!p0 $0x1;
	_ =	shalt  }
.Lfunc_end2:
_tile_overlayer_lowered:
.L_overlay_start_2:
0x278: {  	(tag) =	ssettag $0x2  }
0x279: {  	s0 =	rddreg [dreg:$0x0];
	s2 =	stileid.u32  }
0x27a: {  	s1 =	rddreg [dreg:$0x1];
	p0 =	sne.s32 s2, $0x0  }
0x27b: {  	s3 =	rddreg [dreg:$0x2];
	[bflag:$0x3] =	sbarrier.arrive $0xFFFF;
	s2 =	simm.s32 @!p0 $0x1C04  }
0x27c: {  	[timem:s3], [sflag:s2] =	dma.local @!p0 [hbm:s0], s1  }
0x27d: {  	s0 =	simm.s32 @!p0 $0x4  }
0x27e: {  	_ =	swait.ge @!p0 [sflag:s0], s1  }
0x27f: {  	s1 =	ssub.s32 @!p0 $0x0, s1;
	[sflag:s0] =	ssyncset.done @!p0 $0x0  }
0x280: {  	[sflag:s0] =	ssyncadd.s32 @!p0 s1  }
0x281: {  	[bflag:$0x3] =	sbarrier.arrive $0xFFFF  }
0x282: {  	_ =	shalt  }

// kernel: sparse-core-data-format-call.cloned.1.call-start
scs
called_computation_lowered:
.L_overlay_start_0:
0x0: {  	s1 =	sld [smem:$0x3FD9]  }
0x1: {  	s2 =	sld [smem:$0x3FFE];
	_ =	sdelay $0x1  }
0x2: {  	s3 =	srdreg.scid  }
0x3: {  	s0 =	sand.u32 $0x1, s3  }
0x4: {  	s17 =	sshll.u32 s0, $0xA;
	s1 =	sadd.s32 s2, s1  }
0x5: {  	s1 =	sadd.s32 s1, s17  }
0x6: {  	[smem:$0x3FC3] =	sst s1  }
0x7: {  	_ = 	snop  }
0x8: {  	(tm) =	ssettm $0x1  }
0x9: {  	s18 =	sld [smem:$0x3FFB];
	_ =	sdelay $0x3  }
0xa: {  	_ =	strace s18  }
0xb: {  	s1 =	sld [smem:$0x3FFC];
	_ =	sdelay $0x3  }
0xc: {  	_ =	strace s1  }
0xd: {  	s1 =	sld [smem:$0x3FFD];
	_ =	sdelay $0x3  }
0xe: {  	_ =	strace s1  }
0xf: {  	_ =	strace $0x8FFFFFFF  }
0x10: {  	s19 =	sld [smem:$0x3FDB];
	_ =	sdelay $0x1  }
0x11: {  	s20 =	simm.s32 $_scs_section_size  }
0x12: {  	s4 =	simm.s32 $_size__tile_overlayer_lowered;
	s5 =	simm.s32 $_tile_overlayer_lowered  }
0x13: {  	s23 =	simm.s32 $0x1BFF;
	s22 =	sshll.u32 s5, $0x1;
	s1 =	sadd.s32 s20, s19  }
0x14: {  	s6 =	simm.s32 $0x0;
	s21 =	sshll.u32 s4, $0x1;
	s4 =	sadd.s32 s22, s1  }
0x15: {  	[timem:s6], [sflag:s23] =	dma.local [hbm:s4], s21  }
0x16: {  	_ =	swait.ge [sflag:s23], s21  }
0x17: {  	s2 =	ssub.s32 $0x0, s21;
	[sflag:s23] =	ssyncset.done $0x0  }
0x18: {  	[sflag:s23] =	ssyncadd.s32 s2;
	_ =	sdelay $0x1  }
0x19: {  	s24 =	simm.s32 $0x1B8B  }
0x1a: {  	_ =	swait.ge [sflag:s24], $0x1  }
0x1b: {  	[sflag:s24] =	ssyncset.done $0x0  }
0x1c: {  	s26 =	simm.s32 $0x1B8E;
	s25 =	sld [smem:$0x3FFE];
	[sflag:s24] =	ssyncadd.s32 $0xFFFFFFFF  }
0x1d: {  	s27 =	simm.s32 $execute0_lowered;
	[smem:$0x3FD2] =	sst s26  }
0x1e: {  	s4 =	sshll.u32 s27, $0x1;
	_ =	strace $0x80000046;
	[dreg:$0x1] =	wrdreg $0xFFFFFFFF  }
0x1f: {  	s28 =	simm.s32 $_size_execute0_lowered;
	s1 =	sadd.s32 s1, s4;
	[dreg:$0x0] =	wrdreg $0x0  }
0x20: {  	s4 =	sshll.u32 s28, $0x1;
	[dreg:$0x2] =	wrdreg s1  }
0x21: {  	[dreg:$0x3] =	wrdreg s4  }
0x22: {  	[dreg:$0x4] =	wrdreg $0xC0  }
0x23: {  	_ =	task [dreg:s6], $0x5FFFF  }
0x24: {  	[dreg:$0x1] =	wrdreg $0xFFFFFFFF  }
0x25: {  	[dreg:$0x0] =	wrdreg $0x60  }
0x26: {  	[dreg:$0x2] =	wrdreg s25  }
0x27: {  	[dreg:$0x3] =	wrdreg $0x9  }
0x28: {  	_ =	task.clear_ibuf [dreg:s6], $0x4FFFF;
	_ =	strace $0x90000046  }
0x29: {  	s29 =	simm.s32 $0x9;
	_ =	strace $0x80000048  }
0x2a: {  	_ =	swait.ge [sflag:s29], $0x1  }
0x2b: {  	[sflag:s29] =	ssyncadd.s32 $0xFFFFFFFF  }
0x2c: {  	_ =	strace $0x90000048  }
0x2d: {  	_ =	sfence  }
0x2e: {  	s30 =	sld [smem:$0x0];
	_ =	sdelay $0x2  }
0x2f: {  	s31 =	sshll.u32 s3, $0xD;
	s3 =	sshrl.u32 s3, $0x2  }
0x30: {  	s2 =	sand.u32 $0x4000, s31;
	s1 =	sadd.s32 s3, s30  }
0x31: {  	s0 =	sor.u32 s2, s0;
	s1 =	sshll.u32 s1, $0x11  }
0x32: {  	s0 =	sor.u32 s1, s0  }
0x33: {  	s0 =	sadd.s32 $0x8F2B, s0  }
0x34: {  	[sflag:s0] =	ssyncadd.remote.s32 $0x1  }
0x35: {  	_ =	sfence.sel $0xFFFF  }
0x36: {  	[dreg:$0x0] =	wrdreg $0xFFFFFFFF;
	(pc) =	sbr.abs _section_cstart, $3  }
0x37: {  	[dreg:$0x1] =	wrdreg $0xFFFFFFFF  }
0x38: {  	_ =	task.clear_ibuf [dreg:s6], $0x2FFFF;
	_ =	strace $0x9FFFFFFF  }
0x39: {  	(tm) =	ssettm $0x7FFFFFFF  }
tec
execute0_lowered:
.L_overlay_start_1:
0x0: {  	(tag) =	ssettag $0x1  }
0x1: {  	s0 =	srdreg.scid  }
0x2: {  	s1 =	stileid.u32;
	s0 =	sshll.u32 s0, $0x4  }
0x3: {  	s28 =	rddreg [dreg:$0x0];
	_ =	strace $0x80000047;
	s0 =	sand.u32 $0x10, s0  }
0x4: {  	s2 =	simm.s32 $0x1;
	s30 =	simm.s32 $0x2;
	s0 =	sor.u32 s1, s0  }
0x5: {  	s15 =	simm.s32 $0x0;
	p0 =	por $0x0, $0x0;
	s3 =	sshll.u32 s0, $0x7  }
0x6: {  	s14 =	simm.s32 $0x0;
	s16 =	simm.s32 $0x0;
	s29 =	ssub.s32 $0xA600, s3  }
0x7: {  	s7 =	simm.s32 $0x0;
	s8 =	simm.s32 $0x0;
	s1 =	sshrl.u32 s29, $0xC  }
0x8: {  	s9 =	simm.s32 $0x0;
	s4 =	sadd.s32 $0xE00, s28;
	s1 =	smul.u32 $0x3, s1  }
.Ltmp0:
0x9: {  	[dreg:$0x3] =	wrdreg s4;
	s0 =	sadd.s32 $0x196C00, s28;
	(pc) =	sbr.rel .LBB1_1-.Ltmp0, $4  }
0xa: {  	s11 =	simm.s32 $0x0;
	s12 =	simm.s32 $0x0;
	[dreg:$0x4] =	wrdreg s0  }
0xb: {  	s13 =	simm.s32 $0x0;
	[dreg:$0x2] =	wrdreg s3;
	s31 =	sadd.s32 $0x3, s1  }
0xc: {  	[sflag:s2] =	ssyncpa.u1 $0x0;
	s6 =	sadd.s32 $0x4, s1;
	[dreg:$0x5] =	wrdreg s31  }
0xd: {  	[sflag:s30] =	ssyncpa.u1 $0x0;
	s10 =	smov.u32 s3;
	[dreg:$0x6] =	wrdreg s6  }
.LBB1_14:
0xe: {  	s9 =	rddreg [dreg:$0x9]  }
0xf: {  	s7 =	rddreg [dreg:$0x7]  }
0x10: {  	s2 =	rddreg [dreg:$0x11]  }
0x11: {  	s8 =	rddreg [dreg:$0x8]  }
0x12: {  	s3 =	rddreg [dreg:$0x13]  }
0x13: {  	s24 =	rddreg [dreg:$0x12]  }
0x14: {  	s27 =	rddreg [dreg:$0x14]  }
0x15: {  	s4 =	rddreg [dreg:$0x4]  }
0x16: {  	s6 =	rddreg [dreg:$0x6]  }
0x17: {  	s10 =	rddreg [dreg:$0xa]  }
0x18: {  	s11 =	rddreg [dreg:$0xb]  }
0x19: {  	s12 =	rddreg [dreg:$0xc]  }
0x1a: {  	s13 =	rddreg [dreg:$0xd]  }
0x1b: {  	s14 =	rddreg [dreg:$0xe]  }
0x1c: {  	s15 =	rddreg [dreg:$0xf]  }
0x1d: {  	s31 =	simm.s32 $0x200;
	s16 =	rddreg [dreg:$0x10]  }
0x1e: {  	p1 =	sgt.s32 s9, $0x3;
	s0 =	smov.u32 s9;
	p2 =	sgt.s32 s7, $0xA584  }
0x1f: {  	s1 =	smov.u32 s7;
	s26 =	sshll.u32 s9, $0x4;
	s28 =	sshll.u32 s7, $0x6  }
0x20: {  	s29 =	sshrl.u32 s8, $0x3;
	s0 =	simm.s32 @!p1 $0x3;
	s1 =	simm.s32 @!p2 $0xA584  }
0x21: {  	p1 =	sgt.s32 s8, $0x0;
	s0 =	sadd.s32 s2, s0;
	s2 =	smov.u32 s8  }
0x22: {  	s1 =	sadd.s32 s3, s1;
	s3 =	smul.u32 $0x4080, s27;
	s2 =	simm.s32 @!p1 $0x0  }
0x23: {  	s23 =	sadd.s32 $0xFFFFFFFD, s0;
	s0 =	ssub.s32 $0x4, s0;
	s2 =	sadd.s32 s2, s24  }
0x24: {  	p1 =	sgt.s32 s23, $0x0;
	p2 =	sgt.s32 s2, $0x7F;
	s2 =	ssub.s32 $0x80, s2  }
0x25: {  	s25 =	sadd.s32 $0xFFFF5A7C, s1;
	s0 =	simm.s32 @p1 $0x0;
	s2 =	simm.s32 @p2 $0x0  }
0x26: {  	s1 =	ssub.s32 $0xA604, s1;
	p1 =	sgt.s32 s25, $0x7F;
	s0 =	smul.u32 s0, s2  }
0x27: {  	s30 =	sand.u32 $0x7, s8;
	s1 =	simm.s32 @p1 $0x0;
	s2 =	sand.u32 $0x30, s26  }
0x28: {  	s3 =	sor.u32 $0x8000, s3;
	s2 =	sadd.s32 s4, s2;
	s0 =	smul.u32 s1, s0  }
0x29: {  	s4 =	sand.u32 $0xF, s29;
	s1 =	sadd.s32 s28, s2;
	s2 =	sshll.u32 s30, $0x12  }
0x2a: {  	s1 =	sadd.s32 s4, s1;
	s2 =	sor.u32 $0x80, s2;
	s0 =	sand.u32 $0x3FFFFFFF, s0  }
0x2b: {  	[hbm4b:s1+s2] =	stream.strided.scatter [tilespmem:s3], [sflag:$0x2], s0, s31, s2, $0x20;
	[tilespmem:$0x10100] =	vst v63  }
.LBB1_15:
0x2c: {  	p1 =	slt.u32 s13, $0x2  }
0x2d: {  	s0 =	smov.u32 s16;
	p2 =	sgt.s32 @!p1 s16, $0x3  }
0x2e: {  	s4 =	smov.u32 s11;
	s1 =	sshra.s32 @!p1 s16, $0x1F;
	p2 =	por !p2, p1  }
0x2f: {  	s2 =	sshra.s32 @!p1 s15, $0x1F;
	s1 =	sand.u32 @!p1 s1, s16;
	s0 =	simm.s32 @p2 $0x3  }
0x30: {  	s2 =	sand.u32 @!p1 s2, s15;
	p2 =	sgt.s32 @!p1 s15, $0xA584;
	s0 =	ssub.s32 @!p1 s0, s1  }
0x31: {  	p2 =	por !p2, p1;
	s1 =	smov.u32 s15;
	s3 =	sadd.s32 @!p1 $0xFFFFFFFD, s0  }
0x32: {  	s1 =	simm.s32 @p2 $0xA584;
	p2 =	sgt.s32 @!p1 s3, $0x0;
	s3 =	ssub.s32 @!p1 $0x0, s14  }
0x33: {  	s0 =	ssub.s32 @!p1 $0x4, s0;
	p2 =	por !p2, p1;
	s3 =	smin.u32 @!p1 s14, s3  }
0x34: {  	s1 =	ssub.s32 @!p1 s1, s2;
	s0 =	simm.s32 @!p2 $0x0;
	p2 =	sgt.s32 @!p1 s3, $0x7F  }
0x35: {  	s2 =	sadd.s32 @!p1 $0xFFFF5A7C, s1;
	s3 =	ssub.s32 @!p1 $0x80, s3;
	p2 =	por !p2, p1  }
0x36: {  	s1 =	ssub.s32 @!p1 $0xA604, s1;
	s3 =	simm.s32 @!p2 $0x0;
	p2 =	sgt.s32 @!p1 s2, $0x7F  }
0x37: {  	s2 =	sadd.s32 $0x1000, s10;
	p2 =	por !p2, p1;
	s0 =	smul.u32 @!p1 s0, s3  }
0x38: {  	s3 =	sadd.s32 $0x80, s11;
	s1 =	simm.s32 @!p2 $0x0;
	p2 =	sgt.s32 s2, $0xA603  }
0x39: {  	s0 =	smul.u32 @!p1 s1, s0;
	s4 =	smov.u32 @p2 s3;
	s1 =	rddreg [dreg:$0x2]  }
0x3a: {  	s2 =	smov.u32 @p2 s1;
	p2 =	sgt.s32 s4, $0x63;
	s1 =	simm.s32 $0x1  }
0x3b: {  	s1 =	simm.s32 @!p2 $0x0  }
0x3c: {  	p0 =	por !p0, !p0;
	s1 =	sadd.s32 s1, s12  }
0x3d: {  	s16 =	smov.u32 s9;
	s4 =	simm.s32 @p2 $0x0;
	p2 =	sgt.s32 s1, $0x2  }
0x3e: {  	s9 =	smov.u32 s12;
	s1 =	simm.s32 @p2 $0x0;
	p2 =	sne.s32 s13, s6  }
.Ltmp1:
0x3f: {  	s15 =	smov.u32 s7;
	s7 =	smov.u32 s10;
	(pc) =	sbr.rel @!p2 .LBB1_16-.Ltmp1, $4  }
0x40: {  	s14 =	smov.u32 s8;
	s3 =	simm.s32 @!p1 $0x2;
	s0 =	sand.u32 @!p1 $0x3FFFFFFF, s0  }
0x41: {  	s8 =	smov.u32 s11;
	s10 =	smov.u32 s2;
	_ =	swait.ge @!p1 [sflag:s3], s0  }
0x42: {  	s0 =	ssub.s32 @!p1 $0x0, s0;
	s11 =	smov.u32 s4;
	[sflag:s3] =	ssyncset.done @!p1 $0x0  }
0x43: {  	s13 =	sadd.s32 $0x1, s13;
	[sflag:s3] =	ssyncadd.s32 @!p1 s0;
	s12 =	smov.u32 s1  }
.LBB1_1:
0x44: {  	s0 =	rddreg [dreg:$0x5]  }
0x45: {  	p1 =	sge.u32 s13, s0  }
0x46: {  	s4 =	smov.u32 s11;
	s0 =	sshrl.u32 @!p1 s11, $0x3  }
0x47: {  	s1 =	sshll.u32 @!p1 s10, $0x3;
	s2 =	sshll.u32 @!p1 s11, $0x7;
	p2 =	sgt.s32 @!p1 s12, $0x2  }
0x48: {  	s3 =	sshra.s32 @!p1 s12, $0x1F;
	s5 =	sshra.s32 @!p1 s11, $0x1F;
	s0 =	smul.u32 @!p1 $0x53400, s0  }
0x49: {  	s1 =	sand.u32 @!p1 $0xFFFFFC00, s1;
	p2 =	por !p2, p1;
	s3 =	sand.u32 @!p1 s3, s12  }
0x4a: {  	s0 =	sadd.s32 @!p1 s0, s1;
	s1 =	sand.u32 @!p1 $0x380, s2;
	s2 =	smov.u32 s12  }
0x4b: {  	s0 =	sor.u32 @!p1 s1, s0;
	s2 =	simm.s32 @p2 $0x2;
	p2 =	sgt.s32 @!p1 s11, $0xFFFFFFE8  }
0x4c: {  	s1 =	sshrl.u32 @!p1 s0, $0x7;
	p2 =	por !p2, p1;
	s2 =	ssub.s32 @!p1 s2, s3  }
0x4d: {  	s3 =	sand.u32 @!p1 s5, s11;
	s4 =	simm.s32 @p2 $0xFFFFFFE8;
	s5 =	sadd.s32 @!p1 $0xFFFFFFFE, s2  }
0x4e: {  	p2 =	sgt.s32 @!p1 s10, $0xA600;
	s3 =	ssub.s32 @!p1 s4, s3;
	p3 =	sgt.s32 @!p1 s5, $0x0  }
0x4f: {  	p2 =	por !p2, p1;
	s5 =	smov.u32 s10;
	s4 =	sadd.s32 @!p1 $0x18, s3  }
0x50: {  	s5 =	simm.s32 @p2 $0xA600;
	p2 =	sgt.s32 @!p1 s4, $0x7F;
	s4 =	sshra.s32 @!p1 s10, $0x1F  }
0x51: {  	s2 =	ssub.s32 @!p1 $0x3, s2;
	s1 =	smulhi.u32 @!p1 $0xC4CE08, s1;
	s4 =	sand.u32 @!p1 s4, s10  }
0x52: {  	p3 =	por !p3, p1;
	s3 =	ssub.s32 @!p1 $0x68, s3;
	s4 =	ssub.s32 @!p1 s5, s4  }
0x53: {  	s2 =	simm.s32 @!p3 $0x0;
	p2 =	por !p2, p1;
	s5 =	sadd.s32 @!p1 $0xFFFF5A00, s4  }
0x54: {  	s3 =	simm.s32 @!p2 $0x0;
	p2 =	sgt.s32 @!p1 s5, $0x7F;
	s5 =	smulhi.u32 @!p1 $0x2762763, s1  }
0x55: {  	s2 =	smul.u32 @!p1 s2, s3;
	s3 =	ssub.s32 @!p1 $0xA680, s4;
	p2 =	por !p2, p1  }
0x56: {  	s4 =	smul.u32 @!p1 $0x68, s5;
	s3 =	simm.s32 @!p2 $0x0  }
0x57: {  	s5 =	sand.u32 @!p1 $0x7F, s10;
	s2 =	smul.u32 @!p1 s3, s2;
	s3 =	sxor.u32 @!p1 $0xFFFFFFFF, s13  }
0x58: {  	s0 =	sor.u32 @!p1 s5, s0;
	s5 =	smul.u32 @!p1 $0xA680, s1;
	s3 =	sshll.u32 @!p1 s3, $0xE  }
0x59: {  	s1 =	ssub.s32 @!p1 s1, s4;
	s4 =	smul.u32 @!p1 $0x87480, s12;
	s3 =	sand.u32 @!p1 $0x4000, s3  }
0x5a: {  	s0 =	ssub.s32 @!p1 s0, s5;
	s1 =	smul.u32 @!p1 $0x14D0, s1;
	s5 =	rddreg [dreg:$0x3]  }
0x5b: {  	s2 =	sand.u32 @!p1 $0x3FFFFFFF, s2;
	s4 =	sadd.s32 @!p1 s5, s4;
	s5 =	sand.u32 @!p1 $0x7, s0  }
0x5c: {  	s0 =	sshrl.u32 @!p1 s0, $0x3;
	s1 =	sadd.s32 @!p1 s1, s4;
	s4 =	sshll.u32 @!p1 s5, $0x12  }
0x5d: {  	s0 =	sadd.s32 @!p1 s0, s1;
	s1 =	sor.u32 @!p1 $0x400, s4;
	s4 =	simm.s32 @!p1 $0x53400  }
0x5e: {  	[tilespmem:s3], [sflag:$0x1] =	stream.strided.gather @!p1 [hbm4b:s0+s1], s2, s4, s1, $0x38;
	[tilespmem:$0x10100] =	vst v63  }
0x5f: {  	p1 =	seq.s32 s13, $0x0  }
0x60: {  	p2 =	sge.u32 @!p1 s13, s6  }
0x61: {  	p1 =	por p1, p2  }
.Ltmp2:
0x62: {  	_ = 	snop;
	(pc) =	sbr.rel @p1 .LBB1_15-.Ltmp2, $1  }
0x63: {  	_ =	sdelay $0x3  }
0x64: {  	[dreg:$0x10] =	wrdreg s16  }
0x65: {  	[dreg:$0xf] =	wrdreg s15  }
0x66: {  	[dreg:$0xe] =	wrdreg s14  }
0x67: {  	s0 =	ssub.s32 $0x0, s9;
	s1 =	sshra.s32 s9, $0x1F;
	p1 =	sgt.s32 s9, $0x2  }
0x68: {  	s2 =	smov.u32 s9;
	s23 =	ssub.s32 $0x0, s8;
	s24 =	sshra.s32 s8, $0x1F  }
0x69: {  	s3 =	smov.u32 s8;
	s27 =	ssub.s32 $0x0, s7;
	s28 =	sshra.s32 s7, $0x1F  }
0x6a: {  	s4 =	sand.u32 s0, s1;
	s2 =	simm.s32 @!p1 $0x2;
	p1 =	sgt.s32 s8, $0xFFFFFFE8  }
0x6b: {  	s1 =	sand.u32 s23, s24;
	s0 =	sand.u32 s27, s28;
	s2 =	sadd.s32 s4, s2  }
0x6c: {  	s3 =	simm.s32 @!p1 $0xFFFFFFE8;
	[dreg:$0x12] =	wrdreg s1;
	p1 =	sgt.s32 s7, $0xA600  }
0x6d: {  	[dreg:$0x13] =	wrdreg s0;
	s25 =	sadd.s32 $0xFFFFFFFE, s2;
	s1 =	sadd.s32 s1, s3  }
0x6e: {  	s3 =	smov.u32 s7;
	s2 =	ssub.s32 $0x3, s2;
	p2 =	sgt.s32 s25, $0x0  }
0x6f: {  	s26 =	sadd.s32 $0x18, s1;
	s3 =	simm.s32 @!p1 $0xA600;
	s1 =	ssub.s32 $0x68, s1  }
0x70: {  	p1 =	sgt.s32 s26, $0x7F;
	s2 =	simm.s32 @p2 $0x0;
	s0 =	sadd.s32 s0, s3  }
0x71: {  	s1 =	simm.s32 @p1 $0x0;
	s29 =	sadd.s32 $0xFFFF5A00, s0;
	s0 =	ssub.s32 $0xA680, s0  }
0x72: {  	s1 =	smul.u32 s2, s1;
	p1 =	sgt.s32 s29, $0x7F;
	s2 =	sadd.s32 $0x1, s9  }
0x73: {  	s3 =	sadd.s32 $0x80, s8;
	s0 =	simm.s32 @p1 $0x0;
	p1 =	slt.s32 s2, $0x3  }
0x74: {  	[dreg:$0xc] =	wrdreg s12;
	s2 =	simm.s32 @!p1 $0x3;
	p1 =	slt.s32 s3, $0x64  }
0x75: {  	[dreg:$0xb] =	wrdreg s11;
	s23 =	ssub.s32 s2, s9;
	s3 =	simm.s32 @!p1 $0x64  }
0x76: {  	[dreg:$0xa] =	wrdreg s10;
	s24 =	ssub.s32 s3, s8;
	p1 =	slt.s32 s23, $0x1  }
0x77: {  	[dreg:$0x7] =	wrdreg s7;
	p2 =	slt.s32 @!p1 s24, $0x1  }
0x78: {  	[dreg:$0x9] =	wrdreg s9;
	s0 =	smul.u32 s0, s1;
	p2 =	por p1, p2  }
.Ltmp3:
0x79: {  	[dreg:$0x8] =	wrdreg s8;
	(pc) =	sbr.rel @p2 .LBB1_14-.Ltmp3, $4  }
0x7a: {  	s30 =	simm.s32 $0x1;
	[dreg:$0x11] =	wrdreg s4;
	s0 =	sand.u32 $0x3FFFFFFF, s0  }
0x7b: {  	s31 =	sand.u32 $0x1, s13;
	_ =	swait.ge [sflag:s30], s0  }
0x7c: {  	s0 =	ssub.s32 $0x0, s0;
	[dreg:$0xd] =	wrdreg s13;
	[sflag:s30] =	ssyncset.done $0x0  }
0x7d: {  	[dreg:$0x14] =	wrdreg s31;
	[sflag:s30] =	ssyncadd.s32 s0  }
0x7e: {  	s2 =	rddreg [dreg:$0x7]  }
0x7f: {  	s0 =	sadd.s32 $0x80, s2  }
0x80: {  	p2 =	slt.s32 s0, $0xA604  }
0x81: {  	s0 =	simm.s32 @!p2 $0xA604  }
0x82: {  	s1 =	simm.s32 $0x1;
	s0 =	ssub.s32 s0, s2  }
0x83: {  	s1 =	simm.s32 @!p0 $0x0;
	s0 =	sadd.s32 $0xF, s0  }
0x84: {  	s1 =	smul.u32 $0x10200, s1;
	s22 =	sshrl.u32 s0, $0x8  }
0x85: {  	s3 =	smul.u32 $0x20400, s22  }
.Ltmp4:
0x86: {  	s31 =	simm.s32 $0x0;
	s4 =	sshrl.u32 s1, $0x2;
	(pc) =	sbr.rel .LBB1_4-.Ltmp4, $4  }
0x87: {  	s28 =	sor.u32 $0x8000, s4;
	s25 =	sand.u32 $0xFFFFFFF0, s0;
	s26 =	sand.u32 @!p1 $0xFFFFFF00, s0  }
0x88: {  	s30 =	sshll.u32 s22, $0xB;
	s1 =	sadd.s32 s1, s3;
	s3 =	rddreg [dreg:$0x14]  }
0x89: {  	p2 =	sge.s32 s26, s25;
	s27 =	sshll.u32 @!p1 s3, $0xE;
	s1 =	sshra.s32 s1, $0x2  }
0x8a: {  	p1 =	slt.s32 s0, $0x100;
	s29 =	sadd.s32 $0x8000, s1;
	s1 =	simm.s32 $0x0  }
.LBB1_13:
0x8b: {  	s1 =	sadd.s32 $0x1, s1  }
0x8c: {  	p3 =	sne.s32 s1, s23  }
.Ltmp5:
0x8d: {  	_ = 	snop;
	(pc) =	sbr.rel @!p3 .LBB1_14-.Ltmp5, $2  }
0x8e: {  	_ =	sdelay $0x2  }
0x8f: {  	s31 =	sadd.s32 $0x1, s31  }
.LBB1_4:
.Ltmp6:
0x90: {  	s0 =	sand.u32 $0x3, s31;
	(pc) =	sbr.rel .LBB1_5-.Ltmp6, $4  }
0x91: {  	s2 =	sshll.u32 s1, $0x10;
	s0 =	smul.u32 $0x204, s0  }
0x92: {  	s4 =	simm.s32 $0x0;
	s2 =	sshra.s32 s2, $0x2  }
0x93: {  	s6 =	simm.s32 $0x0;
	s3 =	sshrl.u32 s0, $0x2;
	s0 =	sadd.s32 s2, s27  }
0x94: {  	s8 =	sadd.s32 s3, s28;
	s5 =	sadd.s32 s3, s29;
	s3 =	simm.s32 $0x0  }
.LBB1_12:
0x95: {  	s6 =	sadd.s32 $0x1, s6  }
0x96: {  	p3 =	sne.s32 s6, s24  }
.Ltmp7:
0x97: {  	_ = 	snop;
	(pc) =	sbr.rel @!p3 .LBB1_13-.Ltmp7, $2  }
0x98: {  	_ =	sdelay $0x2  }
0x99: {  	s4 =	sadd.s32 $0x1, s4;
	s3 =	sadd.s32 $0x80, s3  }
.LBB1_5:
.Ltmp8:
0x9a: {  	(pc) =	sbr.rel @p1 .LBB1_9-.Ltmp8, $2  }
0x9b: {  	_ =	sdelay $0x2  }
0x9c: {  	s7 =	sand.u32 $0x7F, s4;
	s2 =	sshll.u32 s6, $0x7  }
0x9d: {  	s16 =	sand.u32 $0x380, s2  }
0x9e: {  	s17 =	sadd.s32 s16, s0  }
0x9f: {  	s15 =	simm.s32 $0x480;
	s18 =	simm.s32 $0x700;
	s19 =	simm.s32 $0x500;
	v0 =	vmov s17  }
0xa0: {  	s20 =	simm.s32 $0x580;
	s21 =	simm.s32 $0x600;
	s9 =	simm.s32 $0x680  }
0xa1: {  	s14 =	sadd.s32 $0x780, s3;
	p3 =	sgt.s32 s26, $0x100;
	s18 =	sand.u32 $0x3C00, s18  }
0xa2: {  	s16 =	simm.s32 $0x780;
	s18 =	sadd.s32 s2, s18;
	s17 =	sand.u32 $0x3C00, s15  }
0xa3: {  	s19 =	sand.u32 $0x3C00, s19;
	s18 =	sand.u32 $0x3C00, s18;
	s17 =	sadd.s32 s2, s17  }
0xa4: {  	s20 =	sand.u32 $0x3C00, s20;
	s19 =	sadd.s32 s2, s19;
	s17 =	sand.u32 $0x3C00, s17;
	v3 =	vld.idx.msk [tilespmem:v0+s18+$0x60 ss:$0x1], $0xffff  }
0xa5: {  	s9 =	sand.u32 $0x3C00, s9;
	s20 =	sadd.s32 s2, s20;
	s11 =	sand.u32 $0x3C00, s19;
	v7 =	vld.idx.msk [tilespmem:v0+s17+$0x10 ss:$0x1], $0xffff  }
0xa6: {  	s10 =	sand.u32 $0x3C00, s21;
	s9 =	sadd.s32 s2, s9;
	s13 =	sand.u32 $0x3C00, s20;
	v1 =	vld.idx.msk [tilespmem:v0+s11+$0x20 ss:$0x1], $0xffff  }
.Ltmp9:
0xa7: {  	s12 =	sadd.s32 s2, s10;
	s9 =	sand.u32 $0x3C00, s9;
	v6 =	vld.idx.msk [tilespmem:v0+s13+$0x30 ss:$0x1], $0xffff;
	(pc) =	sbr.rel @!p3 .LBB1_8-.Ltmp9, $4  }
0xa8: {  	s15 =	sadd.s32 $0xFFFFF880, s14;
	s16 =	sand.u32 $0x3C00, s16;
	s18 =	sand.u32 $0x3C00, s12;
	v2 =	vld.idx.msk [tilespmem:v0+s9+$0x50 ss:$0x1], $0xffff  }
0xa9: {  	s22 =	sadd.s32 s7, s8;
	s21 =	sand.u32 $0x3C00, s15;
	s16 =	sadd.s32 s2, s16;
	v4 =	vld.idx.msk [tilespmem:v0+s18+$0x40 ss:$0x1], $0xffff  }
0xaa: {  	s20 =	simm.s32 $0x100;
	s19 =	sadd.s32 $0xFFFFFC80, s14;
	s16 =	sand.u32 $0x3C00, s16;
	v5 =	vld.idx.msk [tilespmem:v0+s21+$0x10 ss:$0x1], $0xffff;
	[tilespmem:s22+$0x70E0 ss:$0x81] =	vst.msk $0xffff, v3  }
0xab: {  	s17 =	simm.s32 $0xF80;
	s18 =	sand.u32 $0x3C00, s19;
	s19 =	smov.u32 s22;
	v3 =	vld.idx.msk [tilespmem:v0+s21+$0x0 ss:$0x1], $0xffff;
	[tilespmem:s22+$0x4890 ss:$0x81] =	vst.msk $0xffff, v7  }
.LBB1_7:
0xac: {  	s9 =	sadd.s32 $0xFFFFFD00, s17;
	s11 =	sadd.s32 $0xFFFFFF80, s17;
	s20 =	sadd.s32 $0x100, s20;
	v7 =	vld.idx.msk [tilespmem:v0+s21+$0x20 ss:$0x1], $0xffff;
	[tilespmem:s22+$0x50A0 ss:$0x81] =	vst.msk $0xffff, v1  }
0xad: {  	s14 =	sadd.s32 $0xFFFFFD80, s17;
	s11 =	sand.u32 $0x3C00, s11;
	p3 =	slt.s32 s20, s26;
	v1 =	vld.idx.msk [tilespmem:v0+s21+$0x30 ss:$0x1], $0xffff;
	[tilespmem:s22+$0x58B0 ss:$0x81] =	vst.msk $0xffff, v6  }
0xae: {  	s10 =	sadd.s32 $0xFFFFFE00, s17;
	s15 =	sadd.s32 $0xFFFFFE80, s17;
	s11 =	sadd.s32 s2, s11;
	v6 =	vld.idx.msk [tilespmem:v0+s21+$0x40 ss:$0x1], $0xffff;
	[tilespmem:s22+$0x60C0 ss:$0x81] =	vst.msk $0xffff, v4  }
0xaf: {  	s12 =	sadd.s32 $0xFFFFFF00, s17;
	s9 =	sand.u32 $0x3C00, s9;
	s11 =	sand.u32 $0x3C00, s11;
	v4 =	vld.idx.msk [tilespmem:v0+s21+$0x50 ss:$0x1], $0xffff;
	[tilespmem:s22+$0x68D0 ss:$0x81] =	vst.msk $0xffff, v2  }
0xb0: {  	s14 =	sand.u32 $0x3C00, s14;
	s10 =	sand.u32 $0x3C00, s10;
	s15 =	sand.u32 $0x3C00, s15;
	v2 =	vld.idx.msk [tilespmem:v0+s11+$0x60 ss:$0x1], $0xffff;
	[tilespmem:s22+$0x0 ss:$0x81] =	vst.msk $0xffff, v3  }
0xb1: {  	s13 =	sand.u32 $0x3C00, s17;
	s12 =	sand.u32 $0x3C00, s12;
	s11 =	sadd.s32 s17, s3;
	[tilespmem:s22+$0x810 ss:$0x81] =	vst.msk $0xffff, v5;
	v3 =	vld.idx.msk [tilespmem:v0+s21+$0x60 ss:$0x1], $0xffff  }
0xb2: {  	s9 =	sadd.s32 s2, s9;
	s14 =	sadd.s32 s2, s14;
	s10 =	sadd.s32 s2, s10;
	[tilespmem:s22+$0x1020 ss:$0x81] =	vst.msk $0xffff, v7;
	v5 =	vld.idx.msk [tilespmem:v0+s21+$0x70 ss:$0x1], $0xffff  }
0xb3: {  	s15 =	sadd.s32 s2, s15;
	s12 =	sadd.s32 s2, s12;
	s21 =	sadd.s32 $0xFFFFF880, s11;
	[tilespmem:s22+$0x1830 ss:$0x81] =	vst.msk $0xffff, v1;
	v7 =	vld.idx.msk [tilespmem:v0+s18+$0x0 ss:$0x1], $0xffff  }
0xb4: {  	s13 =	sadd.s32 s2, s13;
	s9 =	sand.u32 $0x3C00, s9;
	s11 =	sadd.s32 $0xFFFFFC80, s11;
	[tilespmem:s22+$0x2040 ss:$0x81] =	vst.msk $0xffff, v6;
	v8 =	vld.idx.msk [tilespmem:v0+s16+$0x70 ss:$0x1], $0xffff  }
0xb5: {  	s10 =	sand.u32 $0x3C00, s10;
	s22 =	sadd.s32 $0x8100, s22;
	v9 =	vld.idx.msk [tilespmem:v0+s9+$0x10 ss:$0x1], $0xffff;
	s9 =	sand.u32 $0x3C00, s14;
	[tilespmem:s19+$0x2850 ss:$0x81] =	vst.msk $0xffff, v4  }
0xb6: {  	s12 =	sand.u32 $0x3C00, s12;
	s21 =	sand.u32 $0x3C00, s21;
	v1 =	vld.idx.msk [tilespmem:v0+s9+$0x20 ss:$0x1], $0xffff;
	s9 =	sand.u32 $0x3C00, s15;
	[tilespmem:s22+$0x70E0 ss:$0x81] =	vst.msk $0xffff, v2  }
.Ltmp10:
0xb7: {  	s18 =	sand.u32 $0x3C00, s11;
	s16 =	sand.u32 $0x3C00, s13;
	v6 =	vld.idx.msk [tilespmem:v0+s10+$0x30 ss:$0x1], $0xffff;
	[tilespmem:s19+$0x3060 ss:$0x81] =	vst.msk $0xffff, v3;
	(pc) =	sbr.rel @p3 .LBB1_7-.Ltmp10, $4  }
0xb8: {  	v4 =	vld.idx.msk [tilespmem:v0+s9+$0x40 ss:$0x1], $0xffff;
	[tilespmem:s19+$0x3870 ss:$0x81] =	vst.msk $0xffff, v5  }
0xb9: {  	v2 =	vld.idx.msk [tilespmem:v0+s12+$0x50 ss:$0x1], $0xffff;
	[tilespmem:s19+$0x4080 ss:$0x81] =	vst.msk $0xffff, v7  }
0xba: {  	v3 =	vld.idx.msk [tilespmem:v0+s21+$0x0 ss:$0x1], $0xffff;
	[tilespmem:s19+$0x78F0 ss:$0x81] =	vst.msk $0xffff, v8;
	s19 =	smov.u32 s22  }
0xbb: {  	s17 =	sadd.s32 $0x800, s17;
	v5 =	vld.idx.msk [tilespmem:v0+s21+$0x10 ss:$0x1], $0xffff;
	[tilespmem:s22+$0x4890 ss:$0x81] =	vst.msk $0xffff, v9  }
.LBB1_8:
0xbc: {  	_ =	sdelay $0x2  }
0xbd: {  	[tilespmem:s22+$0x50A0 ss:$0x81] =	vst.msk $0xffff, v1  }
0xbe: {  	v56 =	vld.idx.msk [tilespmem:v0+s21+$0x20 ss:$0x1], $0xffff;
	[tilespmem:s22+$0x58B0 ss:$0x81] =	vst.msk $0xffff, v6  }
0xbf: {  	v57 =	vld.idx.msk [tilespmem:v0+s21+$0x30 ss:$0x1], $0xffff;
	[tilespmem:s22+$0x60C0 ss:$0x81] =	vst.msk $0xffff, v4  }
0xc0: {  	v58 =	vld.idx.msk [tilespmem:v0+s21+$0x40 ss:$0x1], $0xffff;
	[tilespmem:s22+$0x68D0 ss:$0x81] =	vst.msk $0xffff, v2  }
0xc1: {  	v59 =	vld.idx.msk [tilespmem:v0+s21+$0x50 ss:$0x1], $0xffff;
	[tilespmem:s22+$0x0 ss:$0x81] =	vst.msk $0xffff, v3  }
0xc2: {  	v60 =	vld.idx.msk [tilespmem:v0+s21+$0x60 ss:$0x1], $0xffff;
	[tilespmem:s22+$0x810 ss:$0x81] =	vst.msk $0xffff, v5  }
0xc3: {  	v61 =	vld.idx.msk [tilespmem:v0+s21+$0x70 ss:$0x1], $0xffff;
	[tilespmem:s22+$0x1020 ss:$0x81] =	vst.msk $0xffff, v56  }
0xc4: {  	v62 =	vld.idx.msk [tilespmem:v0+s18+$0x0 ss:$0x1], $0xffff;
	[tilespmem:s22+$0x1830 ss:$0x81] =	vst.msk $0xffff, v57  }
0xc5: {  	v63 =	vld.idx.msk [tilespmem:v0+s16+$0x70 ss:$0x1], $0xffff;
	[tilespmem:s22+$0x2040 ss:$0x81] =	vst.msk $0xffff, v58  }
0xc6: {  	[tilespmem:s19+$0x2850 ss:$0x81] =	vst.msk $0xffff, v59  }
0xc7: {  	[tilespmem:s19+$0x3060 ss:$0x81] =	vst.msk $0xffff, v60  }
0xc8: {  	[tilespmem:s19+$0x3870 ss:$0x81] =	vst.msk $0xffff, v61  }
0xc9: {  	[tilespmem:s19+$0x4080 ss:$0x81] =	vst.msk $0xffff, v62  }
0xca: {  	[tilespmem:s19+$0x78F0 ss:$0x81] =	vst.msk $0xffff, v63  }
.LBB1_9:
.Ltmp11:
0xcb: {  	(pc) =	sbr.rel @p2 .LBB1_12-.Ltmp11, $1  }
0xcc: {  	_ =	sdelay $0x3  }
0xcd: {  	s16 =	sand.u32 $0x380, s2;
	s7 =	sadd.s32 s7, s5  }
0xce: {  	s17 =	smov.u32 s30;
	s18 =	smov.u32 s26;
	s16 =	sadd.s32 s16, s0  }
.LBB1_11:
0xcf: {  	s9 =	sand.u32 $0x3C00, s17  }
0xd0: {  	s9 =	sadd.s32 s2, s9  }
0xd1: {  	s9 =	sand.u32 $0x3C00, s9  }
0xd2: {  	s10 =	sand.u32 $0x70, s18;
	s9 =	sadd.s32 s9, s16  }
0xd3: {  	s18 =	sadd.s32 $0x10, s18;
	s9 =	sadd.s32 s10, s9  }
0xd4: {  	p3 =	slt.s32 s18, s25;
	v0 =	vld [tilespmem:s9+$0x0]  }
.Ltmp12:
0xd5: {  	_ = 	snop;
	(pc) =	sbr.rel @p3 .LBB1_11-.Ltmp12, $2  }
0xd6: {  	_ =	sdelay $0x2  }
0xd7: {  	s17 =	sadd.s32 $0x80, s17;
	[tilespmem:s7+$0x0 ss:$0x81] =	vst.msk $0xffff, v0;
	s7 =	sadd.s32 $0x810, s7  }
.Ltmp13:
0xd8: {  	_ = 	snop;
	(pc) =	sbr.rel .LBB1_12-.Ltmp13, $1  }
0xd9: {  	_ =	sdelay $0x3  }
.LBB1_16:
0xda: {  	_ =	sfence.sel $0x180000  }
0xdb: {  	s0 =	simm.s32 $0x1;
	[bflag:$0x0] =	sbarrier.arrive $0xFFFF  }
0xdc: {  	s30 =	simm.s32 $0x2;
	[sflag:s0] =	ssyncpa.u1 $0x1  }
0xdd: {  	[sflag:s30] =	ssyncpa.u1 $0x1  }
0xde: {  	_ =	strace $0x90000047  }
0xdf: {  	s31 =	stileid.u32;
	[bflag:$0x2] =	sbarrier.arrive $0xFFFF  }
0xe0: {  	p0 =	sne.s32 s31, $0x0;
	s0 =	rddreg [dreg:$0x1]  }
0xe1: {  	s0 =	sadd.s32 @!p0 $0x100000, s0  }
0xe2: {  	[sflag:s0] =	ssyncadd.tile.s32 @!p0 $0x1;
	_ =	shalt  }
.Lfunc_end1:
_tile_overlayer_lowered:
.L_overlay_start_2:
0xe3: {  	(tag) =	ssettag $0x2  }
0xe4: {  	s0 =	rddreg [dreg:$0x0];
	s2 =	stileid.u32  }
0xe5: {  	s1 =	rddreg [dreg:$0x1];
	p0 =	sne.s32 s2, $0x0  }
0xe6: {  	s3 =	rddreg [dreg:$0x2];
	[bflag:$0x3] =	sbarrier.arrive $0xFFFF;
	s2 =	simm.s32 @!p0 $0x1C01  }
0xe7: {  	[timem:s3], [sflag:s2] =	dma.local @!p0 [hbm:s0], s1  }
0xe8: {  	s0 =	simm.s32 @!p0 $0x1  }
0xe9: {  	_ =	swait.ge @!p0 [sflag:s0], s1  }
0xea: {  	s1 =	ssub.s32 @!p0 $0x0, s1;
	[sflag:s0] =	ssyncset.done @!p0 $0x0  }
0xeb: {  	[sflag:s0] =	ssyncadd.s32 @!p0 s1  }
0xec: {  	[bflag:$0x3] =	sbarrier.arrive $0xFFFF  }
0xed: {  	_ =	shalt  }

</sc_bundles>
